<compile_context>
chip_gen: v7x
topology: tpu7x:2x2x1
jax: 0.10.2.dev20260603
libtpu: 0.0.44.dev20260713+nightly
codegen_flags: <defaults>
</compile_context>

<pallas_src>
import jax
import jax.numpy as jnp
from jax import lax
from jax.experimental import pallas as pl
from jax.experimental.pallas import tpu as pltpu
from jax.experimental.pallas import tpu_sc as plsc

N_NODES = 50000
IN_CH = 256
NUM_G = 512
LANES = 16
BLK = 80
NBLK = N_NODES // BLK
NWORK = 32
STEPS = -(-NBLK // NWORK)
NJ = IN_CH // LANES
NQ = BLK // LANES

_DNUMS = lax.GatherDimensionNumbers(
    offset_dims=(), collapsed_slice_dims=(0,), start_index_map=(0,))


def _xlane(v, idx):
    return lax.gather(v, idx[:, None], _DNUMS, (1,),
                      mode=lax.GatherScatterMode.PROMISE_IN_BOUNDS)


def _sc_pool_body(x_hbm, batch_hbm, wg_hbm, out_hbm, gout_hbm,
                  wv, idxv, xblk, sblk, estage, gsum, zbuf, acc,
                  lsems, ssems):
    c = lax.axis_index("c")
    s = lax.axis_index("s")
    w = s * 2 + c

    pltpu.sync_copy(wg_hbm, wv)
    wr = [wv[pl.ds(LANES * j, LANES)] for j in range(NJ)]
    lane = lax.iota(jnp.int32, LANES)
    perms = [lane ^ m for m in (8, 4, 2, 1)]
    zeroi = jnp.zeros((LANES,), jnp.int32)
    zero = jnp.zeros((LANES,), jnp.float32)

    def zrow(r, carry):
        for j in range(NJ):
            zbuf[r, pl.ds(LANES * j, LANES)] = zero
        return carry

    lax.fori_loop(0, LANES, zrow, 0)
    for q in range(NUM_G // LANES):
        gsum[pl.ds(LANES * q, LANES)] = zero
    pltpu.sync_copy(zbuf, acc.at[pl.ds(s * 32, 16)])
    pltpu.sync_copy(zbuf, acc.at[pl.ds(s * 32 + 16, 16)])
    plsc.subcore_barrier()

    def blk_of(k):
        return k * NWORK + w

    def parity(k):
        return lax.rem(k, 2), lax.rem(k, 4)

    def load_start(k):
        (buf, slot), b = parity(k), blk_of(k)
        pltpu.async_copy(batch_hbm.at[pl.ds(b * BLK, BLK)], idxv.at[slot],
                         lsems.at[buf])
        pltpu.async_copy(x_hbm.at[pl.ds(b * BLK, BLK)], xblk.at[buf],
                         lsems.at[buf])

    def load_wait(k):
        (buf, slot), b = parity(k), blk_of(k)
        pltpu.make_async_copy(batch_hbm.at[pl.ds(b * BLK, BLK)],
                              idxv.at[slot], lsems.at[buf]).wait()
        pltpu.make_async_copy(x_hbm.at[pl.ds(b * BLK, BLK)],
                              xblk.at[buf], lsems.at[buf]).wait()

    def scatter_start(k):
        buf, slot = parity(k)
        pltpu.async_copy(sblk.at[buf], acc.at[idxv.at[slot]], ssems.at[buf],
                         add=True)

    def scatter_wait(k):
        buf, slot = parity(k)
        pltpu.make_async_copy(sblk.at[buf], acc.at[idxv.at[slot]],
                              ssems.at[buf]).wait()

    def compute(k):
        buf, slot = parity(k)

        def row4(i, carry):
            rows = [i * 4 + u for u in range(4)]
            xrs = [[xblk[buf, r, pl.ds(LANES * j, LANES)] for j in range(NJ)]
                   for r in rows]
            tots = []
            for xr in xrs:
                dot = xr[0] * wr[0]
                for j in range(1, NJ):
                    dot = dot + xr[j] * wr[j]
                tots.append(dot)
            for p in perms:
                tots = [t + _xlane(t, p) for t in tots]
            evs = [jnp.exp(t) for t in tots]
            for r, xr, ev in zip(rows, xrs, evs):
                for j in range(NJ):
                    sblk[buf, r, pl.ds(LANES * j, LANES)] = xr[j] * ev
                estage[r, pl.ds(0, LANES)] = ev
            return carry

        lax.fori_loop(0, BLK // 4, row4, 0)

        for q in range(NQ):
            eq = plsc.load_gather(estage, [lane + (LANES * q), zeroi])
            idxr = idxv[slot, pl.ds(LANES * q, LANES)]
            plsc.addupdate_scatter(gsum, [idxr], eq)

    nb = (NBLK - w + NWORK - 1) // NWORK

    load_start(0)

    def step_body(k, carry):
        pl.when(blk_of(k + 1) < NBLK)(lambda: load_start(k + 1))
        pl.when(jnp.logical_and(k >= 2, k - 2 < nb))(
            lambda: scatter_wait(k - 2))

        @pl.when(blk_of(k) < NBLK)
        def _():
            load_wait(k)
            compute(k)
            scatter_start(k)

        return carry

    lax.fori_loop(0, STEPS, step_body, 0)
    pl.when(nb >= STEPS)(lambda: scatter_wait(nb - 2))
    pl.when(nb >= STEPS - 1)(lambda: scatter_wait(nb - 1))

    plsc.subcore_barrier()
    pltpu.sync_copy(acc.at[pl.ds(s * 32, 32)], out_hbm.at[c, pl.ds(s * 32, 32)])
    pltpu.sync_copy(gsum, gout_hbm.at[c, s])


def _finish_body(p_ref, g_ref, w_ref, b_ref, o_ref):
    a = p_ref[0] + p_ref[1]
    gs = jnp.sum(g_ref[...], axis=(0, 1))
    gsc = jnp.transpose(gs.reshape(1, NUM_G))
    nonempty = gsc > 0.0
    inv = jnp.where(nonempty, 1.0 / jnp.where(nonempty, gsc, 1.0), 0.0)
    pooled = a * inv
    out = jnp.dot(pooled, w_ref[...], preferred_element_type=jnp.float32)
    o_ref[...] = out + jnp.where(nonempty, b_ref[...], 0.0)


def kernel(x, batch, W_gate, b_gate, W_nn, b_nn):
    del b_gate
    batch32 = batch.astype(jnp.int32)
    wg = W_gate.reshape(IN_CH)

    mesh = plsc.VectorSubcoreMesh(core_axis_name="c", subcore_axis_name="s")
    sc_pool = pl.kernel(
        _sc_pool_body,
        mesh=mesh,
        compiler_params=pltpu.CompilerParams(
            needs_layout_passes=False, use_tc_tiling_on_sc=False),
        out_type=(
            jax.ShapeDtypeStruct((2, NUM_G, IN_CH), jnp.float32),
            jax.ShapeDtypeStruct((2, LANES, NUM_G), jnp.float32),
        ),
        scratch_types=[
            pltpu.VMEM((IN_CH,), jnp.float32),
            pltpu.VMEM((4, BLK), jnp.int32),
            pltpu.VMEM((2, BLK, IN_CH), jnp.float32),
            pltpu.VMEM((2, BLK, IN_CH), jnp.float32),
            pltpu.VMEM((BLK, LANES), jnp.float32),
            pltpu.VMEM((NUM_G,), jnp.float32),
            pltpu.VMEM((LANES, IN_CH), jnp.float32),
            pltpu.VMEM_SHARED((NUM_G, IN_CH), jnp.float32),
            pltpu.SemaphoreType.DMA((2,)),
            pltpu.SemaphoreType.DMA((2,)),
        ],
    )
    partials, gparts = sc_pool(x, batch32, wg)

    out = pl.pallas_call(
        _finish_body,
        out_shape=jax.ShapeDtypeStruct((NUM_G, 2 * IN_CH), jnp.float32),
    )(partials, gparts, W_nn, b_nn.reshape(1, 2 * IN_CH))
    return out

# --- scband reference (transcript-rebuilt; emitter-appended) ---
"""Pipeline reference for scband-global-lapool-16784732193371 (READ-ONLY COPY).

The authoritative reference and input builder live on the scoring server;
editing this copy changes nothing except your own understanding.
"""

import jax, jax.numpy as jnp
import numpy as np

N_NODES = 50000
IN_CH = 256
NUM_GRAPHS = 512


def setup_inputs(seed: int = 0) -> dict:
    key = jax.random.key(seed)
    k1, k2, k3, k4, k5, k6 = jax.random.split(key, 6)
    x = jax.random.normal(k1, (N_NODES, IN_CH), dtype=jnp.float32)
    batch = jnp.sort(jax.random.randint(k2, (N_NODES,), 0, NUM_GRAPHS, dtype=jnp.int64))
    # gate_nn: Linear(in_channels, 1)
    bound_g = 1.0 / np.sqrt(IN_CH)
    W_gate = jax.random.uniform(k3, (IN_CH, 1), dtype=jnp.float32, minval=-bound_g, maxval=bound_g)
    b_gate = jax.random.uniform(k4, (1,), dtype=jnp.float32, minval=-bound_g, maxval=bound_g)
    # nn: Linear(in_channels, 2*in_channels)
    W_nn = jax.random.uniform(k5, (IN_CH, 2 * IN_CH), dtype=jnp.float32, minval=-bound_g, maxval=bound_g)
    b_nn = jax.random.uniform(k6, (2 * IN_CH,), dtype=jnp.float32, minval=-bound_g, maxval=bound_g)
    return {"x": x, "batch": batch, "W_gate": W_gate, "b_gate": b_gate, "W_nn": W_nn, "b_nn": b_nn}


def reference(x, batch, W_gate, b_gate, W_nn, b_nn):
    # GlobalAttention: gate = gate_nn(x) [N,1]; h = nn(x) [N, 2*in]
    gate = x @ W_gate + b_gate              # [N, 1]
    h = x @ W_nn + b_nn                     # [N, 2*IN_CH]
    batch32 = batch.astype(jnp.int32)
    # segment softmax over gate (numerically stabilized, as in PyG softmax)
    gmax = jax.ops.segment_max(gate, batch32, num_segments=NUM_GRAPHS)   # [G, 1]
    gate = jnp.exp(gate - gmax[batch32])                                 # [N, 1]
    gsum = jax.ops.segment_sum(gate, batch32, num_segments=NUM_GRAPHS)   # [G, 1]
    gate = gate / (gsum[batch32] + 1e-16)
    # weighted segment sum
    out = jax.ops.segment_sum(gate * h, batch32, num_segments=NUM_GRAPHS)  # [G, 2*IN_CH]
    return out

if __name__ == "__main__":
    import jax
    _d = setup_inputs()
    print(jax.jit(kernel)(*tuple(_d.values())))

</pallas_src>

<mosaic_0001>
#map = affine_map<(d0, d1) -> (0, 0)>
#map1 = affine_map<(d0, d1) -> (0)>
#map2 = affine_map<(d0, d1) -> (0, 0, 0)>
module attributes {stable_mosaic.version = 14 : i64} {
  func.func @_sc_pool_body(%arg0: i32, %arg1: i32, %arg2: memref<50000x256xf32, #tpu.memory_space<hbm>>, %arg3: memref<50000xi32, #tpu.memory_space<hbm>>, %arg4: memref<256xf32, #tpu.memory_space<hbm>>, %arg5: memref<2x512x256xf32, #tpu.memory_space<hbm>>, %arg6: memref<2x16x512xf32, #tpu.memory_space<hbm>>, %arg7: memref<256xf32, #tpu.memory_space<vmem>>, %arg8: memref<4x80xi32, #tpu.memory_space<vmem>>, %arg9: memref<2x80x256xf32, #tpu.memory_space<vmem>>, %arg10: memref<2x80x256xf32, #tpu.memory_space<vmem>>, %arg11: memref<80x16xf32, #tpu.memory_space<vmem>>, %arg12: memref<512xf32, #tpu.memory_space<vmem>>, %arg13: memref<16x256xf32, #tpu.memory_space<vmem>>, %arg14: memref<512x256xf32, #tpu.memory_space<vmem_shared>>, %arg15: memref<2x!tpu.dma_semaphore, #tpu.memory_space<semaphore_mem>>, %arg16: memref<2x!tpu.dma_semaphore, #tpu.memory_space<semaphore_mem>>) attributes {dimension_semantics = [#tpu.dimension_semantics<core_parallel>, #tpu.dimension_semantics<subcore_parallel>], iteration_bounds = array<i64: 2, 16>, scalar_prefetch = 0 : i64, scratch_operands = 10 : i64, tpu.core_type = #tpu.core_type<sc_vector_subcore>, window_params = [{transform_indices = #map}, {transform_indices = #map1}, {transform_indices = #map1}, {transform_indices = #map2}, {transform_indices = #map2}]} {
    %mul3A = arith.constant 2 : i32
    %mul3A_0 = arith.muli %arg1, %mul3A : i32
    %add3A = arith.addi %mul3A_0, %arg0 : i32
    "tpu.region"() ({
      %run_scoped3A = tpu.sem_alloc : memref<!tpu.dma_semaphore, #tpu.memory_space<semaphore_mem>>
      tpu.enqueue_dma source(%arg4 : memref<256xf32, #tpu.memory_space<hbm>>) target(%arg7 : memref<256xf32, #tpu.memory_space<vmem>>) target_semaphore(%run_scoped3A : memref<!tpu.dma_semaphore, #tpu.memory_space<semaphore_mem>>)
      tpu.wait_dma2 semaphore(%run_scoped3A : memref<!tpu.dma_semaphore, #tpu.memory_space<semaphore_mem>>) src(%arg4 : memref<256xf32, #tpu.memory_space<hbm>>) dst(%arg7 : memref<256xf32, #tpu.memory_space<vmem>>)
      tpu.yield
    }) : () -> ()
    %get3A = arith.constant 0 : index
    %get3A_1 = tpu.vector_load %arg7[%get3A] {strides = array<i32>} : memref<256xf32, #tpu.memory_space<vmem>>, vector<16xf32>,
    %get3A_2 = arith.constant 16 : index
    %get3A_3 = tpu.vector_load %arg7[%get3A_2] {strides = array<i32>} : memref<256xf32, #tpu.memory_space<vmem>>, vector<16xf32>,
    %get3A_4 = arith.constant 32 : index
    %get3A_5 = tpu.vector_load %arg7[%get3A_4] {strides = array<i32>} : memref<256xf32, #tpu.memory_space<vmem>>, vector<16xf32>,
    %get3A_6 = arith.constant 48 : index
    %get3A_7 = tpu.vector_load %arg7[%get3A_6] {strides = array<i32>} : memref<256xf32, #tpu.memory_space<vmem>>, vector<16xf32>,
    %get3A_8 = arith.constant 64 : index
    %get3A_9 = tpu.vector_load %arg7[%get3A_8] {strides = array<i32>} : memref<256xf32, #tpu.memory_space<vmem>>, vector<16xf32>,
    %get3A_10 = arith.constant 80 : index
    %get3A_11 = tpu.vector_load %arg7[%get3A_10] {strides = array<i32>} : memref<256xf32, #tpu.memory_space<vmem>>, vector<16xf32>,
    %get3A_12 = arith.constant 96 : index
    %get3A_13 = tpu.vector_load %arg7[%get3A_12] {strides = array<i32>} : memref<256xf32, #tpu.memory_space<vmem>>, vector<16xf32>,
    %get3A_14 = arith.constant 112 : index
    %get3A_15 = tpu.vector_load %arg7[%get3A_14] {strides = array<i32>} : memref<256xf32, #tpu.memory_space<vmem>>, vector<16xf32>,
    %get3A_16 = arith.constant 128 : index
    %get3A_17 = tpu.vector_load %arg7[%get3A_16] {strides = array<i32>} : memref<256xf32, #tpu.memory_space<vmem>>, vector<16xf32>,
    %get3A_18 = arith.constant 144 : index
    %get3A_19 = tpu.vector_load %arg7[%get3A_18] {strides = array<i32>} : memref<256xf32, #tpu.memory_space<vmem>>, vector<16xf32>,
    %get3A_20 = arith.constant 160 : index
    %get3A_21 = tpu.vector_load %arg7[%get3A_20] {strides = array<i32>} : memref<256xf32, #tpu.memory_space<vmem>>, vector<16xf32>,
    %get3A_22 = arith.constant 176 : index
    %get3A_23 = tpu.vector_load %arg7[%get3A_22] {strides = array<i32>} : memref<256xf32, #tpu.memory_space<vmem>>, vector<16xf32>,
    %get3A_24 = arith.constant 192 : index
    %get3A_25 = tpu.vector_load %arg7[%get3A_24] {strides = array<i32>} : memref<256xf32, #tpu.memory_space<vmem>>, vector<16xf32>,
    %get3A_26 = arith.constant 208 : index
    %get3A_27 = tpu.vector_load %arg7[%get3A_26] {strides = array<i32>} : memref<256xf32, #tpu.memory_space<vmem>>, vector<16xf32>,
    %get3A_28 = arith.constant 224 : index
    %get3A_29 = tpu.vector_load %arg7[%get3A_28] {strides = array<i32>} : memref<256xf32, #tpu.memory_space<vmem>>, vector<16xf32>,
    %get3A_30 = arith.constant 240 : index
    %get3A_31 = tpu.vector_load %arg7[%get3A_30] {strides = array<i32>} : memref<256xf32, #tpu.memory_space<vmem>>, vector<16xf32>,
    %iota3A = tpu.iota {dimensions = array<i32: 0>} : vector<16xi32>
    %xor3A = arith.constant 8 : i32
    %xor3A_32 = vector.broadcast %xor3A : i32 to vector<16xi32>
    %xor3A_33 = arith.xori %iota3A, %xor3A_32 : vector<16xi32>
    %xor3A_34 = arith.constant 4 : i32
    %xor3A_35 = vector.broadcast %xor3A_34 : i32 to vector<16xi32>
    %xor3A_36 = arith.xori %iota3A, %xor3A_35 : vector<16xi32>
    %xor3A_37 = arith.constant 2 : i32
    %xor3A_38 = vector.broadcast %xor3A_37 : i32 to vector<16xi32>
    %xor3A_39 = arith.xori %iota3A, %xor3A_38 : vector<16xi32>
    %xor3A_40 = arith.constant 1 : i32
    %xor3A_41 = vector.broadcast %xor3A_40 : i32 to vector<16xi32>
    %xor3A_42 = arith.xori %iota3A, %xor3A_41 : vector<16xi32>
    %broadcast_in_dim3A = arith.constant 0 : i32
    %broadcast_in_dim3A_43 = vector.broadcast %broadcast_in_dim3A : i32 to vector<16xi32>
    %broadcast_in_dim3A_44 = arith.constant 0.000000e+00 : f32
    %broadcast_in_dim3A_45 = vector.broadcast %broadcast_in_dim3A_44 : f32 to vector<16xf32>
    %scan3A = arith.constant 0 : i32
    %scan3A_46 = arith.constant 0 : i32
    %scan3A_47 = arith.constant 16 : i32
    %scan3A_48 = arith.addi %scan3A_46, %scan3A_47 : i32
    %scan3A_49 = arith.constant 1 : i32
    scf.for %scan3A_195 = %scan3A_46 to %scan3A_48 step %scan3A_49  : i32 {
      %swap3A_196 = arith.index_cast %scan3A_195 : i32 to index
      %swap3A_197 = arith.constant 0 : index
      %swap3A_198 = tpu.vector_load %arg13[%swap3A_196, %swap3A_197] {strides = array<i32>} : memref<16x256xf32, #tpu.memory_space<vmem>>, vector<16xf32>,
      tpu.vector_store %arg13[%swap3A_196, %swap3A_197], %broadcast_in_dim3A_45 {strides = array<i32>} : memref<16x256xf32, #tpu.memory_space<vmem>>, vector<16xf32>,
      %swap3A_199 = arith.index_cast %scan3A_195 : i32 to index
      %swap3A_200 = arith.constant 16 : index
      %swap3A_201 = tpu.vector_load %arg13[%swap3A_199, %swap3A_200] {strides = array<i32>} : memref<16x256xf32, #tpu.memory_space<vmem>>, vector<16xf32>,
      tpu.vector_store %arg13[%swap3A_199, %swap3A_200], %broadcast_in_dim3A_45 {strides = array<i32>} : memref<16x256xf32, #tpu.memory_space<vmem>>, vector<16xf32>,
      %swap3A_202 = arith.index_cast %scan3A_195 : i32 to index
      %swap3A_203 = arith.constant 32 : index
      %swap3A_204 = tpu.vector_load %arg13[%swap3A_202, %swap3A_203] {strides = array<i32>} : memref<16x256xf32, #tpu.memory_space<vmem>>, vector<16xf32>,
      tpu.vector_store %arg13[%swap3A_202, %swap3A_203], %broadcast_in_dim3A_45 {strides = array<i32>} : memref<16x256xf32, #tpu.memory_space<vmem>>, vector<16xf32>,
      %swap3A_205 = arith.index_cast %scan3A_195 : i32 to index
      %swap3A_206 = arith.constant 48 : index
      %swap3A_207 = tpu.vector_load %arg13[%swap3A_205, %swap3A_206] {strides = array<i32>} : memref<16x256xf32, #tpu.memory_space<vmem>>, vector<16xf32>,
      tpu.vector_store %arg13[%swap3A_205, %swap3A_206], %broadcast_in_dim3A_45 {strides = array<i32>} : memref<16x256xf32, #tpu.memory_space<vmem>>, vector<16xf32>,
      %swap3A_208 = arith.index_cast %scan3A_195 : i32 to index
      %swap3A_209 = arith.constant 64 : index
      %swap3A_210 = tpu.vector_load %arg13[%swap3A_208, %swap3A_209] {strides = array<i32>} : memref<16x256xf32, #tpu.memory_space<vmem>>, vector<16xf32>,
      tpu.vector_store %arg13[%swap3A_208, %swap3A_209], %broadcast_in_dim3A_45 {strides = array<i32>} : memref<16x256xf32, #tpu.memory_space<vmem>>, vector<16xf32>,
      %swap3A_211 = arith.index_cast %scan3A_195 : i32 to index
      %swap3A_212 = arith.constant 80 : index
      %swap3A_213 = tpu.vector_load %arg13[%swap3A_211, %swap3A_212] {strides = array<i32>} : memref<16x256xf32, #tpu.memory_space<vmem>>, vector<16xf32>,
      tpu.vector_store %arg13[%swap3A_211, %swap3A_212], %broadcast_in_dim3A_45 {strides = array<i32>} : memref<16x256xf32, #tpu.memory_space<vmem>>, vector<16xf32>,
      %swap3A_214 = arith.index_cast %scan3A_195 : i32 to index
      %swap3A_215 = arith.constant 96 : index
      %swap3A_216 = tpu.vector_load %arg13[%swap3A_214, %swap3A_215] {strides = array<i32>} : memref<16x256xf32, #tpu.memory_space<vmem>>, vector<16xf32>,
      tpu.vector_store %arg13[%swap3A_214, %swap3A_215], %broadcast_in_dim3A_45 {strides = array<i32>} : memref<16x256xf32, #tpu.memory_space<vmem>>, vector<16xf32>,
      %swap3A_217 = arith.index_cast %scan3A_195 : i32 to index
      %swap3A_218 = arith.constant 112 : index
      %swap3A_219 = tpu.vector_load %arg13[%swap3A_217, %swap3A_218] {strides = array<i32>} : memref<16x256xf32, #tpu.memory_space<vmem>>, vector<16xf32>,
      tpu.vector_store %arg13[%swap3A_217, %swap3A_218], %broadcast_in_dim3A_45 {strides = array<i32>} : memref<16x256xf32, #tpu.memory_space<vmem>>, vector<16xf32>,
      %swap3A_220 = arith.index_cast %scan3A_195 : i32 to index
      %swap3A_221 = arith.constant 128 : index
      %swap3A_222 = tpu.vector_load %arg13[%swap3A_220, %swap3A_221] {strides = array<i32>} : memref<16x256xf32, #tpu.memory_space<vmem>>, vector<16xf32>,
      tpu.vector_store %arg13[%swap3A_220, %swap3A_221], %broadcast_in_dim3A_45 {strides = array<i32>} : memref<16x256xf32, #tpu.memory_space<vmem>>, vector<16xf32>,
      %swap3A_223 = arith.index_cast %scan3A_195 : i32 to index
      %swap3A_224 = arith.constant 144 : index
      %swap3A_225 = tpu.vector_load %arg13[%swap3A_223, %swap3A_224] {strides = array<i32>} : memref<16x256xf32, #tpu.memory_space<vmem>>, vector<16xf32>,
      tpu.vector_store %arg13[%swap3A_223, %swap3A_224], %broadcast_in_dim3A_45 {strides = array<i32>} : memref<16x256xf32, #tpu.memory_space<vmem>>, vector<16xf32>,
      %swap3A_226 = arith.index_cast %scan3A_195 : i32 to index
      %swap3A_227 = arith.constant 160 : index
      %swap3A_228 = tpu.vector_load %arg13[%swap3A_226, %swap3A_227] {strides = array<i32>} : memref<16x256xf32, #tpu.memory_space<vmem>>, vector<16xf32>,
      tpu.vector_store %arg13[%swap3A_226, %swap3A_227], %broadcast_in_dim3A_45 {strides = array<i32>} : memref<16x256xf32, #tpu.memory_space<vmem>>, vector<16xf32>,
      %swap3A_229 = arith.index_cast %scan3A_195 : i32 to index
      %swap3A_230 = arith.constant 176 : index
      %swap3A_231 = tpu.vector_load %arg13[%swap3A_229, %swap3A_230] {strides = array<i32>} : memref<16x256xf32, #tpu.memory_space<vmem>>, vector<16xf32>,
      tpu.vector_store %arg13[%swap3A_229, %swap3A_230], %broadcast_in_dim3A_45 {strides = array<i32>} : memref<16x256xf32, #tpu.memory_space<vmem>>, vector<16xf32>,
      %swap3A_232 = arith.index_cast %scan3A_195 : i32 to index
      %swap3A_233 = arith.constant 192 : index
      %swap3A_234 = tpu.vector_load %arg13[%swap3A_232, %swap3A_233] {strides = array<i32>} : memref<16x256xf32, #tpu.memory_space<vmem>>, vector<16xf32>,
      tpu.vector_store %arg13[%swap3A_232, %swap3A_233], %broadcast_in_dim3A_45 {strides = array<i32>} : memref<16x256xf32, #tpu.memory_space<vmem>>, vector<16xf32>,
      %swap3A_235 = arith.index_cast %scan3A_195 : i32 to index
      %swap3A_236 = arith.constant 208 : index
      %swap3A_237 = tpu.vector_load %arg13[%swap3A_235, %swap3A_236] {strides = array<i32>} : memref<16x256xf32, #tpu.memory_space<vmem>>, vector<16xf32>,
      tpu.vector_store %arg13[%swap3A_235, %swap3A_236], %broadcast_in_dim3A_45 {strides = array<i32>} : memref<16x256xf32, #tpu.memory_space<vmem>>, vector<16xf32>,
      %swap3A_238 = arith.index_cast %scan3A_195 : i32 to index
      %swap3A_239 = arith.constant 224 : index
      %swap3A_240 = tpu.vector_load %arg13[%swap3A_238, %swap3A_239] {strides = array<i32>} : memref<16x256xf32, #tpu.memory_space<vmem>>, vector<16xf32>,
      tpu.vector_store %arg13[%swap3A_238, %swap3A_239], %broadcast_in_dim3A_45 {strides = array<i32>} : memref<16x256xf32, #tpu.memory_space<vmem>>, vector<16xf32>,
      %swap3A_241 = arith.index_cast %scan3A_195 : i32 to index
      %swap3A_242 = arith.constant 240 : index
      %swap3A_243 = tpu.vector_load %arg13[%swap3A_241, %swap3A_242] {strides = array<i32>} : memref<16x256xf32, #tpu.memory_space<vmem>>, vector<16xf32>,
      tpu.vector_store %arg13[%swap3A_241, %swap3A_242], %broadcast_in_dim3A_45 {strides = array<i32>} : memref<16x256xf32, #tpu.memory_space<vmem>>, vector<16xf32>,
    }
    %scan3A_50 = arith.constant 16 : i32
    %swap3A = arith.constant 0 : index
    %swap3A_51 = tpu.vector_load %arg12[%swap3A] {strides = array<i32>} : memref<512xf32, #tpu.memory_space<vmem>>, vector<16xf32>,
    tpu.vector_store %arg12[%swap3A], %broadcast_in_dim3A_45 {strides = array<i32>} : memref<512xf32, #tpu.memory_space<vmem>>, vector<16xf32>,
    %swap3A_52 = arith.constant 16 : index
    %swap3A_53 = tpu.vector_load %arg12[%swap3A_52] {strides = array<i32>} : memref<512xf32, #tpu.memory_space<vmem>>, vector<16xf32>,
    tpu.vector_store %arg12[%swap3A_52], %broadcast_in_dim3A_45 {strides = array<i32>} : memref<512xf32, #tpu.memory_space<vmem>>, vector<16xf32>,
    %swap3A_54 = arith.constant 32 : index
    %swap3A_55 = tpu.vector_load %arg12[%swap3A_54] {strides = array<i32>} : memref<512xf32, #tpu.memory_space<vmem>>, vector<16xf32>,
    tpu.vector_store %arg12[%swap3A_54], %broadcast_in_dim3A_45 {strides = array<i32>} : memref<512xf32, #tpu.memory_space<vmem>>, vector<16xf32>,
    %swap3A_56 = arith.constant 48 : index
    %swap3A_57 = tpu.vector_load %arg12[%swap3A_56] {strides = array<i32>} : memref<512xf32, #tpu.memory_space<vmem>>, vector<16xf32>,
    tpu.vector_store %arg12[%swap3A_56], %broadcast_in_dim3A_45 {strides = array<i32>} : memref<512xf32, #tpu.memory_space<vmem>>, vector<16xf32>,
    %swap3A_58 = arith.constant 64 : index
    %swap3A_59 = tpu.vector_load %arg12[%swap3A_58] {strides = array<i32>} : memref<512xf32, #tpu.memory_space<vmem>>, vector<16xf32>,
    tpu.vector_store %arg12[%swap3A_58], %broadcast_in_dim3A_45 {strides = array<i32>} : memref<512xf32, #tpu.memory_space<vmem>>, vector<16xf32>,
    %swap3A_60 = arith.constant 80 : index
    %swap3A_61 = tpu.vector_load %arg12[%swap3A_60] {strides = array<i32>} : memref<512xf32, #tpu.memory_space<vmem>>, vector<16xf32>,
    tpu.vector_store %arg12[%swap3A_60], %broadcast_in_dim3A_45 {strides = array<i32>} : memref<512xf32, #tpu.memory_space<vmem>>, vector<16xf32>,
    %swap3A_62 = arith.constant 96 : index
    %swap3A_63 = tpu.vector_load %arg12[%swap3A_62] {strides = array<i32>} : memref<512xf32, #tpu.memory_space<vmem>>, vector<16xf32>,
    tpu.vector_store %arg12[%swap3A_62], %broadcast_in_dim3A_45 {strides = array<i32>} : memref<512xf32, #tpu.memory_space<vmem>>, vector<16xf32>,
    %swap3A_64 = arith.constant 112 : index
    %swap3A_65 = tpu.vector_load %arg12[%swap3A_64] {strides = array<i32>} : memref<512xf32, #tpu.memory_space<vmem>>, vector<16xf32>,
    tpu.vector_store %arg12[%swap3A_64], %broadcast_in_dim3A_45 {strides = array<i32>} : memref<512xf32, #tpu.memory_space<vmem>>, vector<16xf32>,
    %swap3A_66 = arith.constant 128 : index
    %swap3A_67 = tpu.vector_load %arg12[%swap3A_66] {strides = array<i32>} : memref<512xf32, #tpu.memory_space<vmem>>, vector<16xf32>,
    tpu.vector_store %arg12[%swap3A_66], %broadcast_in_dim3A_45 {strides = array<i32>} : memref<512xf32, #tpu.memory_space<vmem>>, vector<16xf32>,
    %swap3A_68 = arith.constant 144 : index
    %swap3A_69 = tpu.vector_load %arg12[%swap3A_68] {strides = array<i32>} : memref<512xf32, #tpu.memory_space<vmem>>, vector<16xf32>,
    tpu.vector_store %arg12[%swap3A_68], %broadcast_in_dim3A_45 {strides = array<i32>} : memref<512xf32, #tpu.memory_space<vmem>>, vector<16xf32>,
    %swap3A_70 = arith.constant 160 : index
    %swap3A_71 = tpu.vector_load %arg12[%swap3A_70] {strides = array<i32>} : memref<512xf32, #tpu.memory_space<vmem>>, vector<16xf32>,
    tpu.vector_store %arg12[%swap3A_70], %broadcast_in_dim3A_45 {strides = array<i32>} : memref<512xf32, #tpu.memory_space<vmem>>, vector<16xf32>,
    %swap3A_72 = arith.constant 176 : index
    %swap3A_73 = tpu.vector_load %arg12[%swap3A_72] {strides = array<i32>} : memref<512xf32, #tpu.memory_space<vmem>>, vector<16xf32>,
    tpu.vector_store %arg12[%swap3A_72], %broadcast_in_dim3A_45 {strides = array<i32>} : memref<512xf32, #tpu.memory_space<vmem>>, vector<16xf32>,
    %swap3A_74 = arith.constant 192 : index
    %swap3A_75 = tpu.vector_load %arg12[%swap3A_74] {strides = array<i32>} : memref<512xf32, #tpu.memory_space<vmem>>, vector<16xf32>,
    tpu.vector_store %arg12[%swap3A_74], %broadcast_in_dim3A_45 {strides = array<i32>} : memref<512xf32, #tpu.memory_space<vmem>>, vector<16xf32>,
    %swap3A_76 = arith.constant 208 : index
    %swap3A_77 = tpu.vector_load %arg12[%swap3A_76] {strides = array<i32>} : memref<512xf32, #tpu.memory_space<vmem>>, vector<16xf32>,
    tpu.vector_store %arg12[%swap3A_76], %broadcast_in_dim3A_45 {strides = array<i32>} : memref<512xf32, #tpu.memory_space<vmem>>, vector<16xf32>,
    %swap3A_78 = arith.constant 224 : index
    %swap3A_79 = tpu.vector_load %arg12[%swap3A_78] {strides = array<i32>} : memref<512xf32, #tpu.memory_space<vmem>>, vector<16xf32>,
    tpu.vector_store %arg12[%swap3A_78], %broadcast_in_dim3A_45 {strides = array<i32>} : memref<512xf32, #tpu.memory_space<vmem>>, vector<16xf32>,
    %swap3A_80 = arith.constant 240 : index
    %swap3A_81 = tpu.vector_load %arg12[%swap3A_80] {strides = array<i32>} : memref<512xf32, #tpu.memory_space<vmem>>, vector<16xf32>,
    tpu.vector_store %arg12[%swap3A_80], %broadcast_in_dim3A_45 {strides = array<i32>} : memref<512xf32, #tpu.memory_space<vmem>>, vector<16xf32>,
    %swap3A_82 = arith.constant 256 : index
    %swap3A_83 = tpu.vector_load %arg12[%swap3A_82] {strides = array<i32>} : memref<512xf32, #tpu.memory_space<vmem>>, vector<16xf32>,
    tpu.vector_store %arg12[%swap3A_82], %broadcast_in_dim3A_45 {strides = array<i32>} : memref<512xf32, #tpu.memory_space<vmem>>, vector<16xf32>,
    %swap3A_84 = arith.constant 272 : index
    %swap3A_85 = tpu.vector_load %arg12[%swap3A_84] {strides = array<i32>} : memref<512xf32, #tpu.memory_space<vmem>>, vector<16xf32>,
    tpu.vector_store %arg12[%swap3A_84], %broadcast_in_dim3A_45 {strides = array<i32>} : memref<512xf32, #tpu.memory_space<vmem>>, vector<16xf32>,
    %swap3A_86 = arith.constant 288 : index
    %swap3A_87 = tpu.vector_load %arg12[%swap3A_86] {strides = array<i32>} : memref<512xf32, #tpu.memory_space<vmem>>, vector<16xf32>,
    tpu.vector_store %arg12[%swap3A_86], %broadcast_in_dim3A_45 {strides = array<i32>} : memref<512xf32, #tpu.memory_space<vmem>>, vector<16xf32>,
    %swap3A_88 = arith.constant 304 : index
    %swap3A_89 = tpu.vector_load %arg12[%swap3A_88] {strides = array<i32>} : memref<512xf32, #tpu.memory_space<vmem>>, vector<16xf32>,
    tpu.vector_store %arg12[%swap3A_88], %broadcast_in_dim3A_45 {strides = array<i32>} : memref<512xf32, #tpu.memory_space<vmem>>, vector<16xf32>,
    %swap3A_90 = arith.constant 320 : index
    %swap3A_91 = tpu.vector_load %arg12[%swap3A_90] {strides = array<i32>} : memref<512xf32, #tpu.memory_space<vmem>>, vector<16xf32>,
    tpu.vector_store %arg12[%swap3A_90], %broadcast_in_dim3A_45 {strides = array<i32>} : memref<512xf32, #tpu.memory_space<vmem>>, vector<16xf32>,
    %swap3A_92 = arith.constant 336 : index
    %swap3A_93 = tpu.vector_load %arg12[%swap3A_92] {strides = array<i32>} : memref<512xf32, #tpu.memory_space<vmem>>, vector<16xf32>,
    tpu.vector_store %arg12[%swap3A_92], %broadcast_in_dim3A_45 {strides = array<i32>} : memref<512xf32, #tpu.memory_space<vmem>>, vector<16xf32>,
    %swap3A_94 = arith.constant 352 : index
    %swap3A_95 = tpu.vector_load %arg12[%swap3A_94] {strides = array<i32>} : memref<512xf32, #tpu.memory_space<vmem>>, vector<16xf32>,
    tpu.vector_store %arg12[%swap3A_94], %broadcast_in_dim3A_45 {strides = array<i32>} : memref<512xf32, #tpu.memory_space<vmem>>, vector<16xf32>,
    %swap3A_96 = arith.constant 368 : index
    %swap3A_97 = tpu.vector_load %arg12[%swap3A_96] {strides = array<i32>} : memref<512xf32, #tpu.memory_space<vmem>>, vector<16xf32>,
    tpu.vector_store %arg12[%swap3A_96], %broadcast_in_dim3A_45 {strides = array<i32>} : memref<512xf32, #tpu.memory_space<vmem>>, vector<16xf32>,
    %swap3A_98 = arith.constant 384 : index
    %swap3A_99 = tpu.vector_load %arg12[%swap3A_98] {strides = array<i32>} : memref<512xf32, #tpu.memory_space<vmem>>, vector<16xf32>,
    tpu.vector_store %arg12[%swap3A_98], %broadcast_in_dim3A_45 {strides = array<i32>} : memref<512xf32, #tpu.memory_space<vmem>>, vector<16xf32>,
    %swap3A_100 = arith.constant 400 : index
    %swap3A_101 = tpu.vector_load %arg12[%swap3A_100] {strides = array<i32>} : memref<512xf32, #tpu.memory_space<vmem>>, vector<16xf32>,
    tpu.vector_store %arg12[%swap3A_100], %broadcast_in_dim3A_45 {strides = array<i32>} : memref<512xf32, #tpu.memory_space<vmem>>, vector<16xf32>,
    %swap3A_102 = arith.constant 416 : index
    %swap3A_103 = tpu.vector_load %arg12[%swap3A_102] {strides = array<i32>} : memref<512xf32, #tpu.memory_space<vmem>>, vector<16xf32>,
    tpu.vector_store %arg12[%swap3A_102], %broadcast_in_dim3A_45 {strides = array<i32>} : memref<512xf32, #tpu.memory_space<vmem>>, vector<16xf32>,
    %swap3A_104 = arith.constant 432 : index
    %swap3A_105 = tpu.vector_load %arg12[%swap3A_104] {strides = array<i32>} : memref<512xf32, #tpu.memory_space<vmem>>, vector<16xf32>,
    tpu.vector_store %arg12[%swap3A_104], %broadcast_in_dim3A_45 {strides = array<i32>} : memref<512xf32, #tpu.memory_space<vmem>>, vector<16xf32>,
    %swap3A_106 = arith.constant 448 : index
    %swap3A_107 = tpu.vector_load %arg12[%swap3A_106] {strides = array<i32>} : memref<512xf32, #tpu.memory_space<vmem>>, vector<16xf32>,
    tpu.vector_store %arg12[%swap3A_106], %broadcast_in_dim3A_45 {strides = array<i32>} : memref<512xf32, #tpu.memory_space<vmem>>, vector<16xf32>,
    %swap3A_108 = arith.constant 464 : index
    %swap3A_109 = tpu.vector_load %arg12[%swap3A_108] {strides = array<i32>} : memref<512xf32, #tpu.memory_space<vmem>>, vector<16xf32>,
    tpu.vector_store %arg12[%swap3A_108], %broadcast_in_dim3A_45 {strides = array<i32>} : memref<512xf32, #tpu.memory_space<vmem>>, vector<16xf32>,
    %swap3A_110 = arith.constant 480 : index
    %swap3A_111 = tpu.vector_load %arg12[%swap3A_110] {strides = array<i32>} : memref<512xf32, #tpu.memory_space<vmem>>, vector<16xf32>,
    tpu.vector_store %arg12[%swap3A_110], %broadcast_in_dim3A_45 {strides = array<i32>} : memref<512xf32, #tpu.memory_space<vmem>>, vector<16xf32>,
    %swap3A_112 = arith.constant 496 : index
    %swap3A_113 = tpu.vector_load %arg12[%swap3A_112] {strides = array<i32>} : memref<512xf32, #tpu.memory_space<vmem>>, vector<16xf32>,
    tpu.vector_store %arg12[%swap3A_112], %broadcast_in_dim3A_45 {strides = array<i32>} : memref<512xf32, #tpu.memory_space<vmem>>, vector<16xf32>,
    %mul3A_114 = arith.constant 32 : i32
    %mul3A_115 = arith.muli %arg1, %mul3A_114 : i32
    "tpu.region"() ({
      %run_scoped3A = tpu.sem_alloc : memref<!tpu.dma_semaphore, #tpu.memory_space<semaphore_mem>>
      %dma_start3A_195 = arith.constant 0 : i32
      %dma_start3A_196 = tpu.memref_slice %arg14[%mul3A_115, %dma_start3A_195] : memref<512x256xf32, #tpu.memory_space<vmem_shared>> -> memref<16x256xf32, #tpu.memory_space<vmem_shared>>
      %dma_start3A_197 = arith.constant 0 : i32
      %dma_start3A_198 = tpu.memref_slice %arg14[%mul3A_115, %dma_start3A_197] : memref<512x256xf32, #tpu.memory_space<vmem_shared>> -> memref<16x256xf32, #tpu.memory_space<vmem_shared>>
      tpu.enqueue_dma source(%arg13 : memref<16x256xf32, #tpu.memory_space<vmem>>) target(%dma_start3A_198 : memref<16x256xf32, #tpu.memory_space<vmem_shared>>) target_semaphore(%run_scoped3A : memref<!tpu.dma_semaphore, #tpu.memory_space<semaphore_mem>>)
      %dma_wait3A = arith.constant 0 : i32
      %dma_wait3A_199 = tpu.memref_slice %arg14[%mul3A_115, %dma_wait3A] : memref<512x256xf32, #tpu.memory_space<vmem_shared>> -> memref<16x256xf32, #tpu.memory_space<vmem_shared>>
      %dma_wait3A_200 = arith.constant 0 : i32
      %dma_wait3A_201 = tpu.memref_slice %arg14[%mul3A_115, %dma_wait3A_200] : memref<512x256xf32, #tpu.memory_space<vmem_shared>> -> memref<16x256xf32, #tpu.memory_space<vmem_shared>>
      tpu.wait_dma2 semaphore(%run_scoped3A : memref<!tpu.dma_semaphore, #tpu.memory_space<semaphore_mem>>) src(%arg13 : memref<16x256xf32, #tpu.memory_space<vmem>>) dst(%dma_wait3A_201 : memref<16x256xf32, #tpu.memory_space<vmem_shared>>)
      tpu.yield
    }) : () -> ()
    %mul3A_116 = arith.constant 32 : i32
    %mul3A_117 = arith.muli %arg1, %mul3A_116 : i32
    %add3A_118 = arith.constant 16 : i32
    %add3A_119 = arith.addi %mul3A_117, %add3A_118 : i32
    "tpu.region"() ({
      %run_scoped3A = tpu.sem_alloc : memref<!tpu.dma_semaphore, #tpu.memory_space<semaphore_mem>>
      %dma_start3A_195 = arith.constant 0 : i32
      %dma_start3A_196 = tpu.memref_slice %arg14[%add3A_119, %dma_start3A_195] : memref<512x256xf32, #tpu.memory_space<vmem_shared>> -> memref<16x256xf32, #tpu.memory_space<vmem_shared>>
      %dma_start3A_197 = arith.constant 0 : i32
      %dma_start3A_198 = tpu.memref_slice %arg14[%add3A_119, %dma_start3A_197] : memref<512x256xf32, #tpu.memory_space<vmem_shared>> -> memref<16x256xf32, #tpu.memory_space<vmem_shared>>
      tpu.enqueue_dma source(%arg13 : memref<16x256xf32, #tpu.memory_space<vmem>>) target(%dma_start3A_198 : memref<16x256xf32, #tpu.memory_space<vmem_shared>>) target_semaphore(%run_scoped3A : memref<!tpu.dma_semaphore, #tpu.memory_space<semaphore_mem>>)
      %dma_wait3A = arith.constant 0 : i32
      %dma_wait3A_199 = tpu.memref_slice %arg14[%add3A_119, %dma_wait3A] : memref<512x256xf32, #tpu.memory_space<vmem_shared>> -> memref<16x256xf32, #tpu.memory_space<vmem_shared>>
      %dma_wait3A_200 = arith.constant 0 : i32
      %dma_wait3A_201 = tpu.memref_slice %arg14[%add3A_119, %dma_wait3A_200] : memref<512x256xf32, #tpu.memory_space<vmem_shared>> -> memref<16x256xf32, #tpu.memory_space<vmem_shared>>
      tpu.wait_dma2 semaphore(%run_scoped3A : memref<!tpu.dma_semaphore, #tpu.memory_space<semaphore_mem>>) src(%arg13 : memref<16x256xf32, #tpu.memory_space<vmem>>) dst(%dma_wait3A_201 : memref<16x256xf32, #tpu.memory_space<vmem_shared>>)
      tpu.yield
    }) : () -> ()
    %barrier3A = arith.constant 0 : index
    tpu.barrier barrier_id(%barrier3A)
    %sub3A = arith.constant 625 : i32
    %sub3A_120 = arith.subi %sub3A, %add3A : i32
    %add3A_121 = arith.constant 32 : i32
    %add3A_122 = arith.addi %sub3A_120, %add3A_121 : i32
    %sub3A_123 = arith.constant 1 : i32
    %sub3A_124 = arith.subi %add3A_122, %sub3A_123 : i32
    %jit3A = arith.constant 32 : i32
    %div3A = arith.divsi %sub3A_124, %jit3A : i32
    %sign3A = arith.constant 0 : i32
    %sign3A_125 = arith.cmpi sgt, %sub3A_124, %sign3A : i32
    %sign3A_126 = arith.extui %sign3A_125 : i1 to i32
    %sign3A_127 = arith.constant 0 : i32
    %sign3A_128 = arith.cmpi slt, %sub3A_124, %sign3A_127 : i32
    %sign3A_129 = arith.extui %sign3A_128 : i1 to i32
    %sign3A_130 = arith.subi %sign3A_126, %sign3A_129 : i32
    %sign3A_131 = arith.constant 0 : i32
    %sign3A_132 = arith.cmpi sgt, %jit3A, %sign3A_131 : i32
    %sign3A_133 = arith.extui %sign3A_132 : i1 to i32
    %sign3A_134 = arith.constant 0 : i32
    %sign3A_135 = arith.cmpi slt, %jit3A, %sign3A_134 : i32
    %sign3A_136 = arith.extui %sign3A_135 : i1 to i32
    %sign3A_137 = arith.subi %sign3A_133, %sign3A_136 : i32
    %ne3A = arith.cmpi ne, %sign3A_130, %sign3A_137 : i32
    %rem3A = arith.remsi %sub3A_124, %jit3A : i32
    %ne3A_138 = arith.constant 0 : i32
    %ne3A_139 = arith.cmpi ne, %rem3A, %ne3A_138 : i32
    %and3A = arith.andi %ne3A, %ne3A_139 : i1
    %sub3A_140 = arith.constant 1 : i32
    %sub3A_141 = arith.subi %div3A, %sub3A_140 : i32
    %select_n3A = arith.select %and3A, %sub3A_141, %div3A : i32
    %rem3A_142 = arith.constant 0 : i32
    %rem3A_143 = arith.constant 2 : i32
    %rem3A_144 = arith.remsi %rem3A_142, %rem3A_143 : i32
    %rem3A_145 = arith.constant 0 : i32
    %rem3A_146 = arith.constant 4 : i32
    %rem3A_147 = arith.remsi %rem3A_145, %rem3A_146 : i32
    %add3A_148 = arith.constant 0 : i32
    %add3A_149 = arith.addi %add3A_148, %add3A : i32
    %mul3A_150 = arith.constant 80 : i32
    %mul3A_151 = arith.muli %add3A_149, %mul3A_150 : i32
    %dma_start3A = arith.constant 0 : i32
    %dma_start3A_152 = tpu.memref_slice %arg8[%rem3A_147, %dma_start3A] : memref<4x80xi32, #tpu.memory_space<vmem>> -> memref<1x80xi32, #tpu.memory_space<vmem>>
    %dma_start3A_153 = tpu.memref_squeeze %dma_start3A_152 : memref<1x80xi32, #tpu.memory_space<vmem>> -> memref<80xi32, #tpu.memory_space<vmem>>
    %dma_start3A_154 = tpu.memref_slice %arg3[%mul3A_151] : memref<50000xi32, #tpu.memory_space<hbm>> -> memref<80xi32, #tpu.memory_space<hbm>>
    %dma_start3A_155 = tpu.memref_slice %arg15[%rem3A_144] : memref<2x!tpu.dma_semaphore, #tpu.memory_space<semaphore_mem>> -> memref<1x!tpu.dma_semaphore, #tpu.memory_space<semaphore_mem>>
    %dma_start3A_156 = tpu.memref_squeeze %dma_start3A_155 : memref<1x!tpu.dma_semaphore, #tpu.memory_space<semaphore_mem>> -> memref<!tpu.dma_semaphore, #tpu.memory_space<semaphore_mem>>
    %dma_start3A_157 = arith.constant 0 : i32
    %dma_start3A_158 = tpu.memref_slice %arg8[%rem3A_147, %dma_start3A_157] : memref<4x80xi32, #tpu.memory_space<vmem>> -> memref<1x80xi32, #tpu.memory_space<vmem>>
    %dma_start3A_159 = tpu.memref_squeeze %dma_start3A_158 : memref<1x80xi32, #tpu.memory_space<vmem>> -> memref<80xi32, #tpu.memory_space<vmem>>
    %dma_start3A_160 = tpu.memref_slice %arg3[%mul3A_151] : memref<50000xi32, #tpu.memory_space<hbm>> -> memref<80xi32, #tpu.memory_space<hbm>>
    tpu.enqueue_dma source(%dma_start3A_160 : memref<80xi32, #tpu.memory_space<hbm>>) target(%dma_start3A_159 : memref<80xi32, #tpu.memory_space<vmem>>) target_semaphore(%dma_start3A_156 : memref<!tpu.dma_semaphore, #tpu.memory_space<semaphore_mem>>)
    %mul3A_161 = arith.constant 80 : i32
    %mul3A_162 = arith.muli %add3A_149, %mul3A_161 : i32
    %dma_start3A_163 = arith.constant 0 : i32
    %dma_start3A_164 = arith.constant 0 : i32
    %dma_start3A_165 = tpu.memref_slice %arg9[%rem3A_144, %dma_start3A_163, %dma_start3A_164] : memref<2x80x256xf32, #tpu.memory_space<vmem>> -> memref<1x80x256xf32, #tpu.memory_space<vmem>>
    %dma_start3A_166 = tpu.memref_squeeze %dma_start3A_165 : memref<1x80x256xf32, #tpu.memory_space<vmem>> -> memref<80x256xf32, #tpu.memory_space<vmem>>
    %dma_start3A_167 = arith.constant 0 : i32
    %dma_start3A_168 = tpu.memref_slice %arg2[%mul3A_162, %dma_start3A_167] : memref<50000x256xf32, #tpu.memory_space<hbm>> -> memref<80x256xf32, #tpu.memory_space<hbm>>
    %dma_start3A_169 = tpu.memref_slice %arg15[%rem3A_144] : memref<2x!tpu.dma_semaphore, #tpu.memory_space<semaphore_mem>> -> memref<1x!tpu.dma_semaphore, #tpu.memory_space<semaphore_mem>>
    %dma_start3A_170 = tpu.memref_squeeze %dma_start3A_169 : memref<1x!tpu.dma_semaphore, #tpu.memory_space<semaphore_mem>> -> memref<!tpu.dma_semaphore, #tpu.memory_space<semaphore_mem>>
    %dma_start3A_171 = arith.constant 0 : i32
    %dma_start3A_172 = arith.constant 0 : i32
    %dma_start3A_173 = tpu.memref_slice %arg9[%rem3A_144, %dma_start3A_171, %dma_start3A_172] : memref<2x80x256xf32, #tpu.memory_space<vmem>> -> memref<1x80x256xf32, #tpu.memory_space<vmem>>
    %dma_start3A_174 = tpu.memref_squeeze %dma_start3A_173 : memref<1x80x256xf32, #tpu.memory_space<vmem>> -> memref<80x256xf32, #tpu.memory_space<vmem>>
    %dma_start3A_175 = arith.constant 0 : i32
    %dma_start3A_176 = tpu.memref_slice %arg2[%mul3A_162, %dma_start3A_175] : memref<50000x256xf32, #tpu.memory_space<hbm>> -> memref<80x256xf32, #tpu.memory_space<hbm>>
    tpu.enqueue_dma source(%dma_start3A_176 : memref<80x256xf32, #tpu.memory_space<hbm>>) target(%dma_start3A_174 : memref<80x256xf32, #tpu.memory_space<vmem>>) target_semaphore(%dma_start3A_170 : memref<!tpu.dma_semaphore, #tpu.memory_space<semaphore_mem>>)
    %scan3A_177 = arith.constant 0 : i32
    %scan3A_178 = arith.constant 0 : i32
    %scan3A_179 = arith.constant 20 : i32
    %scan3A_180 = arith.addi %scan3A_178, %scan3A_179 : i32
    %scan3A_181 = arith.constant 1 : i32
    scf.for %scan3A_195 = %scan3A_178 to %scan3A_180 step %scan3A_181  : i32 {
      %add3A_196 = arith.constant 1 : i32
      %add3A_197 = arith.addi %scan3A_195, %add3A_196 : i32
      %mul3A_198 = arith.constant 32 : i32
      %mul3A_199 = arith.muli %add3A_197, %mul3A_198 : i32
      %add3A_200 = arith.addi %mul3A_199, %add3A : i32
      %lt3A = arith.constant 625 : i32
      %lt3A_201 = arith.cmpi slt, %add3A_200, %lt3A : i32
      %convert_element_type3A_202 = arith.extui %lt3A_201 : i1 to i32
      %cond3A_203 = arith.constant 0 : i32
      %cond3A_204 = arith.cmpi ne, %convert_element_type3A_202, %cond3A_203 : i32
      scf.if %cond3A_204 {
        %add3A_222 = arith.constant 1 : i32
        %add3A_223 = arith.addi %scan3A_195, %add3A_222 : i32
        %rem3A_224 = arith.constant 2 : i32
        %rem3A_225 = arith.remsi %add3A_223, %rem3A_224 : i32
        %rem3A_226 = arith.constant 4 : i32
        %rem3A_227 = arith.remsi %add3A_223, %rem3A_226 : i32
        %mul3A_228 = arith.constant 32 : i32
        %mul3A_229 = arith.muli %add3A_223, %mul3A_228 : i32
        %add3A_230 = arith.addi %mul3A_229, %add3A : i32
        %mul3A_231 = arith.constant 80 : i32
        %mul3A_232 = arith.muli %add3A_230, %mul3A_231 : i32
        %dma_start3A_233 = arith.constant 0 : i32
        %dma_start3A_234 = tpu.memref_slice %arg8[%rem3A_227, %dma_start3A_233] : memref<4x80xi32, #tpu.memory_space<vmem>> -> memref<1x80xi32, #tpu.memory_space<vmem>>
        %dma_start3A_235 = tpu.memref_squeeze %dma_start3A_234 : memref<1x80xi32, #tpu.memory_space<vmem>> -> memref<80xi32, #tpu.memory_space<vmem>>
        %dma_start3A_236 = tpu.memref_slice %arg3[%mul3A_232] : memref<50000xi32, #tpu.memory_space<hbm>> -> memref<80xi32, #tpu.memory_space<hbm>>
        %dma_start3A_237 = tpu.memref_slice %arg15[%rem3A_225] : memref<2x!tpu.dma_semaphore, #tpu.memory_space<semaphore_mem>> -> memref<1x!tpu.dma_semaphore, #tpu.memory_space<semaphore_mem>>
        %dma_start3A_238 = tpu.memref_squeeze %dma_start3A_237 : memref<1x!tpu.dma_semaphore, #tpu.memory_space<semaphore_mem>> -> memref<!tpu.dma_semaphore, #tpu.memory_space<semaphore_mem>>
        %dma_start3A_239 = arith.constant 0 : i32
        %dma_start3A_240 = tpu.memref_slice %arg8[%rem3A_227, %dma_start3A_239] : memref<4x80xi32, #tpu.memory_space<vmem>> -> memref<1x80xi32, #tpu.memory_space<vmem>>
        %dma_start3A_241 = tpu.memref_squeeze %dma_start3A_240 : memref<1x80xi32, #tpu.memory_space<vmem>> -> memref<80xi32, #tpu.memory_space<vmem>>
        %dma_start3A_242 = tpu.memref_slice %arg3[%mul3A_232] : memref<50000xi32, #tpu.memory_space<hbm>> -> memref<80xi32, #tpu.memory_space<hbm>>
        tpu.enqueue_dma source(%dma_start3A_242 : memref<80xi32, #tpu.memory_space<hbm>>) target(%dma_start3A_241 : memref<80xi32, #tpu.memory_space<vmem>>) target_semaphore(%dma_start3A_238 : memref<!tpu.dma_semaphore, #tpu.memory_space<semaphore_mem>>)
        %mul3A_243 = arith.constant 80 : i32
        %mul3A_244 = arith.muli %add3A_230, %mul3A_243 : i32
        %dma_start3A_245 = arith.constant 0 : i32
        %dma_start3A_246 = arith.constant 0 : i32
        %dma_start3A_247 = tpu.memref_slice %arg9[%rem3A_225, %dma_start3A_245, %dma_start3A_246] : memref<2x80x256xf32, #tpu.memory_space<vmem>> -> memref<1x80x256xf32, #tpu.memory_space<vmem>>
        %dma_start3A_248 = tpu.memref_squeeze %dma_start3A_247 : memref<1x80x256xf32, #tpu.memory_space<vmem>> -> memref<80x256xf32, #tpu.memory_space<vmem>>
        %dma_start3A_249 = arith.constant 0 : i32
        %dma_start3A_250 = tpu.memref_slice %arg2[%mul3A_244, %dma_start3A_249] : memref<50000x256xf32, #tpu.memory_space<hbm>> -> memref<80x256xf32, #tpu.memory_space<hbm>>
        %dma_start3A_251 = tpu.memref_slice %arg15[%rem3A_225] : memref<2x!tpu.dma_semaphore, #tpu.memory_space<semaphore_mem>> -> memref<1x!tpu.dma_semaphore, #tpu.memory_space<semaphore_mem>>
        %dma_start3A_252 = tpu.memref_squeeze %dma_start3A_251 : memref<1x!tpu.dma_semaphore, #tpu.memory_space<semaphore_mem>> -> memref<!tpu.dma_semaphore, #tpu.memory_space<semaphore_mem>>
        %dma_start3A_253 = arith.constant 0 : i32
        %dma_start3A_254 = arith.constant 0 : i32
        %dma_start3A_255 = tpu.memref_slice %arg9[%rem3A_225, %dma_start3A_253, %dma_start3A_254] : memref<2x80x256xf32, #tpu.memory_space<vmem>> -> memref<1x80x256xf32, #tpu.memory_space<vmem>>
        %dma_start3A_256 = tpu.memref_squeeze %dma_start3A_255 : memref<1x80x256xf32, #tpu.memory_space<vmem>> -> memref<80x256xf32, #tpu.memory_space<vmem>>
        %dma_start3A_257 = arith.constant 0 : i32
        %dma_start3A_258 = tpu.memref_slice %arg2[%mul3A_244, %dma_start3A_257] : memref<50000x256xf32, #tpu.memory_space<hbm>> -> memref<80x256xf32, #tpu.memory_space<hbm>>
        tpu.enqueue_dma source(%dma_start3A_258 : memref<80x256xf32, #tpu.memory_space<hbm>>) target(%dma_start3A_256 : memref<80x256xf32, #tpu.memory_space<vmem>>) target_semaphore(%dma_start3A_252 : memref<!tpu.dma_semaphore, #tpu.memory_space<semaphore_mem>>)
      } else {
      }
      %ge3A_205 = arith.constant 2 : i32
      %ge3A_206 = arith.cmpi sge, %scan3A_195, %ge3A_205 : i32
      %sub3A_207 = arith.constant 2 : i32
      %sub3A_208 = arith.subi %scan3A_195, %sub3A_207 : i32
      %lt3A_209 = arith.cmpi slt, %sub3A_208, %select_n3A : i32
      %and3A_210 = arith.andi %ge3A_206, %lt3A_209 : i1
      %convert_element_type3A_211 = arith.extui %and3A_210 : i1 to i32
      %cond3A_212 = arith.constant 0 : i32
      %cond3A_213 = arith.cmpi ne, %convert_element_type3A_211, %cond3A_212 : i32
      scf.if %cond3A_213 {
        %sub3A_222 = arith.constant 2 : i32
        %sub3A_223 = arith.subi %scan3A_195, %sub3A_222 : i32
        %rem3A_224 = arith.constant 2 : i32
        %rem3A_225 = arith.remsi %sub3A_223, %rem3A_224 : i32
        %rem3A_226 = arith.constant 4 : i32
        %rem3A_227 = arith.remsi %sub3A_223, %rem3A_226 : i32
        %dma_wait3A = arith.constant 0 : i32
        %dma_wait3A_228 = arith.constant 0 : i32
        %dma_wait3A_229 = tpu.memref_slice %arg10[%rem3A_225, %dma_wait3A, %dma_wait3A_228] : memref<2x80x256xf32, #tpu.memory_space<vmem>> -> memref<1x80x256xf32, #tpu.memory_space<vmem>>
        %dma_wait3A_230 = tpu.memref_squeeze %dma_wait3A_229 : memref<1x80x256xf32, #tpu.memory_space<vmem>> -> memref<80x256xf32, #tpu.memory_space<vmem>>
        %dma_wait3A_231 = arith.constant 0 : i32
        %dma_wait3A_232 = tpu.memref_slice %arg8[%rem3A_227, %dma_wait3A_231] : memref<4x80xi32, #tpu.memory_space<vmem>> -> memref<1x80xi32, #tpu.memory_space<vmem>>
        %dma_wait3A_233 = tpu.memref_squeeze %dma_wait3A_232 : memref<1x80xi32, #tpu.memory_space<vmem>> -> memref<80xi32, #tpu.memory_space<vmem>>
        %dma_wait3A_234 = arith.constant 0 : i32
        %dma_wait3A_235 = arith.constant 0 : i32
        %dma_wait3A_236 = tpu.memref_slice %arg14[%dma_wait3A_234, %dma_wait3A_235] : memref<512x256xf32, #tpu.memory_space<vmem_shared>> -> memref<512x256xf32, #tpu.memory_space<vmem_shared>>
        %dma_wait3A_237 = tpu.memref_slice %arg16[%rem3A_225] : memref<2x!tpu.dma_semaphore, #tpu.memory_space<semaphore_mem>> -> memref<1x!tpu.dma_semaphore, #tpu.memory_space<semaphore_mem>>
        %dma_wait3A_238 = tpu.memref_squeeze %dma_wait3A_237 : memref<1x!tpu.dma_semaphore, #tpu.memory_space<semaphore_mem>> -> memref<!tpu.dma_semaphore, #tpu.memory_space<semaphore_mem>>
        tpu.wait_indirect_dma semaphore(%dma_wait3A_238 : memref<!tpu.dma_semaphore, #tpu.memory_space<semaphore_mem>>) src(%dma_wait3A_230 : memref<80x256xf32, #tpu.memory_space<vmem>>) dst(%dma_wait3A_236 : memref<512x256xf32, #tpu.memory_space<vmem_shared>>)
      } else {
      }
      %mul3A_214 = arith.constant 32 : i32
      %mul3A_215 = arith.muli %scan3A_195, %mul3A_214 : i32
      %add3A_216 = arith.addi %mul3A_215, %add3A : i32
      %lt3A_217 = arith.constant 625 : i32
      %lt3A_218 = arith.cmpi slt, %add3A_216, %lt3A_217 : i32
      %convert_element_type3A_219 = arith.extui %lt3A_218 : i1 to i32
      %cond3A_220 = arith.constant 0 : i32
      %cond3A_221 = arith.cmpi ne, %convert_element_type3A_219, %cond3A_220 : i32
      scf.if %cond3A_221 {
        %rem3A_222 = arith.constant 2 : i32
        %rem3A_223 = arith.remsi %scan3A_195, %rem3A_222 : i32
        %rem3A_224 = arith.constant 4 : i32
        %rem3A_225 = arith.remsi %scan3A_195, %rem3A_224 : i32
        %mul3A_226 = arith.constant 32 : i32
        %mul3A_227 = arith.muli %scan3A_195, %mul3A_226 : i32
        %add3A_228 = arith.addi %mul3A_227, %add3A : i32
        %mul3A_229 = arith.constant 80 : i32
        %mul3A_230 = arith.muli %add3A_228, %mul3A_229 : i32
        %dma_wait3A = arith.constant 0 : i32
        %dma_wait3A_231 = tpu.memref_slice %arg8[%rem3A_225, %dma_wait3A] : memref<4x80xi32, #tpu.memory_space<vmem>> -> memref<1x80xi32, #tpu.memory_space<vmem>>
        %dma_wait3A_232 = tpu.memref_squeeze %dma_wait3A_231 : memref<1x80xi32, #tpu.memory_space<vmem>> -> memref<80xi32, #tpu.memory_space<vmem>>
        %dma_wait3A_233 = tpu.memref_slice %arg3[%mul3A_230] : memref<50000xi32, #tpu.memory_space<hbm>> -> memref<80xi32, #tpu.memory_space<hbm>>
        %dma_wait3A_234 = tpu.memref_slice %arg15[%rem3A_223] : memref<2x!tpu.dma_semaphore, #tpu.memory_space<semaphore_mem>> -> memref<1x!tpu.dma_semaphore, #tpu.memory_space<semaphore_mem>>
        %dma_wait3A_235 = tpu.memref_squeeze %dma_wait3A_234 : memref<1x!tpu.dma_semaphore, #tpu.memory_space<semaphore_mem>> -> memref<!tpu.dma_semaphore, #tpu.memory_space<semaphore_mem>>
        %dma_wait3A_236 = arith.constant 0 : i32
        %dma_wait3A_237 = tpu.memref_slice %arg8[%rem3A_225, %dma_wait3A_236] : memref<4x80xi32, #tpu.memory_space<vmem>> -> memref<1x80xi32, #tpu.memory_space<vmem>>
        %dma_wait3A_238 = tpu.memref_squeeze %dma_wait3A_237 : memref<1x80xi32, #tpu.memory_space<vmem>> -> memref<80xi32, #tpu.memory_space<vmem>>
        %dma_wait3A_239 = tpu.memref_slice %arg3[%mul3A_230] : memref<50000xi32, #tpu.memory_space<hbm>> -> memref<80xi32, #tpu.memory_space<hbm>>
        tpu.wait_dma2 semaphore(%dma_wait3A_235 : memref<!tpu.dma_semaphore, #tpu.memory_space<semaphore_mem>>) src(%dma_wait3A_239 : memref<80xi32, #tpu.memory_space<hbm>>) dst(%dma_wait3A_238 : memref<80xi32, #tpu.memory_space<vmem>>)
        %mul3A_240 = arith.constant 80 : i32
        %mul3A_241 = arith.muli %add3A_228, %mul3A_240 : i32
        %dma_wait3A_242 = arith.constant 0 : i32
        %dma_wait3A_243 = arith.constant 0 : i32
        %dma_wait3A_244 = tpu.memref_slice %arg9[%rem3A_223, %dma_wait3A_242, %dma_wait3A_243] : memref<2x80x256xf32, #tpu.memory_space<vmem>> -> memref<1x80x256xf32, #tpu.memory_space<vmem>>
        %dma_wait3A_245 = tpu.memref_squeeze %dma_wait3A_244 : memref<1x80x256xf32, #tpu.memory_space<vmem>> -> memref<80x256xf32, #tpu.memory_space<vmem>>
        %dma_wait3A_246 = arith.constant 0 : i32
        %dma_wait3A_247 = tpu.memref_slice %arg2[%mul3A_241, %dma_wait3A_246] : memref<50000x256xf32, #tpu.memory_space<hbm>> -> memref<80x256xf32, #tpu.memory_space<hbm>>
        %dma_wait3A_248 = tpu.memref_slice %arg15[%rem3A_223] : memref<2x!tpu.dma_semaphore, #tpu.memory_space<semaphore_mem>> -> memref<1x!tpu.dma_semaphore, #tpu.memory_space<semaphore_mem>>
        %dma_wait3A_249 = tpu.memref_squeeze %dma_wait3A_248 : memref<1x!tpu.dma_semaphore, #tpu.memory_space<semaphore_mem>> -> memref<!tpu.dma_semaphore, #tpu.memory_space<semaphore_mem>>
        %dma_wait3A_250 = arith.constant 0 : i32
        %dma_wait3A_251 = arith.constant 0 : i32
        %dma_wait3A_252 = tpu.memref_slice %arg9[%rem3A_223, %dma_wait3A_250, %dma_wait3A_251] : memref<2x80x256xf32, #tpu.memory_space<vmem>> -> memref<1x80x256xf32, #tpu.memory_space<vmem>>
        %dma_wait3A_253 = tpu.memref_squeeze %dma_wait3A_252 : memref<1x80x256xf32, #tpu.memory_space<vmem>> -> memref<80x256xf32, #tpu.memory_space<vmem>>
        %dma_wait3A_254 = arith.constant 0 : i32
        %dma_wait3A_255 = tpu.memref_slice %arg2[%mul3A_241, %dma_wait3A_254] : memref<50000x256xf32, #tpu.memory_space<hbm>> -> memref<80x256xf32, #tpu.memory_space<hbm>>
        tpu.wait_dma2 semaphore(%dma_wait3A_249 : memref<!tpu.dma_semaphore, #tpu.memory_space<semaphore_mem>>) src(%dma_wait3A_255 : memref<80x256xf32, #tpu.memory_space<hbm>>) dst(%dma_wait3A_253 : memref<80x256xf32, #tpu.memory_space<vmem>>)
        %rem3A_256 = arith.constant 2 : i32
        %rem3A_257 = arith.remsi %scan3A_195, %rem3A_256 : i32
        %rem3A_258 = arith.constant 4 : i32
        %rem3A_259 = arith.remsi %scan3A_195, %rem3A_258 : i32
        %scan3A_260 = arith.constant 0 : i32
        %scan3A_261 = arith.constant 0 : i32
        %scan3A_262 = arith.constant 20 : i32
        %scan3A_263 = arith.addi %scan3A_261, %scan3A_262 : i32
        %scan3A_264 = arith.constant 1 : i32
        scf.for %scan3A_316 = %scan3A_261 to %scan3A_263 step %scan3A_264  : i32 {
          %mul3A_317 = arith.constant 4 : i32
          %mul3A_318 = arith.muli %scan3A_316, %mul3A_317 : i32
          %add3A_319 = arith.constant 0 : i32
          %add3A_320 = arith.addi %mul3A_318, %add3A_319 : i32
          %mul3A_321 = arith.constant 4 : i32
          %mul3A_322 = arith.muli %scan3A_316, %mul3A_321 : i32
          %add3A_323 = arith.constant 1 : i32
          %add3A_324 = arith.addi %mul3A_322, %add3A_323 : i32
          %mul3A_325 = arith.constant 4 : i32
          %mul3A_326 = arith.muli %scan3A_316, %mul3A_325 : i32
          %add3A_327 = arith.constant 2 : i32
          %add3A_328 = arith.addi %mul3A_326, %add3A_327 : i32
          %mul3A_329 = arith.constant 4 : i32
          %mul3A_330 = arith.muli %scan3A_316, %mul3A_329 : i32
          %add3A_331 = arith.constant 3 : i32
          %add3A_332 = arith.addi %mul3A_330, %add3A_331 : i32
          %get3A_333 = arith.index_cast %rem3A_257 : i32 to index
          %get3A_334 = arith.index_cast %add3A_320 : i32 to index
          %get3A_335 = arith.constant 0 : index
          %get3A_336 = tpu.vector_load %arg9[%get3A_333, %get3A_334, %get3A_335] {strides = array<i32>} : memref<2x80x256xf32, #tpu.memory_space<vmem>>, vector<16xf32>,
          %get3A_337 = arith.index_cast %rem3A_257 : i32 to index
          %get3A_338 = arith.index_cast %add3A_320 : i32 to index
          %get3A_339 = arith.constant 16 : index
          %get3A_340 = tpu.vector_load %arg9[%get3A_337, %get3A_338, %get3A_339] {strides = array<i32>} : memref<2x80x256xf32, #tpu.memory_space<vmem>>, vector<16xf32>,
          %get3A_341 = arith.index_cast %rem3A_257 : i32 to index
          %get3A_342 = arith.index_cast %add3A_320 : i32 to index
          %get3A_343 = arith.constant 32 : index
          %get3A_344 = tpu.vector_load %arg9[%get3A_341, %get3A_342, %get3A_343] {strides = array<i32>} : memref<2x80x256xf32, #tpu.memory_space<vmem>>, vector<16xf32>,
          %get3A_345 = arith.index_cast %rem3A_257 : i32 to index
          %get3A_346 = arith.index_cast %add3A_320 : i32 to index
          %get3A_347 = arith.constant 48 : index
          %get3A_348 = tpu.vector_load %arg9[%get3A_345, %get3A_346, %get3A_347] {strides = array<i32>} : memref<2x80x256xf32, #tpu.memory_space<vmem>>, vector<16xf32>,
          %get3A_349 = arith.index_cast %rem3A_257 : i32 to index
          %get3A_350 = arith.index_cast %add3A_320 : i32 to index
          %get3A_351 = arith.constant 64 : index
          %get3A_352 = tpu.vector_load %arg9[%get3A_349, %get3A_350, %get3A_351] {strides = array<i32>} : memref<2x80x256xf32, #tpu.memory_space<vmem>>, vector<16xf32>,
          %get3A_353 = arith.index_cast %rem3A_257 : i32 to index
          %get3A_354 = arith.index_cast %add3A_320 : i32 to index
          %get3A_355 = arith.constant 80 : index
          %get3A_356 = tpu.vector_load %arg9[%get3A_353, %get3A_354, %get3A_355] {strides = array<i32>} : memref<2x80x256xf32, #tpu.memory_space<vmem>>, vector<16xf32>,
          %get3A_357 = arith.index_cast %rem3A_257 : i32 to index
          %get3A_358 = arith.index_cast %add3A_320 : i32 to index
          %get3A_359 = arith.constant 96 : index
          %get3A_360 = tpu.vector_load %arg9[%get3A_357, %get3A_358, %get3A_359] {strides = array<i32>} : memref<2x80x256xf32, #tpu.memory_space<vmem>>, vector<16xf32>,
          %get3A_361 = arith.index_cast %rem3A_257 : i32 to index
          %get3A_362 = arith.index_cast %add3A_320 : i32 to index
          %get3A_363 = arith.constant 112 : index
          %get3A_364 = tpu.vector_load %arg9[%get3A_361, %get3A_362, %get3A_363] {strides = array<i32>} : memref<2x80x256xf32, #tpu.memory_space<vmem>>, vector<16xf32>,
          %get3A_365 = arith.index_cast %rem3A_257 : i32 to index
          %get3A_366 = arith.index_cast %add3A_320 : i32 to index
          %get3A_367 = arith.constant 128 : index
          %get3A_368 = tpu.vector_load %arg9[%get3A_365, %get3A_366, %get3A_367] {strides = array<i32>} : memref<2x80x256xf32, #tpu.memory_space<vmem>>, vector<16xf32>,
          %get3A_369 = arith.index_cast %rem3A_257 : i32 to index
          %get3A_370 = arith.index_cast %add3A_320 : i32 to index
          %get3A_371 = arith.constant 144 : index
          %get3A_372 = tpu.vector_load %arg9[%get3A_369, %get3A_370, %get3A_371] {strides = array<i32>} : memref<2x80x256xf32, #tpu.memory_space<vmem>>, vector<16xf32>,
          %get3A_373 = arith.index_cast %rem3A_257 : i32 to index
          %get3A_374 = arith.index_cast %add3A_320 : i32 to index
          %get3A_375 = arith.constant 160 : index
          %get3A_376 = tpu.vector_load %arg9[%get3A_373, %get3A_374, %get3A_375] {strides = array<i32>} : memref<2x80x256xf32, #tpu.memory_space<vmem>>, vector<16xf32>,
          %get3A_377 = arith.index_cast %rem3A_257 : i32 to index
          %get3A_378 = arith.index_cast %add3A_320 : i32 to index
          %get3A_379 = arith.constant 176 : index
          %get3A_380 = tpu.vector_load %arg9[%get3A_377, %get3A_378, %get3A_379] {strides = array<i32>} : memref<2x80x256xf32, #tpu.memory_space<vmem>>, vector<16xf32>,
          %get3A_381 = arith.index_cast %rem3A_257 : i32 to index
          %get3A_382 = arith.index_cast %add3A_320 : i32 to index
          %get3A_383 = arith.constant 192 : index
          %get3A_384 = tpu.vector_load %arg9[%get3A_381, %get3A_382, %get3A_383] {strides = array<i32>} : memref<2x80x256xf32, #tpu.memory_space<vmem>>, vector<16xf32>,
          %get3A_385 = arith.index_cast %rem3A_257 : i32 to index
          %get3A_386 = arith.index_cast %add3A_320 : i32 to index
          %get3A_387 = arith.constant 208 : index
          %get3A_388 = tpu.vector_load %arg9[%get3A_385, %get3A_386, %get3A_387] {strides = array<i32>} : memref<2x80x256xf32, #tpu.memory_space<vmem>>, vector<16xf32>,
          %get3A_389 = arith.index_cast %rem3A_257 : i32 to index
          %get3A_390 = arith.index_cast %add3A_320 : i32 to index
          %get3A_391 = arith.constant 224 : index
          %get3A_392 = tpu.vector_load %arg9[%get3A_389, %get3A_390, %get3A_391] {strides = array<i32>} : memref<2x80x256xf32, #tpu.memory_space<vmem>>, vector<16xf32>,
          %get3A_393 = arith.index_cast %rem3A_257 : i32 to index
          %get3A_394 = arith.index_cast %add3A_320 : i32 to index
          %get3A_395 = arith.constant 240 : index
          %get3A_396 = tpu.vector_load %arg9[%get3A_393, %get3A_394, %get3A_395] {strides = array<i32>} : memref<2x80x256xf32, #tpu.memory_space<vmem>>, vector<16xf32>,
          %get3A_397 = arith.index_cast %rem3A_257 : i32 to index
          %get3A_398 = arith.index_cast %add3A_324 : i32 to index
          %get3A_399 = arith.constant 0 : index
          %get3A_400 = tpu.vector_load %arg9[%get3A_397, %get3A_398, %get3A_399] {strides = array<i32>} : memref<2x80x256xf32, #tpu.memory_space<vmem>>, vector<16xf32>,
          %get3A_401 = arith.index_cast %rem3A_257 : i32 to index
          %get3A_402 = arith.index_cast %add3A_324 : i32 to index
          %get3A_403 = arith.constant 16 : index
          %get3A_404 = tpu.vector_load %arg9[%get3A_401, %get3A_402, %get3A_403] {strides = array<i32>} : memref<2x80x256xf32, #tpu.memory_space<vmem>>, vector<16xf32>,
          %get3A_405 = arith.index_cast %rem3A_257 : i32 to index
          %get3A_406 = arith.index_cast %add3A_324 : i32 to index
          %get3A_407 = arith.constant 32 : index
          %get3A_408 = tpu.vector_load %arg9[%get3A_405, %get3A_406, %get3A_407] {strides = array<i32>} : memref<2x80x256xf32, #tpu.memory_space<vmem>>, vector<16xf32>,
          %get3A_409 = arith.index_cast %rem3A_257 : i32 to index
          %get3A_410 = arith.index_cast %add3A_324 : i32 to index
          %get3A_411 = arith.constant 48 : index
          %get3A_412 = tpu.vector_load %arg9[%get3A_409, %get3A_410, %get3A_411] {strides = array<i32>} : memref<2x80x256xf32, #tpu.memory_space<vmem>>, vector<16xf32>,
          %get3A_413 = arith.index_cast %rem3A_257 : i32 to index
          %get3A_414 = arith.index_cast %add3A_324 : i32 to index
          %get3A_415 = arith.constant 64 : index
          %get3A_416 = tpu.vector_load %arg9[%get3A_413, %get3A_414, %get3A_415] {strides = array<i32>} : memref<2x80x256xf32, #tpu.memory_space<vmem>>, vector<16xf32>,
          %get3A_417 = arith.index_cast %rem3A_257 : i32 to index
          %get3A_418 = arith.index_cast %add3A_324 : i32 to index
          %get3A_419 = arith.constant 80 : index
          %get3A_420 = tpu.vector_load %arg9[%get3A_417, %get3A_418, %get3A_419] {strides = array<i32>} : memref<2x80x256xf32, #tpu.memory_space<vmem>>, vector<16xf32>,
          %get3A_421 = arith.index_cast %rem3A_257 : i32 to index
          %get3A_422 = arith.index_cast %add3A_324 : i32 to index
          %get3A_423 = arith.constant 96 : index
          %get3A_424 = tpu.vector_load %arg9[%get3A_421, %get3A_422, %get3A_423] {strides = array<i32>} : memref<2x80x256xf32, #tpu.memory_space<vmem>>, vector<16xf32>,
          %get3A_425 = arith.index_cast %rem3A_257 : i32 to index
          %get3A_426 = arith.index_cast %add3A_324 : i32 to index
          %get3A_427 = arith.constant 112 : index
          %get3A_428 = tpu.vector_load %arg9[%get3A_425, %get3A_426, %get3A_427] {strides = array<i32>} : memref<2x80x256xf32, #tpu.memory_space<vmem>>, vector<16xf32>,
          %get3A_429 = arith.index_cast %rem3A_257 : i32 to index
          %get3A_430 = arith.index_cast %add3A_324 : i32 to index
          %get3A_431 = arith.constant 128 : index
          %get3A_432 = tpu.vector_load %arg9[%get3A_429, %get3A_430, %get3A_431] {strides = array<i32>} : memref<2x80x256xf32, #tpu.memory_space<vmem>>, vector<16xf32>,
          %get3A_433 = arith.index_cast %rem3A_257 : i32 to index
          %get3A_434 = arith.index_cast %add3A_324 : i32 to index
          %get3A_435 = arith.constant 144 : index
          %get3A_436 = tpu.vector_load %arg9[%get3A_433, %get3A_434, %get3A_435] {strides = array<i32>} : memref<2x80x256xf32, #tpu.memory_space<vmem>>, vector<16xf32>,
          %get3A_437 = arith.index_cast %rem3A_257 : i32 to index
          %get3A_438 = arith.index_cast %add3A_324 : i32 to index
          %get3A_439 = arith.constant 160 : index
          %get3A_440 = tpu.vector_load %arg9[%get3A_437, %get3A_438, %get3A_439] {strides = array<i32>} : memref<2x80x256xf32, #tpu.memory_space<vmem>>, vector<16xf32>,
          %get3A_441 = arith.index_cast %rem3A_257 : i32 to index
          %get3A_442 = arith.index_cast %add3A_324 : i32 to index
          %get3A_443 = arith.constant 176 : index
          %get3A_444 = tpu.vector_load %arg9[%get3A_441, %get3A_442, %get3A_443] {strides = array<i32>} : memref<2x80x256xf32, #tpu.memory_space<vmem>>, vector<16xf32>,
          %get3A_445 = arith.index_cast %rem3A_257 : i32 to index
          %get3A_446 = arith.index_cast %add3A_324 : i32 to index
          %get3A_447 = arith.constant 192 : index
          %get3A_448 = tpu.vector_load %arg9[%get3A_445, %get3A_446, %get3A_447] {strides = array<i32>} : memref<2x80x256xf32, #tpu.memory_space<vmem>>, vector<16xf32>,
          %get3A_449 = arith.index_cast %rem3A_257 : i32 to index
          %get3A_450 = arith.index_cast %add3A_324 : i32 to index
          %get3A_451 = arith.constant 208 : index
          %get3A_452 = tpu.vector_load %arg9[%get3A_449, %get3A_450, %get3A_451] {strides = array<i32>} : memref<2x80x256xf32, #tpu.memory_space<vmem>>, vector<16xf32>,
          %get3A_453 = arith.index_cast %rem3A_257 : i32 to index
          %get3A_454 = arith.index_cast %add3A_324 : i32 to index
          %get3A_455 = arith.constant 224 : index
          %get3A_456 = tpu.vector_load %arg9[%get3A_453, %get3A_454, %get3A_455] {strides = array<i32>} : memref<2x80x256xf32, #tpu.memory_space<vmem>>, vector<16xf32>,
          %get3A_457 = arith.index_cast %rem3A_257 : i32 to index
          %get3A_458 = arith.index_cast %add3A_324 : i32 to index
          %get3A_459 = arith.constant 240 : index
          %get3A_460 = tpu.vector_load %arg9[%get3A_457, %get3A_458, %get3A_459] {strides = array<i32>} : memref<2x80x256xf32, #tpu.memory_space<vmem>>, vector<16xf32>,
          %get3A_461 = arith.index_cast %rem3A_257 : i32 to index
          %get3A_462 = arith.index_cast %add3A_328 : i32 to index
          %get3A_463 = arith.constant 0 : index
          %get3A_464 = tpu.vector_load %arg9[%get3A_461, %get3A_462, %get3A_463] {strides = array<i32>} : memref<2x80x256xf32, #tpu.memory_space<vmem>>, vector<16xf32>,
          %get3A_465 = arith.index_cast %rem3A_257 : i32 to index
          %get3A_466 = arith.index_cast %add3A_328 : i32 to index
          %get3A_467 = arith.constant 16 : index
          %get3A_468 = tpu.vector_load %arg9[%get3A_465, %get3A_466, %get3A_467] {strides = array<i32>} : memref<2x80x256xf32, #tpu.memory_space<vmem>>, vector<16xf32>,
          %get3A_469 = arith.index_cast %rem3A_257 : i32 to index
          %get3A_470 = arith.index_cast %add3A_328 : i32 to index
          %get3A_471 = arith.constant 32 : index
          %get3A_472 = tpu.vector_load %arg9[%get3A_469, %get3A_470, %get3A_471] {strides = array<i32>} : memref<2x80x256xf32, #tpu.memory_space<vmem>>, vector<16xf32>,
          %get3A_473 = arith.index_cast %rem3A_257 : i32 to index
          %get3A_474 = arith.index_cast %add3A_328 : i32 to index
          %get3A_475 = arith.constant 48 : index
          %get3A_476 = tpu.vector_load %arg9[%get3A_473, %get3A_474, %get3A_475] {strides = array<i32>} : memref<2x80x256xf32, #tpu.memory_space<vmem>>, vector<16xf32>,
          %get3A_477 = arith.index_cast %rem3A_257 : i32 to index
          %get3A_478 = arith.index_cast %add3A_328 : i32 to index
          %get3A_479 = arith.constant 64 : index
          %get3A_480 = tpu.vector_load %arg9[%get3A_477, %get3A_478, %get3A_479] {strides = array<i32>} : memref<2x80x256xf32, #tpu.memory_space<vmem>>, vector<16xf32>,
          %get3A_481 = arith.index_cast %rem3A_257 : i32 to index
          %get3A_482 = arith.index_cast %add3A_328 : i32 to index
          %get3A_483 = arith.constant 80 : index
          %get3A_484 = tpu.vector_load %arg9[%get3A_481, %get3A_482, %get3A_483] {strides = array<i32>} : memref<2x80x256xf32, #tpu.memory_space<vmem>>, vector<16xf32>,
          %get3A_485 = arith.index_cast %rem3A_257 : i32 to index
          %get3A_486 = arith.index_cast %add3A_328 : i32 to index
          %get3A_487 = arith.constant 96 : index
          %get3A_488 = tpu.vector_load %arg9[%get3A_485, %get3A_486, %get3A_487] {strides = array<i32>} : memref<2x80x256xf32, #tpu.memory_space<vmem>>, vector<16xf32>,
          %get3A_489 = arith.index_cast %rem3A_257 : i32 to index
          %get3A_490 = arith.index_cast %add3A_328 : i32 to index
          %get3A_491 = arith.constant 112 : index
          %get3A_492 = tpu.vector_load %arg9[%get3A_489, %get3A_490, %get3A_491] {strides = array<i32>} : memref<2x80x256xf32, #tpu.memory_space<vmem>>, vector<16xf32>,
          %get3A_493 = arith.index_cast %rem3A_257 : i32 to index
          %get3A_494 = arith.index_cast %add3A_328 : i32 to index
          %get3A_495 = arith.constant 128 : index
          %get3A_496 = tpu.vector_load %arg9[%get3A_493, %get3A_494, %get3A_495] {strides = array<i32>} : memref<2x80x256xf32, #tpu.memory_space<vmem>>, vector<16xf32>,
          %get3A_497 = arith.index_cast %rem3A_257 : i32 to index
          %get3A_498 = arith.index_cast %add3A_328 : i32 to index
          %get3A_499 = arith.constant 144 : index
          %get3A_500 = tpu.vector_load %arg9[%get3A_497, %get3A_498, %get3A_499] {strides = array<i32>} : memref<2x80x256xf32, #tpu.memory_space<vmem>>, vector<16xf32>,
          %get3A_501 = arith.index_cast %rem3A_257 : i32 to index
          %get3A_502 = arith.index_cast %add3A_328 : i32 to index
          %get3A_503 = arith.constant 160 : index
          %get3A_504 = tpu.vector_load %arg9[%get3A_501, %get3A_502, %get3A_503] {strides = array<i32>} : memref<2x80x256xf32, #tpu.memory_space<vmem>>, vector<16xf32>,
          %get3A_505 = arith.index_cast %rem3A_257 : i32 to index
          %get3A_506 = arith.index_cast %add3A_328 : i32 to index
          %get3A_507 = arith.constant 176 : index
          %get3A_508 = tpu.vector_load %arg9[%get3A_505, %get3A_506, %get3A_507] {strides = array<i32>} : memref<2x80x256xf32, #tpu.memory_space<vmem>>, vector<16xf32>,
          %get3A_509 = arith.index_cast %rem3A_257 : i32 to index
          %get3A_510 = arith.index_cast %add3A_328 : i32 to index
          %get3A_511 = arith.constant 192 : index
          %get3A_512 = tpu.vector_load %arg9[%get3A_509, %get3A_510, %get3A_511] {strides = array<i32>} : memref<2x80x256xf32, #tpu.memory_space<vmem>>, vector<16xf32>,
          %get3A_513 = arith.index_cast %rem3A_257 : i32 to index
          %get3A_514 = arith.index_cast %add3A_328 : i32 to index
          %get3A_515 = arith.constant 208 : index
          %get3A_516 = tpu.vector_load %arg9[%get3A_513, %get3A_514, %get3A_515] {strides = array<i32>} : memref<2x80x256xf32, #tpu.memory_space<vmem>>, vector<16xf32>,
          %get3A_517 = arith.index_cast %rem3A_257 : i32 to index
          %get3A_518 = arith.index_cast %add3A_328 : i32 to index
          %get3A_519 = arith.constant 224 : index
          %get3A_520 = tpu.vector_load %arg9[%get3A_517, %get3A_518, %get3A_519] {strides = array<i32>} : memref<2x80x256xf32, #tpu.memory_space<vmem>>, vector<16xf32>,
          %get3A_521 = arith.index_cast %rem3A_257 : i32 to index
          %get3A_522 = arith.index_cast %add3A_328 : i32 to index
          %get3A_523 = arith.constant 240 : index
          %get3A_524 = tpu.vector_load %arg9[%get3A_521, %get3A_522, %get3A_523] {strides = array<i32>} : memref<2x80x256xf32, #tpu.memory_space<vmem>>, vector<16xf32>,
          %get3A_525 = arith.index_cast %rem3A_257 : i32 to index
          %get3A_526 = arith.index_cast %add3A_332 : i32 to index
          %get3A_527 = arith.constant 0 : index
          %get3A_528 = tpu.vector_load %arg9[%get3A_525, %get3A_526, %get3A_527] {strides = array<i32>} : memref<2x80x256xf32, #tpu.memory_space<vmem>>, vector<16xf32>,
          %get3A_529 = arith.index_cast %rem3A_257 : i32 to index
          %get3A_530 = arith.index_cast %add3A_332 : i32 to index
          %get3A_531 = arith.constant 16 : index
          %get3A_532 = tpu.vector_load %arg9[%get3A_529, %get3A_530, %get3A_531] {strides = array<i32>} : memref<2x80x256xf32, #tpu.memory_space<vmem>>, vector<16xf32>,
          %get3A_533 = arith.index_cast %rem3A_257 : i32 to index
          %get3A_534 = arith.index_cast %add3A_332 : i32 to index
          %get3A_535 = arith.constant 32 : index
          %get3A_536 = tpu.vector_load %arg9[%get3A_533, %get3A_534, %get3A_535] {strides = array<i32>} : memref<2x80x256xf32, #tpu.memory_space<vmem>>, vector<16xf32>,
          %get3A_537 = arith.index_cast %rem3A_257 : i32 to index
          %get3A_538 = arith.index_cast %add3A_332 : i32 to index
          %get3A_539 = arith.constant 48 : index
          %get3A_540 = tpu.vector_load %arg9[%get3A_537, %get3A_538, %get3A_539] {strides = array<i32>} : memref<2x80x256xf32, #tpu.memory_space<vmem>>, vector<16xf32>,
          %get3A_541 = arith.index_cast %rem3A_257 : i32 to index
          %get3A_542 = arith.index_cast %add3A_332 : i32 to index
          %get3A_543 = arith.constant 64 : index
          %get3A_544 = tpu.vector_load %arg9[%get3A_541, %get3A_542, %get3A_543] {strides = array<i32>} : memref<2x80x256xf32, #tpu.memory_space<vmem>>, vector<16xf32>,
          %get3A_545 = arith.index_cast %rem3A_257 : i32 to index
          %get3A_546 = arith.index_cast %add3A_332 : i32 to index
          %get3A_547 = arith.constant 80 : index
          %get3A_548 = tpu.vector_load %arg9[%get3A_545, %get3A_546, %get3A_547] {strides = array<i32>} : memref<2x80x256xf32, #tpu.memory_space<vmem>>, vector<16xf32>,
          %get3A_549 = arith.index_cast %rem3A_257 : i32 to index
          %get3A_550 = arith.index_cast %add3A_332 : i32 to index
          %get3A_551 = arith.constant 96 : index
          %get3A_552 = tpu.vector_load %arg9[%get3A_549, %get3A_550, %get3A_551] {strides = array<i32>} : memref<2x80x256xf32, #tpu.memory_space<vmem>>, vector<16xf32>,
          %get3A_553 = arith.index_cast %rem3A_257 : i32 to index
          %get3A_554 = arith.index_cast %add3A_332 : i32 to index
          %get3A_555 = arith.constant 112 : index
          %get3A_556 = tpu.vector_load %arg9[%get3A_553, %get3A_554, %get3A_555] {strides = array<i32>} : memref<2x80x256xf32, #tpu.memory_space<vmem>>, vector<16xf32>,
          %get3A_557 = arith.index_cast %rem3A_257 : i32 to index
          %get3A_558 = arith.index_cast %add3A_332 : i32 to index
          %get3A_559 = arith.constant 128 : index
          %get3A_560 = tpu.vector_load %arg9[%get3A_557, %get3A_558, %get3A_559] {strides = array<i32>} : memref<2x80x256xf32, #tpu.memory_space<vmem>>, vector<16xf32>,
          %get3A_561 = arith.index_cast %rem3A_257 : i32 to index
          %get3A_562 = arith.index_cast %add3A_332 : i32 to index
          %get3A_563 = arith.constant 144 : index
          %get3A_564 = tpu.vector_load %arg9[%get3A_561, %get3A_562, %get3A_563] {strides = array<i32>} : memref<2x80x256xf32, #tpu.memory_space<vmem>>, vector<16xf32>,
          %get3A_565 = arith.index_cast %rem3A_257 : i32 to index
          %get3A_566 = arith.index_cast %add3A_332 : i32 to index
          %get3A_567 = arith.constant 160 : index
          %get3A_568 = tpu.vector_load %arg9[%get3A_565, %get3A_566, %get3A_567] {strides = array<i32>} : memref<2x80x256xf32, #tpu.memory_space<vmem>>, vector<16xf32>,
          %get3A_569 = arith.index_cast %rem3A_257 : i32 to index
          %get3A_570 = arith.index_cast %add3A_332 : i32 to index
          %get3A_571 = arith.constant 176 : index
          %get3A_572 = tpu.vector_load %arg9[%get3A_569, %get3A_570, %get3A_571] {strides = array<i32>} : memref<2x80x256xf32, #tpu.memory_space<vmem>>, vector<16xf32>,
          %get3A_573 = arith.index_cast %rem3A_257 : i32 to index
          %get3A_574 = arith.index_cast %add3A_332 : i32 to index
          %get3A_575 = arith.constant 192 : index
          %get3A_576 = tpu.vector_load %arg9[%get3A_573, %get3A_574, %get3A_575] {strides = array<i32>} : memref<2x80x256xf32, #tpu.memory_space<vmem>>, vector<16xf32>,
          %get3A_577 = arith.index_cast %rem3A_257 : i32 to index
          %get3A_578 = arith.index_cast %add3A_332 : i32 to index
          %get3A_579 = arith.constant 208 : index
          %get3A_580 = tpu.vector_load %arg9[%get3A_577, %get3A_578, %get3A_579] {strides = array<i32>} : memref<2x80x256xf32, #tpu.memory_space<vmem>>, vector<16xf32>,
          %get3A_581 = arith.index_cast %rem3A_257 : i32 to index
          %get3A_582 = arith.index_cast %add3A_332 : i32 to index
          %get3A_583 = arith.constant 224 : index
          %get3A_584 = tpu.vector_load %arg9[%get3A_581, %get3A_582, %get3A_583] {strides = array<i32>} : memref<2x80x256xf32, #tpu.memory_space<vmem>>, vector<16xf32>,
          %get3A_585 = arith.index_cast %rem3A_257 : i32 to index
          %get3A_586 = arith.index_cast %add3A_332 : i32 to index
          %get3A_587 = arith.constant 240 : index
          %get3A_588 = tpu.vector_load %arg9[%get3A_585, %get3A_586, %get3A_587] {strides = array<i32>} : memref<2x80x256xf32, #tpu.memory_space<vmem>>, vector<16xf32>,
          %mul3A_589 = arith.mulf %get3A_336, %get3A_1 : vector<16xf32>
          %mul3A_590 = arith.mulf %get3A_340, %get3A_3 : vector<16xf32>
          %add3A_591 = arith.addf %mul3A_589, %mul3A_590 : vector<16xf32>
          %mul3A_592 = arith.mulf %get3A_344, %get3A_5 : vector<16xf32>
          %add3A_593 = arith.addf %add3A_591, %mul3A_592 : vector<16xf32>
          %mul3A_594 = arith.mulf %get3A_348, %get3A_7 : vector<16xf32>
          %add3A_595 = arith.addf %add3A_593, %mul3A_594 : vector<16xf32>
          %mul3A_596 = arith.mulf %get3A_352, %get3A_9 : vector<16xf32>
          %add3A_597 = arith.addf %add3A_595, %mul3A_596 : vector<16xf32>
          %mul3A_598 = arith.mulf %get3A_356, %get3A_11 : vector<16xf32>
          %add3A_599 = arith.addf %add3A_597, %mul3A_598 : vector<16xf32>
          %mul3A_600 = arith.mulf %get3A_360, %get3A_13 : vector<16xf32>
          %add3A_601 = arith.addf %add3A_599, %mul3A_600 : vector<16xf32>
          %mul3A_602 = arith.mulf %get3A_364, %get3A_15 : vector<16xf32>
          %add3A_603 = arith.addf %add3A_601, %mul3A_602 : vector<16xf32>
          %mul3A_604 = arith.mulf %get3A_368, %get3A_17 : vector<16xf32>
          %add3A_605 = arith.addf %add3A_603, %mul3A_604 : vector<16xf32>
          %mul3A_606 = arith.mulf %get3A_372, %get3A_19 : vector<16xf32>
          %add3A_607 = arith.addf %add3A_605, %mul3A_606 : vector<16xf32>
          %mul3A_608 = arith.mulf %get3A_376, %get3A_21 : vector<16xf32>
          %add3A_609 = arith.addf %add3A_607, %mul3A_608 : vector<16xf32>
          %mul3A_610 = arith.mulf %get3A_380, %get3A_23 : vector<16xf32>
          %add3A_611 = arith.addf %add3A_609, %mul3A_610 : vector<16xf32>
          %mul3A_612 = arith.mulf %get3A_384, %get3A_25 : vector<16xf32>
          %add3A_613 = arith.addf %add3A_611, %mul3A_612 : vector<16xf32>
          %mul3A_614 = arith.mulf %get3A_388, %get3A_27 : vector<16xf32>
          %add3A_615 = arith.addf %add3A_613, %mul3A_614 : vector<16xf32>
          %mul3A_616 = arith.mulf %get3A_392, %get3A_29 : vector<16xf32>
          %add3A_617 = arith.addf %add3A_615, %mul3A_616 : vector<16xf32>
          %mul3A_618 = arith.mulf %get3A_396, %get3A_31 : vector<16xf32>
          %add3A_619 = arith.addf %add3A_617, %mul3A_618 : vector<16xf32>
          %mul3A_620 = arith.mulf %get3A_400, %get3A_1 : vector<16xf32>
          %mul3A_621 = arith.mulf %get3A_404, %get3A_3 : vector<16xf32>
          %add3A_622 = arith.addf %mul3A_620, %mul3A_621 : vector<16xf32>
          %mul3A_623 = arith.mulf %get3A_408, %get3A_5 : vector<16xf32>
          %add3A_624 = arith.addf %add3A_622, %mul3A_623 : vector<16xf32>
          %mul3A_625 = arith.mulf %get3A_412, %get3A_7 : vector<16xf32>
          %add3A_626 = arith.addf %add3A_624, %mul3A_625 : vector<16xf32>
          %mul3A_627 = arith.mulf %get3A_416, %get3A_9 : vector<16xf32>
          %add3A_628 = arith.addf %add3A_626, %mul3A_627 : vector<16xf32>
          %mul3A_629 = arith.mulf %get3A_420, %get3A_11 : vector<16xf32>
          %add3A_630 = arith.addf %add3A_628, %mul3A_629 : vector<16xf32>
          %mul3A_631 = arith.mulf %get3A_424, %get3A_13 : vector<16xf32>
          %add3A_632 = arith.addf %add3A_630, %mul3A_631 : vector<16xf32>
          %mul3A_633 = arith.mulf %get3A_428, %get3A_15 : vector<16xf32>
          %add3A_634 = arith.addf %add3A_632, %mul3A_633 : vector<16xf32>
          %mul3A_635 = arith.mulf %get3A_432, %get3A_17 : vector<16xf32>
          %add3A_636 = arith.addf %add3A_634, %mul3A_635 : vector<16xf32>
          %mul3A_637 = arith.mulf %get3A_436, %get3A_19 : vector<16xf32>
          %add3A_638 = arith.addf %add3A_636, %mul3A_637 : vector<16xf32>
          %mul3A_639 = arith.mulf %get3A_440, %get3A_21 : vector<16xf32>
          %add3A_640 = arith.addf %add3A_638, %mul3A_639 : vector<16xf32>
          %mul3A_641 = arith.mulf %get3A_444, %get3A_23 : vector<16xf32>
          %add3A_642 = arith.addf %add3A_640, %mul3A_641 : vector<16xf32>
          %mul3A_643 = arith.mulf %get3A_448, %get3A_25 : vector<16xf32>
          %add3A_644 = arith.addf %add3A_642, %mul3A_643 : vector<16xf32>
          %mul3A_645 = arith.mulf %get3A_452, %get3A_27 : vector<16xf32>
          %add3A_646 = arith.addf %add3A_644, %mul3A_645 : vector<16xf32>
          %mul3A_647 = arith.mulf %get3A_456, %get3A_29 : vector<16xf32>
          %add3A_648 = arith.addf %add3A_646, %mul3A_647 : vector<16xf32>
          %mul3A_649 = arith.mulf %get3A_460, %get3A_31 : vector<16xf32>
          %add3A_650 = arith.addf %add3A_648, %mul3A_649 : vector<16xf32>
          %mul3A_651 = arith.mulf %get3A_464, %get3A_1 : vector<16xf32>
          %mul3A_652 = arith.mulf %get3A_468, %get3A_3 : vector<16xf32>
          %add3A_653 = arith.addf %mul3A_651, %mul3A_652 : vector<16xf32>
          %mul3A_654 = arith.mulf %get3A_472, %get3A_5 : vector<16xf32>
          %add3A_655 = arith.addf %add3A_653, %mul3A_654 : vector<16xf32>
          %mul3A_656 = arith.mulf %get3A_476, %get3A_7 : vector<16xf32>
          %add3A_657 = arith.addf %add3A_655, %mul3A_656 : vector<16xf32>
          %mul3A_658 = arith.mulf %get3A_480, %get3A_9 : vector<16xf32>
          %add3A_659 = arith.addf %add3A_657, %mul3A_658 : vector<16xf32>
          %mul3A_660 = arith.mulf %get3A_484, %get3A_11 : vector<16xf32>
          %add3A_661 = arith.addf %add3A_659, %mul3A_660 : vector<16xf32>
          %mul3A_662 = arith.mulf %get3A_488, %get3A_13 : vector<16xf32>
          %add3A_663 = arith.addf %add3A_661, %mul3A_662 : vector<16xf32>
          %mul3A_664 = arith.mulf %get3A_492, %get3A_15 : vector<16xf32>
          %add3A_665 = arith.addf %add3A_663, %mul3A_664 : vector<16xf32>
          %mul3A_666 = arith.mulf %get3A_496, %get3A_17 : vector<16xf32>
          %add3A_667 = arith.addf %add3A_665, %mul3A_666 : vector<16xf32>
          %mul3A_668 = arith.mulf %get3A_500, %get3A_19 : vector<16xf32>
          %add3A_669 = arith.addf %add3A_667, %mul3A_668 : vector<16xf32>
          %mul3A_670 = arith.mulf %get3A_504, %get3A_21 : vector<16xf32>
          %add3A_671 = arith.addf %add3A_669, %mul3A_670 : vector<16xf32>
          %mul3A_672 = arith.mulf %get3A_508, %get3A_23 : vector<16xf32>
          %add3A_673 = arith.addf %add3A_671, %mul3A_672 : vector<16xf32>
          %mul3A_674 = arith.mulf %get3A_512, %get3A_25 : vector<16xf32>
          %add3A_675 = arith.addf %add3A_673, %mul3A_674 : vector<16xf32>
          %mul3A_676 = arith.mulf %get3A_516, %get3A_27 : vector<16xf32>
          %add3A_677 = arith.addf %add3A_675, %mul3A_676 : vector<16xf32>
          %mul3A_678 = arith.mulf %get3A_520, %get3A_29 : vector<16xf32>
          %add3A_679 = arith.addf %add3A_677, %mul3A_678 : vector<16xf32>
          %mul3A_680 = arith.mulf %get3A_524, %get3A_31 : vector<16xf32>
          %add3A_681 = arith.addf %add3A_679, %mul3A_680 : vector<16xf32>
          %mul3A_682 = arith.mulf %get3A_528, %get3A_1 : vector<16xf32>
          %mul3A_683 = arith.mulf %get3A_532, %get3A_3 : vector<16xf32>
          %add3A_684 = arith.addf %mul3A_682, %mul3A_683 : vector<16xf32>
          %mul3A_685 = arith.mulf %get3A_536, %get3A_5 : vector<16xf32>
          %add3A_686 = arith.addf %add3A_684, %mul3A_685 : vector<16xf32>
          %mul3A_687 = arith.mulf %get3A_540, %get3A_7 : vector<16xf32>
          %add3A_688 = arith.addf %add3A_686, %mul3A_687 : vector<16xf32>
          %mul3A_689 = arith.mulf %get3A_544, %get3A_9 : vector<16xf32>
          %add3A_690 = arith.addf %add3A_688, %mul3A_689 : vector<16xf32>
          %mul3A_691 = arith.mulf %get3A_548, %get3A_11 : vector<16xf32>
          %add3A_692 = arith.addf %add3A_690, %mul3A_691 : vector<16xf32>
          %mul3A_693 = arith.mulf %get3A_552, %get3A_13 : vector<16xf32>
          %add3A_694 = arith.addf %add3A_692, %mul3A_693 : vector<16xf32>
          %mul3A_695 = arith.mulf %get3A_556, %get3A_15 : vector<16xf32>
          %add3A_696 = arith.addf %add3A_694, %mul3A_695 : vector<16xf32>
          %mul3A_697 = arith.mulf %get3A_560, %get3A_17 : vector<16xf32>
          %add3A_698 = arith.addf %add3A_696, %mul3A_697 : vector<16xf32>
          %mul3A_699 = arith.mulf %get3A_564, %get3A_19 : vector<16xf32>
          %add3A_700 = arith.addf %add3A_698, %mul3A_699 : vector<16xf32>
          %mul3A_701 = arith.mulf %get3A_568, %get3A_21 : vector<16xf32>
          %add3A_702 = arith.addf %add3A_700, %mul3A_701 : vector<16xf32>
          %mul3A_703 = arith.mulf %get3A_572, %get3A_23 : vector<16xf32>
          %add3A_704 = arith.addf %add3A_702, %mul3A_703 : vector<16xf32>
          %mul3A_705 = arith.mulf %get3A_576, %get3A_25 : vector<16xf32>
          %add3A_706 = arith.addf %add3A_704, %mul3A_705 : vector<16xf32>
          %mul3A_707 = arith.mulf %get3A_580, %get3A_27 : vector<16xf32>
          %add3A_708 = arith.addf %add3A_706, %mul3A_707 : vector<16xf32>
          %mul3A_709 = arith.mulf %get3A_584, %get3A_29 : vector<16xf32>
          %add3A_710 = arith.addf %add3A_708, %mul3A_709 : vector<16xf32>
          %mul3A_711 = arith.mulf %get3A_588, %get3A_31 : vector<16xf32>
          %add3A_712 = arith.addf %add3A_710, %mul3A_711 : vector<16xf32>
          %broadcast_in_dim3A_713 = vector.shape_cast %xor3A_33 : vector<16xi32> to vector<16x1xi32>
          %gather3A_714 = vector.shape_cast %broadcast_in_dim3A_713 : vector<16x1xi32> to vector<16xi32>
          %gather3A_715 = tpu.dynamic_gather %add3A_619[%gather3A_714] in [0] : vector<16xf32>, vector<16xi32> -> vector<16xf32>
          %add3A_716 = arith.addf %add3A_619, %gather3A_715 : vector<16xf32>
          %broadcast_in_dim3A_717 = vector.shape_cast %xor3A_33 : vector<16xi32> to vector<16x1xi32>
          %gather3A_718 = vector.shape_cast %broadcast_in_dim3A_717 : vector<16x1xi32> to vector<16xi32>
          %gather3A_719 = tpu.dynamic_gather %add3A_650[%gather3A_718] in [0] : vector<16xf32>, vector<16xi32> -> vector<16xf32>
          %add3A_720 = arith.addf %add3A_650, %gather3A_719 : vector<16xf32>
          %broadcast_in_dim3A_721 = vector.shape_cast %xor3A_33 : vector<16xi32> to vector<16x1xi32>
          %gather3A_722 = vector.shape_cast %broadcast_in_dim3A_721 : vector<16x1xi32> to vector<16xi32>
          %gather3A_723 = tpu.dynamic_gather %add3A_681[%gather3A_722] in [0] : vector<16xf32>, vector<16xi32> -> vector<16xf32>
          %add3A_724 = arith.addf %add3A_681, %gather3A_723 : vector<16xf32>
          %broadcast_in_dim3A_725 = vector.shape_cast %xor3A_33 : vector<16xi32> to vector<16x1xi32>
          %gather3A_726 = vector.shape_cast %broadcast_in_dim3A_725 : vector<16x1xi32> to vector<16xi32>
          %gather3A_727 = tpu.dynamic_gather %add3A_712[%gather3A_726] in [0] : vector<16xf32>, vector<16xi32> -> vector<16xf32>
          %add3A_728 = arith.addf %add3A_712, %gather3A_727 : vector<16xf32>
          %broadcast_in_dim3A_729 = vector.shape_cast %xor3A_36 : vector<16xi32> to vector<16x1xi32>
          %gather3A_730 = vector.shape_cast %broadcast_in_dim3A_729 : vector<16x1xi32> to vector<16xi32>
          %gather3A_731 = tpu.dynamic_gather %add3A_716[%gather3A_730] in [0] : vector<16xf32>, vector<16xi32> -> vector<16xf32>
          %add3A_732 = arith.addf %add3A_716, %gather3A_731 : vector<16xf32>
          %broadcast_in_dim3A_733 = vector.shape_cast %xor3A_36 : vector<16xi32> to vector<16x1xi32>
          %gather3A_734 = vector.shape_cast %broadcast_in_dim3A_733 : vector<16x1xi32> to vector<16xi32>
          %gather3A_735 = tpu.dynamic_gather %add3A_720[%gather3A_734] in [0] : vector<16xf32>, vector<16xi32> -> vector<16xf32>
          %add3A_736 = arith.addf %add3A_720, %gather3A_735 : vector<16xf32>
          %broadcast_in_dim3A_737 = vector.shape_cast %xor3A_36 : vector<16xi32> to vector<16x1xi32>
          %gather3A_738 = vector.shape_cast %broadcast_in_dim3A_737 : vector<16x1xi32> to vector<16xi32>
          %gather3A_739 = tpu.dynamic_gather %add3A_724[%gather3A_738] in [0] : vector<16xf32>, vector<16xi32> -> vector<16xf32>
          %add3A_740 = arith.addf %add3A_724, %gather3A_739 : vector<16xf32>
          %broadcast_in_dim3A_741 = vector.shape_cast %xor3A_36 : vector<16xi32> to vector<16x1xi32>
          %gather3A_742 = vector.shape_cast %broadcast_in_dim3A_741 : vector<16x1xi32> to vector<16xi32>
          %gather3A_743 = tpu.dynamic_gather %add3A_728[%gather3A_742] in [0] : vector<16xf32>, vector<16xi32> -> vector<16xf32>
          %add3A_744 = arith.addf %add3A_728, %gather3A_743 : vector<16xf32>
          %broadcast_in_dim3A_745 = vector.shape_cast %xor3A_39 : vector<16xi32> to vector<16x1xi32>
          %gather3A_746 = vector.shape_cast %broadcast_in_dim3A_745 : vector<16x1xi32> to vector<16xi32>
          %gather3A_747 = tpu.dynamic_gather %add3A_732[%gather3A_746] in [0] : vector<16xf32>, vector<16xi32> -> vector<16xf32>
          %add3A_748 = arith.addf %add3A_732, %gather3A_747 : vector<16xf32>
          %broadcast_in_dim3A_749 = vector.shape_cast %xor3A_39 : vector<16xi32> to vector<16x1xi32>
          %gather3A_750 = vector.shape_cast %broadcast_in_dim3A_749 : vector<16x1xi32> to vector<16xi32>
          %gather3A_751 = tpu.dynamic_gather %add3A_736[%gather3A_750] in [0] : vector<16xf32>, vector<16xi32> -> vector<16xf32>
          %add3A_752 = arith.addf %add3A_736, %gather3A_751 : vector<16xf32>
          %broadcast_in_dim3A_753 = vector.shape_cast %xor3A_39 : vector<16xi32> to vector<16x1xi32>
          %gather3A_754 = vector.shape_cast %broadcast_in_dim3A_753 : vector<16x1xi32> to vector<16xi32>
          %gather3A_755 = tpu.dynamic_gather %add3A_740[%gather3A_754] in [0] : vector<16xf32>, vector<16xi32> -> vector<16xf32>
          %add3A_756 = arith.addf %add3A_740, %gather3A_755 : vector<16xf32>
          %broadcast_in_dim3A_757 = vector.shape_cast %xor3A_39 : vector<16xi32> to vector<16x1xi32>
          %gather3A_758 = vector.shape_cast %broadcast_in_dim3A_757 : vector<16x1xi32> to vector<16xi32>
          %gather3A_759 = tpu.dynamic_gather %add3A_744[%gather3A_758] in [0] : vector<16xf32>, vector<16xi32> -> vector<16xf32>
          %add3A_760 = arith.addf %add3A_744, %gather3A_759 : vector<16xf32>
          %broadcast_in_dim3A_761 = vector.shape_cast %xor3A_42 : vector<16xi32> to vector<16x1xi32>
          %gather3A_762 = vector.shape_cast %broadcast_in_dim3A_761 : vector<16x1xi32> to vector<16xi32>
          %gather3A_763 = tpu.dynamic_gather %add3A_748[%gather3A_762] in [0] : vector<16xf32>, vector<16xi32> -> vector<16xf32>
          %add3A_764 = arith.addf %add3A_748, %gather3A_763 : vector<16xf32>
          %broadcast_in_dim3A_765 = vector.shape_cast %xor3A_42 : vector<16xi32> to vector<16x1xi32>
          %gather3A_766 = vector.shape_cast %broadcast_in_dim3A_765 : vector<16x1xi32> to vector<16xi32>
          %gather3A_767 = tpu.dynamic_gather %add3A_752[%gather3A_766] in [0] : vector<16xf32>, vector<16xi32> -> vector<16xf32>
          %add3A_768 = arith.addf %add3A_752, %gather3A_767 : vector<16xf32>
          %broadcast_in_dim3A_769 = vector.shape_cast %xor3A_42 : vector<16xi32> to vector<16x1xi32>
          %gather3A_770 = vector.shape_cast %broadcast_in_dim3A_769 : vector<16x1xi32> to vector<16xi32>
          %gather3A_771 = tpu.dynamic_gather %add3A_756[%gather3A_770] in [0] : vector<16xf32>, vector<16xi32> -> vector<16xf32>
          %add3A_772 = arith.addf %add3A_756, %gather3A_771 : vector<16xf32>
          %broadcast_in_dim3A_773 = vector.shape_cast %xor3A_42 : vector<16xi32> to vector<16x1xi32>
          %gather3A_774 = vector.shape_cast %broadcast_in_dim3A_773 : vector<16x1xi32> to vector<16xi32>
          %gather3A_775 = tpu.dynamic_gather %add3A_760[%gather3A_774] in [0] : vector<16xf32>, vector<16xi32> -> vector<16xf32>
          %add3A_776 = arith.addf %add3A_760, %gather3A_775 : vector<16xf32>
          %exp3A = math.exp %add3A_764 : vector<16xf32>
          %exp3A_777 = math.exp %add3A_768 : vector<16xf32>
          %exp3A_778 = math.exp %add3A_772 : vector<16xf32>
          %exp3A_779 = math.exp %add3A_776 : vector<16xf32>
          %mul3A_780 = arith.mulf %get3A_336, %exp3A : vector<16xf32>
          %swap3A_781 = arith.index_cast %rem3A_257 : i32 to index
          %swap3A_782 = arith.index_cast %add3A_320 : i32 to index
          %swap3A_783 = arith.constant 0 : index
          %swap3A_784 = tpu.vector_load %arg10[%swap3A_781, %swap3A_782, %swap3A_783] {strides = array<i32>} : memref<2x80x256xf32, #tpu.memory_space<vmem>>, vector<16xf32>,
          tpu.vector_store %arg10[%swap3A_781, %swap3A_782, %swap3A_783], %mul3A_780 {strides = array<i32>} : memref<2x80x256xf32, #tpu.memory_space<vmem>>, vector<16xf32>,
          %mul3A_785 = arith.mulf %get3A_340, %exp3A : vector<16xf32>
          %swap3A_786 = arith.index_cast %rem3A_257 : i32 to index
          %swap3A_787 = arith.index_cast %add3A_320 : i32 to index
          %swap3A_788 = arith.constant 16 : index
          %swap3A_789 = tpu.vector_load %arg10[%swap3A_786, %swap3A_787, %swap3A_788] {strides = array<i32>} : memref<2x80x256xf32, #tpu.memory_space<vmem>>, vector<16xf32>,
          tpu.vector_store %arg10[%swap3A_786, %swap3A_787, %swap3A_788], %mul3A_785 {strides = array<i32>} : memref<2x80x256xf32, #tpu.memory_space<vmem>>, vector<16xf32>,
          %mul3A_790 = arith.mulf %get3A_344, %exp3A : vector<16xf32>
          %swap3A_791 = arith.index_cast %rem3A_257 : i32 to index
          %swap3A_792 = arith.index_cast %add3A_320 : i32 to index
          %swap3A_793 = arith.constant 32 : index
          %swap3A_794 = tpu.vector_load %arg10[%swap3A_791, %swap3A_792, %swap3A_793] {strides = array<i32>} : memref<2x80x256xf32, #tpu.memory_space<vmem>>, vector<16xf32>,
          tpu.vector_store %arg10[%swap3A_791, %swap3A_792, %swap3A_793], %mul3A_790 {strides = array<i32>} : memref<2x80x256xf32, #tpu.memory_space<vmem>>, vector<16xf32>,
          %mul3A_795 = arith.mulf %get3A_348, %exp3A : vector<16xf32>
          %swap3A_796 = arith.index_cast %rem3A_257 : i32 to index
          %swap3A_797 = arith.index_cast %add3A_320 : i32 to index
          %swap3A_798 = arith.constant 48 : index
          %swap3A_799 = tpu.vector_load %arg10[%swap3A_796, %swap3A_797, %swap3A_798] {strides = array<i32>} : memref<2x80x256xf32, #tpu.memory_space<vmem>>, vector<16xf32>,
          tpu.vector_store %arg10[%swap3A_796, %swap3A_797, %swap3A_798], %mul3A_795 {strides = array<i32>} : memref<2x80x256xf32, #tpu.memory_space<vmem>>, vector<16xf32>,
          %mul3A_800 = arith.mulf %get3A_352, %exp3A : vector<16xf32>
          %swap3A_801 = arith.index_cast %rem3A_257 : i32 to index
          %swap3A_802 = arith.index_cast %add3A_320 : i32 to index
          %swap3A_803 = arith.constant 64 : index
          %swap3A_804 = tpu.vector_load %arg10[%swap3A_801, %swap3A_802, %swap3A_803] {strides = array<i32>} : memref<2x80x256xf32, #tpu.memory_space<vmem>>, vector<16xf32>,
          tpu.vector_store %arg10[%swap3A_801, %swap3A_802, %swap3A_803], %mul3A_800 {strides = array<i32>} : memref<2x80x256xf32, #tpu.memory_space<vmem>>, vector<16xf32>,
          %mul3A_805 = arith.mulf %get3A_356, %exp3A : vector<16xf32>
          %swap3A_806 = arith.index_cast %rem3A_257 : i32 to index
          %swap3A_807 = arith.index_cast %add3A_320 : i32 to index
          %swap3A_808 = arith.constant 80 : index
          %swap3A_809 = tpu.vector_load %arg10[%swap3A_806, %swap3A_807, %swap3A_808] {strides = array<i32>} : memref<2x80x256xf32, #tpu.memory_space<vmem>>, vector<16xf32>,
          tpu.vector_store %arg10[%swap3A_806, %swap3A_807, %swap3A_808], %mul3A_805 {strides = array<i32>} : memref<2x80x256xf32, #tpu.memory_space<vmem>>, vector<16xf32>,
          %mul3A_810 = arith.mulf %get3A_360, %exp3A : vector<16xf32>
          %swap3A_811 = arith.index_cast %rem3A_257 : i32 to index
          %swap3A_812 = arith.index_cast %add3A_320 : i32 to index
          %swap3A_813 = arith.constant 96 : index
          %swap3A_814 = tpu.vector_load %arg10[%swap3A_811, %swap3A_812, %swap3A_813] {strides = array<i32>} : memref<2x80x256xf32, #tpu.memory_space<vmem>>, vector<16xf32>,
          tpu.vector_store %arg10[%swap3A_811, %swap3A_812, %swap3A_813], %mul3A_810 {strides = array<i32>} : memref<2x80x256xf32, #tpu.memory_space<vmem>>, vector<16xf32>,
          %mul3A_815 = arith.mulf %get3A_364, %exp3A : vector<16xf32>
          %swap3A_816 = arith.index_cast %rem3A_257 : i32 to index
          %swap3A_817 = arith.index_cast %add3A_320 : i32 to index
          %swap3A_818 = arith.constant 112 : index
          %swap3A_819 = tpu.vector_load %arg10[%swap3A_816, %swap3A_817, %swap3A_818] {strides = array<i32>} : memref<2x80x256xf32, #tpu.memory_space<vmem>>, vector<16xf32>,
          tpu.vector_store %arg10[%swap3A_816, %swap3A_817, %swap3A_818], %mul3A_815 {strides = array<i32>} : memref<2x80x256xf32, #tpu.memory_space<vmem>>, vector<16xf32>,
          %mul3A_820 = arith.mulf %get3A_368, %exp3A : vector<16xf32>
          %swap3A_821 = arith.index_cast %rem3A_257 : i32 to index
          %swap3A_822 = arith.index_cast %add3A_320 : i32 to index
          %swap3A_823 = arith.constant 128 : index
          %swap3A_824 = tpu.vector_load %arg10[%swap3A_821, %swap3A_822, %swap3A_823] {strides = array<i32>} : memref<2x80x256xf32, #tpu.memory_space<vmem>>, vector<16xf32>,
          tpu.vector_store %arg10[%swap3A_821, %swap3A_822, %swap3A_823], %mul3A_820 {strides = array<i32>} : memref<2x80x256xf32, #tpu.memory_space<vmem>>, vector<16xf32>,
          %mul3A_825 = arith.mulf %get3A_372, %exp3A : vector<16xf32>
          %swap3A_826 = arith.index_cast %rem3A_257 : i32 to index
          %swap3A_827 = arith.index_cast %add3A_320 : i32 to index
          %swap3A_828 = arith.constant 144 : index
          %swap3A_829 = tpu.vector_load %arg10[%swap3A_826, %swap3A_827, %swap3A_828] {strides = array<i32>} : memref<2x80x256xf32, #tpu.memory_space<vmem>>, vector<16xf32>,
          tpu.vector_store %arg10[%swap3A_826, %swap3A_827, %swap3A_828], %mul3A_825 {strides = array<i32>} : memref<2x80x256xf32, #tpu.memory_space<vmem>>, vector<16xf32>,
          %mul3A_830 = arith.mulf %get3A_376, %exp3A : vector<16xf32>
          %swap3A_831 = arith.index_cast %rem3A_257 : i32 to index
          %swap3A_832 = arith.index_cast %add3A_320 : i32 to index
          %swap3A_833 = arith.constant 160 : index
          %swap3A_834 = tpu.vector_load %arg10[%swap3A_831, %swap3A_832, %swap3A_833] {strides = array<i32>} : memref<2x80x256xf32, #tpu.memory_space<vmem>>, vector<16xf32>,
          tpu.vector_store %arg10[%swap3A_831, %swap3A_832, %swap3A_833], %mul3A_830 {strides = array<i32>} : memref<2x80x256xf32, #tpu.memory_space<vmem>>, vector<16xf32>,
          %mul3A_835 = arith.mulf %get3A_380, %exp3A : vector<16xf32>
          %swap3A_836 = arith.index_cast %rem3A_257 : i32 to index
          %swap3A_837 = arith.index_cast %add3A_320 : i32 to index
          %swap3A_838 = arith.constant 176 : index
          %swap3A_839 = tpu.vector_load %arg10[%swap3A_836, %swap3A_837, %swap3A_838] {strides = array<i32>} : memref<2x80x256xf32, #tpu.memory_space<vmem>>, vector<16xf32>,
          tpu.vector_store %arg10[%swap3A_836, %swap3A_837, %swap3A_838], %mul3A_835 {strides = array<i32>} : memref<2x80x256xf32, #tpu.memory_space<vmem>>, vector<16xf32>,
          %mul3A_840 = arith.mulf %get3A_384, %exp3A : vector<16xf32>
          %swap3A_841 = arith.index_cast %rem3A_257 : i32 to index
          %swap3A_842 = arith.index_cast %add3A_320 : i32 to index
          %swap3A_843 = arith.constant 192 : index
          %swap3A_844 = tpu.vector_load %arg10[%swap3A_841, %swap3A_842, %swap3A_843] {strides = array<i32>} : memref<2x80x256xf32, #tpu.memory_space<vmem>>, vector<16xf32>,
          tpu.vector_store %arg10[%swap3A_841, %swap3A_842, %swap3A_843], %mul3A_840 {strides = array<i32>} : memref<2x80x256xf32, #tpu.memory_space<vmem>>, vector<16xf32>,
          %mul3A_845 = arith.mulf %get3A_388, %exp3A : vector<16xf32>
          %swap3A_846 = arith.index_cast %rem3A_257 : i32 to index
          %swap3A_847 = arith.index_cast %add3A_320 : i32 to index
          %swap3A_848 = arith.constant 208 : index
          %swap3A_849 = tpu.vector_load %arg10[%swap3A_846, %swap3A_847, %swap3A_848] {strides = array<i32>} : memref<2x80x256xf32, #tpu.memory_space<vmem>>, vector<16xf32>,
          tpu.vector_store %arg10[%swap3A_846, %swap3A_847, %swap3A_848], %mul3A_845 {strides = array<i32>} : memref<2x80x256xf32, #tpu.memory_space<vmem>>, vector<16xf32>,
          %mul3A_850 = arith.mulf %get3A_392, %exp3A : vector<16xf32>
          %swap3A_851 = arith.index_cast %rem3A_257 : i32 to index
          %swap3A_852 = arith.index_cast %add3A_320 : i32 to index
          %swap3A_853 = arith.constant 224 : index
          %swap3A_854 = tpu.vector_load %arg10[%swap3A_851, %swap3A_852, %swap3A_853] {strides = array<i32>} : memref<2x80x256xf32, #tpu.memory_space<vmem>>, vector<16xf32>,
          tpu.vector_store %arg10[%swap3A_851, %swap3A_852, %swap3A_853], %mul3A_850 {strides = array<i32>} : memref<2x80x256xf32, #tpu.memory_space<vmem>>, vector<16xf32>,
          %mul3A_855 = arith.mulf %get3A_396, %exp3A : vector<16xf32>
          %swap3A_856 = arith.index_cast %rem3A_257 : i32 to index
          %swap3A_857 = arith.index_cast %add3A_320 : i32 to index
          %swap3A_858 = arith.constant 240 : index
          %swap3A_859 = tpu.vector_load %arg10[%swap3A_856, %swap3A_857, %swap3A_858] {strides = array<i32>} : memref<2x80x256xf32, #tpu.memory_space<vmem>>, vector<16xf32>,
          tpu.vector_store %arg10[%swap3A_856, %swap3A_857, %swap3A_858], %mul3A_855 {strides = array<i32>} : memref<2x80x256xf32, #tpu.memory_space<vmem>>, vector<16xf32>,
          %swap3A_860 = arith.index_cast %add3A_320 : i32 to index
          %swap3A_861 = arith.constant 0 : index
          %swap3A_862 = tpu.vector_load %arg11[%swap3A_860, %swap3A_861] {strides = array<i32>} : memref<80x16xf32, #tpu.memory_space<vmem>>, vector<16xf32>,
          tpu.vector_store %arg11[%swap3A_860, %swap3A_861], %exp3A {strides = array<i32>} : memref<80x16xf32, #tpu.memory_space<vmem>>, vector<16xf32>,
          %mul3A_863 = arith.mulf %get3A_400, %exp3A_777 : vector<16xf32>
          %swap3A_864 = arith.index_cast %rem3A_257 : i32 to index
          %swap3A_865 = arith.index_cast %add3A_324 : i32 to index
          %swap3A_866 = arith.constant 0 : index
          %swap3A_867 = tpu.vector_load %arg10[%swap3A_864, %swap3A_865, %swap3A_866] {strides = array<i32>} : memref<2x80x256xf32, #tpu.memory_space<vmem>>, vector<16xf32>,
          tpu.vector_store %arg10[%swap3A_864, %swap3A_865, %swap3A_866], %mul3A_863 {strides = array<i32>} : memref<2x80x256xf32, #tpu.memory_space<vmem>>, vector<16xf32>,
          %mul3A_868 = arith.mulf %get3A_404, %exp3A_777 : vector<16xf32>
          %swap3A_869 = arith.index_cast %rem3A_257 : i32 to index
          %swap3A_870 = arith.index_cast %add3A_324 : i32 to index
          %swap3A_871 = arith.constant 16 : index
          %swap3A_872 = tpu.vector_load %arg10[%swap3A_869, %swap3A_870, %swap3A_871] {strides = array<i32>} : memref<2x80x256xf32, #tpu.memory_space<vmem>>, vector<16xf32>,
          tpu.vector_store %arg10[%swap3A_869, %swap3A_870, %swap3A_871], %mul3A_868 {strides = array<i32>} : memref<2x80x256xf32, #tpu.memory_space<vmem>>, vector<16xf32>,
          %mul3A_873 = arith.mulf %get3A_408, %exp3A_777 : vector<16xf32>
          %swap3A_874 = arith.index_cast %rem3A_257 : i32 to index
          %swap3A_875 = arith.index_cast %add3A_324 : i32 to index
          %swap3A_876 = arith.constant 32 : index
          %swap3A_877 = tpu.vector_load %arg10[%swap3A_874, %swap3A_875, %swap3A_876] {strides = array<i32>} : memref<2x80x256xf32, #tpu.memory_space<vmem>>, vector<16xf32>,
          tpu.vector_store %arg10[%swap3A_874, %swap3A_875, %swap3A_876], %mul3A_873 {strides = array<i32>} : memref<2x80x256xf32, #tpu.memory_space<vmem>>, vector<16xf32>,
          %mul3A_878 = arith.mulf %get3A_412, %exp3A_777 : vector<16xf32>
          %swap3A_879 = arith.index_cast %rem3A_257 : i32 to index
          %swap3A_880 = arith.index_cast %add3A_324 : i32 to index
          %swap3A_881 = arith.constant 48 : index
          %swap3A_882 = tpu.vector_load %arg10[%swap3A_879, %swap3A_880, %swap3A_881] {strides = array<i32>} : memref<2x80x256xf32, #tpu.memory_space<vmem>>, vector<16xf32>,
          tpu.vector_store %arg10[%swap3A_879, %swap3A_880, %swap3A_881], %mul3A_878 {strides = array<i32>} : memref<2x80x256xf32, #tpu.memory_space<vmem>>, vector<16xf32>,
          %mul3A_883 = arith.mulf %get3A_416, %exp3A_777 : vector<16xf32>
          %swap3A_884 = arith.index_cast %rem3A_257 : i32 to index
          %swap3A_885 = arith.index_cast %add3A_324 : i32 to index
          %swap3A_886 = arith.constant 64 : index
          %swap3A_887 = tpu.vector_load %arg10[%swap3A_884, %swap3A_885, %swap3A_886] {strides = array<i32>} : memref<2x80x256xf32, #tpu.memory_space<vmem>>, vector<16xf32>,
          tpu.vector_store %arg10[%swap3A_884, %swap3A_885, %swap3A_886], %mul3A_883 {strides = array<i32>} : memref<2x80x256xf32, #tpu.memory_space<vmem>>, vector<16xf32>,
          %mul3A_888 = arith.mulf %get3A_420, %exp3A_777 : vector<16xf32>
          %swap3A_889 = arith.index_cast %rem3A_257 : i32 to index
          %swap3A_890 = arith.index_cast %add3A_324 : i32 to index
          %swap3A_891 = arith.constant 80 : index
          %swap3A_892 = tpu.vector_load %arg10[%swap3A_889, %swap3A_890, %swap3A_891] {strides = array<i32>} : memref<2x80x256xf32, #tpu.memory_space<vmem>>, vector<16xf32>,
          tpu.vector_store %arg10[%swap3A_889, %swap3A_890, %swap3A_891], %mul3A_888 {strides = array<i32>} : memref<2x80x256xf32, #tpu.memory_space<vmem>>, vector<16xf32>,
          %mul3A_893 = arith.mulf %get3A_424, %exp3A_777 : vector<16xf32>
          %swap3A_894 = arith.index_cast %rem3A_257 : i32 to index
          %swap3A_895 = arith.index_cast %add3A_324 : i32 to index
          %swap3A_896 = arith.constant 96 : index
          %swap3A_897 = tpu.vector_load %arg10[%swap3A_894, %swap3A_895, %swap3A_896] {strides = array<i32>} : memref<2x80x256xf32, #tpu.memory_space<vmem>>, vector<16xf32>,
          tpu.vector_store %arg10[%swap3A_894, %swap3A_895, %swap3A_896], %mul3A_893 {strides = array<i32>} : memref<2x80x256xf32, #tpu.memory_space<vmem>>, vector<16xf32>,
          %mul3A_898 = arith.mulf %get3A_428, %exp3A_777 : vector<16xf32>
          %swap3A_899 = arith.index_cast %rem3A_257 : i32 to index
          %swap3A_900 = arith.index_cast %add3A_324 : i32 to index
          %swap3A_901 = arith.constant 112 : index
          %swap3A_902 = tpu.vector_load %arg10[%swap3A_899, %swap3A_900, %swap3A_901] {strides = array<i32>} : memref<2x80x256xf32, #tpu.memory_space<vmem>>, vector<16xf32>,
          tpu.vector_store %arg10[%swap3A_899, %swap3A_900, %swap3A_901], %mul3A_898 {strides = array<i32>} : memref<2x80x256xf32, #tpu.memory_space<vmem>>, vector<16xf32>,
          %mul3A_903 = arith.mulf %get3A_432, %exp3A_777 : vector<16xf32>
          %swap3A_904 = arith.index_cast %rem3A_257 : i32 to index
          %swap3A_905 = arith.index_cast %add3A_324 : i32 to index
          %swap3A_906 = arith.constant 128 : index
          %swap3A_907 = tpu.vector_load %arg10[%swap3A_904, %swap3A_905, %swap3A_906] {strides = array<i32>} : memref<2x80x256xf32, #tpu.memory_space<vmem>>, vector<16xf32>,
          tpu.vector_store %arg10[%swap3A_904, %swap3A_905, %swap3A_906], %mul3A_903 {strides = array<i32>} : memref<2x80x256xf32, #tpu.memory_space<vmem>>, vector<16xf32>,
          %mul3A_908 = arith.mulf %get3A_436, %exp3A_777 : vector<16xf32>
          %swap3A_909 = arith.index_cast %rem3A_257 : i32 to index
          %swap3A_910 = arith.index_cast %add3A_324 : i32 to index
          %swap3A_911 = arith.constant 144 : index
          %swap3A_912 = tpu.vector_load %arg10[%swap3A_909, %swap3A_910, %swap3A_911] {strides = array<i32>} : memref<2x80x256xf32, #tpu.memory_space<vmem>>, vector<16xf32>,
          tpu.vector_store %arg10[%swap3A_909, %swap3A_910, %swap3A_911], %mul3A_908 {strides = array<i32>} : memref<2x80x256xf32, #tpu.memory_space<vmem>>, vector<16xf32>,
          %mul3A_913 = arith.mulf %get3A_440, %exp3A_777 : vector<16xf32>
          %swap3A_914 = arith.index_cast %rem3A_257 : i32 to index
          %swap3A_915 = arith.index_cast %add3A_324 : i32 to index
          %swap3A_916 = arith.constant 160 : index
          %swap3A_917 = tpu.vector_load %arg10[%swap3A_914, %swap3A_915, %swap3A_916] {strides = array<i32>} : memref<2x80x256xf32, #tpu.memory_space<vmem>>, vector<16xf32>,
          tpu.vector_store %arg10[%swap3A_914, %swap3A_915, %swap3A_916], %mul3A_913 {strides = array<i32>} : memref<2x80x256xf32, #tpu.memory_space<vmem>>, vector<16xf32>,
          %mul3A_918 = arith.mulf %get3A_444, %exp3A_777 : vector<16xf32>
          %swap3A_919 = arith.index_cast %rem3A_257 : i32 to index
          %swap3A_920 = arith.index_cast %add3A_324 : i32 to index
          %swap3A_921 = arith.constant 176 : index
          %swap3A_922 = tpu.vector_load %arg10[%swap3A_919, %swap3A_920, %swap3A_921] {strides = array<i32>} : memref<2x80x256xf32, #tpu.memory_space<vmem>>, vector<16xf32>,
          tpu.vector_store %arg10[%swap3A_919, %swap3A_920, %swap3A_921], %mul3A_918 {strides = array<i32>} : memref<2x80x256xf32, #tpu.memory_space<vmem>>, vector<16xf32>,
          %mul3A_923 = arith.mulf %get3A_448, %exp3A_777 : vector<16xf32>
          %swap3A_924 = arith.index_cast %rem3A_257 : i32 to index
          %swap3A_925 = arith.index_cast %add3A_324 : i32 to index
          %swap3A_926 = arith.constant 192 : index
          %swap3A_927 = tpu.vector_load %arg10[%swap3A_924, %swap3A_925, %swap3A_926] {strides = array<i32>} : memref<2x80x256xf32, #tpu.memory_space<vmem>>, vector<16xf32>,
          tpu.vector_store %arg10[%swap3A_924, %swap3A_925, %swap3A_926], %mul3A_923 {strides = array<i32>} : memref<2x80x256xf32, #tpu.memory_space<vmem>>, vector<16xf32>,
          %mul3A_928 = arith.mulf %get3A_452, %exp3A_777 : vector<16xf32>
          %swap3A_929 = arith.index_cast %rem3A_257 : i32 to index
          %swap3A_930 = arith.index_cast %add3A_324 : i32 to index
          %swap3A_931 = arith.constant 208 : index
          %swap3A_932 = tpu.vector_load %arg10[%swap3A_929, %swap3A_930, %swap3A_931] {strides = array<i32>} : memref<2x80x256xf32, #tpu.memory_space<vmem>>, vector<16xf32>,
          tpu.vector_store %arg10[%swap3A_929, %swap3A_930, %swap3A_931], %mul3A_928 {strides = array<i32>} : memref<2x80x256xf32, #tpu.memory_space<vmem>>, vector<16xf32>,
          %mul3A_933 = arith.mulf %get3A_456, %exp3A_777 : vector<16xf32>
          %swap3A_934 = arith.index_cast %rem3A_257 : i32 to index
          %swap3A_935 = arith.index_cast %add3A_324 : i32 to index
          %swap3A_936 = arith.constant 224 : index
          %swap3A_937 = tpu.vector_load %arg10[%swap3A_934, %swap3A_935, %swap3A_936] {strides = array<i32>} : memref<2x80x256xf32, #tpu.memory_space<vmem>>, vector<16xf32>,
          tpu.vector_store %arg10[%swap3A_934, %swap3A_935, %swap3A_936], %mul3A_933 {strides = array<i32>} : memref<2x80x256xf32, #tpu.memory_space<vmem>>, vector<16xf32>,
          %mul3A_938 = arith.mulf %get3A_460, %exp3A_777 : vector<16xf32>
          %swap3A_939 = arith.index_cast %rem3A_257 : i32 to index
          %swap3A_940 = arith.index_cast %add3A_324 : i32 to index
          %swap3A_941 = arith.constant 240 : index
          %swap3A_942 = tpu.vector_load %arg10[%swap3A_939, %swap3A_940, %swap3A_941] {strides = array<i32>} : memref<2x80x256xf32, #tpu.memory_space<vmem>>, vector<16xf32>,
          tpu.vector_store %arg10[%swap3A_939, %swap3A_940, %swap3A_941], %mul3A_938 {strides = array<i32>} : memref<2x80x256xf32, #tpu.memory_space<vmem>>, vector<16xf32>,
          %swap3A_943 = arith.index_cast %add3A_324 : i32 to index
          %swap3A_944 = arith.constant 0 : index
          %swap3A_945 = tpu.vector_load %arg11[%swap3A_943, %swap3A_944] {strides = array<i32>} : memref<80x16xf32, #tpu.memory_space<vmem>>, vector<16xf32>,
          tpu.vector_store %arg11[%swap3A_943, %swap3A_944], %exp3A_777 {strides = array<i32>} : memref<80x16xf32, #tpu.memory_space<vmem>>, vector<16xf32>,
          %mul3A_946 = arith.mulf %get3A_464, %exp3A_778 : vector<16xf32>
          %swap3A_947 = arith.index_cast %rem3A_257 : i32 to index
          %swap3A_948 = arith.index_cast %add3A_328 : i32 to index
          %swap3A_949 = arith.constant 0 : index
          %swap3A_950 = tpu.vector_load %arg10[%swap3A_947, %swap3A_948, %swap3A_949] {strides = array<i32>} : memref<2x80x256xf32, #tpu.memory_space<vmem>>, vector<16xf32>,
          tpu.vector_store %arg10[%swap3A_947, %swap3A_948, %swap3A_949], %mul3A_946 {strides = array<i32>} : memref<2x80x256xf32, #tpu.memory_space<vmem>>, vector<16xf32>,
          %mul3A_951 = arith.mulf %get3A_468, %exp3A_778 : vector<16xf32>
          %swap3A_952 = arith.index_cast %rem3A_257 : i32 to index
          %swap3A_953 = arith.index_cast %add3A_328 : i32 to index
          %swap3A_954 = arith.constant 16 : index
          %swap3A_955 = tpu.vector_load %arg10[%swap3A_952, %swap3A_953, %swap3A_954] {strides = array<i32>} : memref<2x80x256xf32, #tpu.memory_space<vmem>>, vector<16xf32>,
          tpu.vector_store %arg10[%swap3A_952, %swap3A_953, %swap3A_954], %mul3A_951 {strides = array<i32>} : memref<2x80x256xf32, #tpu.memory_space<vmem>>, vector<16xf32>,
          %mul3A_956 = arith.mulf %get3A_472, %exp3A_778 : vector<16xf32>
          %swap3A_957 = arith.index_cast %rem3A_257 : i32 to index
          %swap3A_958 = arith.index_cast %add3A_328 : i32 to index
          %swap3A_959 = arith.constant 32 : index
          %swap3A_960 = tpu.vector_load %arg10[%swap3A_957, %swap3A_958, %swap3A_959] {strides = array<i32>} : memref<2x80x256xf32, #tpu.memory_space<vmem>>, vector<16xf32>,
          tpu.vector_store %arg10[%swap3A_957, %swap3A_958, %swap3A_959], %mul3A_956 {strides = array<i32>} : memref<2x80x256xf32, #tpu.memory_space<vmem>>, vector<16xf32>,
          %mul3A_961 = arith.mulf %get3A_476, %exp3A_778 : vector<16xf32>
          %swap3A_962 = arith.index_cast %rem3A_257 : i32 to index
          %swap3A_963 = arith.index_cast %add3A_328 : i32 to index
          %swap3A_964 = arith.constant 48 : index
          %swap3A_965 = tpu.vector_load %arg10[%swap3A_962, %swap3A_963, %swap3A_964] {strides = array<i32>} : memref<2x80x256xf32, #tpu.memory_space<vmem>>, vector<16xf32>,
          tpu.vector_store %arg10[%swap3A_962, %swap3A_963, %swap3A_964], %mul3A_961 {strides = array<i32>} : memref<2x80x256xf32, #tpu.memory_space<vmem>>, vector<16xf32>,
          %mul3A_966 = arith.mulf %get3A_480, %exp3A_778 : vector<16xf32>
          %swap3A_967 = arith.index_cast %rem3A_257 : i32 to index
          %swap3A_968 = arith.index_cast %add3A_328 : i32 to index
          %swap3A_969 = arith.constant 64 : index
          %swap3A_970 = tpu.vector_load %arg10[%swap3A_967, %swap3A_968, %swap3A_969] {strides = array<i32>} : memref<2x80x256xf32, #tpu.memory_space<vmem>>, vector<16xf32>,
          tpu.vector_store %arg10[%swap3A_967, %swap3A_968, %swap3A_969], %mul3A_966 {strides = array<i32>} : memref<2x80x256xf32, #tpu.memory_space<vmem>>, vector<16xf32>,
          %mul3A_971 = arith.mulf %get3A_484, %exp3A_778 : vector<16xf32>
          %swap3A_972 = arith.index_cast %rem3A_257 : i32 to index
          %swap3A_973 = arith.index_cast %add3A_328 : i32 to index
          %swap3A_974 = arith.constant 80 : index
          %swap3A_975 = tpu.vector_load %arg10[%swap3A_972, %swap3A_973, %swap3A_974] {strides = array<i32>} : memref<2x80x256xf32, #tpu.memory_space<vmem>>, vector<16xf32>,
          tpu.vector_store %arg10[%swap3A_972, %swap3A_973, %swap3A_974], %mul3A_971 {strides = array<i32>} : memref<2x80x256xf32, #tpu.memory_space<vmem>>, vector<16xf32>,
          %mul3A_976 = arith.mulf %get3A_488, %exp3A_778 : vector<16xf32>
          %swap3A_977 = arith.index_cast %rem3A_257 : i32 to index
          %swap3A_978 = arith.index_cast %add3A_328 : i32 to index
          %swap3A_979 = arith.constant 96 : index
          %swap3A_980 = tpu.vector_load %arg10[%swap3A_977, %swap3A_978, %swap3A_979] {strides = array<i32>} : memref<2x80x256xf32, #tpu.memory_space<vmem>>, vector<16xf32>,
          tpu.vector_store %arg10[%swap3A_977, %swap3A_978, %swap3A_979], %mul3A_976 {strides = array<i32>} : memref<2x80x256xf32, #tpu.memory_space<vmem>>, vector<16xf32>,
          %mul3A_981 = arith.mulf %get3A_492, %exp3A_778 : vector<16xf32>
          %swap3A_982 = arith.index_cast %rem3A_257 : i32 to index
          %swap3A_983 = arith.index_cast %add3A_328 : i32 to index
          %swap3A_984 = arith.constant 112 : index
          %swap3A_985 = tpu.vector_load %arg10[%swap3A_982, %swap3A_983, %swap3A_984] {strides = array<i32>} : memref<2x80x256xf32, #tpu.memory_space<vmem>>, vector<16xf32>,
          tpu.vector_store %arg10[%swap3A_982, %swap3A_983, %swap3A_984], %mul3A_981 {strides = array<i32>} : memref<2x80x256xf32, #tpu.memory_space<vmem>>, vector<16xf32>,
          %mul3A_986 = arith.mulf %get3A_496, %exp3A_778 : vector<16xf32>
          %swap3A_987 = arith.index_cast %rem3A_257 : i32 to index
          %swap3A_988 = arith.index_cast %add3A_328 : i32 to index
          %swap3A_989 = arith.constant 128 : index
          %swap3A_990 = tpu.vector_load %arg10[%swap3A_987, %swap3A_988, %swap3A_989] {strides = array<i32>} : memref<2x80x256xf32, #tpu.memory_space<vmem>>, vector<16xf32>,
          tpu.vector_store %arg10[%swap3A_987, %swap3A_988, %swap3A_989], %mul3A_986 {strides = array<i32>} : memref<2x80x256xf32, #tpu.memory_space<vmem>>, vector<16xf32>,
          %mul3A_991 = arith.mulf %get3A_500, %exp3A_778 : vector<16xf32>
          %swap3A_992 = arith.index_cast %rem3A_257 : i32 to index
          %swap3A_993 = arith.index_cast %add3A_328 : i32 to index
          %swap3A_994 = arith.constant 144 : index
          %swap3A_995 = tpu.vector_load %arg10[%swap3A_992, %swap3A_993, %swap3A_994] {strides = array<i32>} : memref<2x80x256xf32, #tpu.memory_space<vmem>>, vector<16xf32>,
          tpu.vector_store %arg10[%swap3A_992, %swap3A_993, %swap3A_994], %mul3A_991 {strides = array<i32>} : memref<2x80x256xf32, #tpu.memory_space<vmem>>, vector<16xf32>,
          %mul3A_996 = arith.mulf %get3A_504, %exp3A_778 : vector<16xf32>
          %swap3A_997 = arith.index_cast %rem3A_257 : i32 to index
          %swap3A_998 = arith.index_cast %add3A_328 : i32 to index
          %swap3A_999 = arith.constant 160 : index
          %swap3A_1000 = tpu.vector_load %arg10[%swap3A_997, %swap3A_998, %swap3A_999] {strides = array<i32>} : memref<2x80x256xf32, #tpu.memory_space<vmem>>, vector<16xf32>,
          tpu.vector_store %arg10[%swap3A_997, %swap3A_998, %swap3A_999], %mul3A_996 {strides = array<i32>} : memref<2x80x256xf32, #tpu.memory_space<vmem>>, vector<16xf32>,
          %mul3A_1001 = arith.mulf %get3A_508, %exp3A_778 : vector<16xf32>
          %swap3A_1002 = arith.index_cast %rem3A_257 : i32 to index
          %swap3A_1003 = arith.index_cast %add3A_328 : i32 to index
          %swap3A_1004 = arith.constant 176 : index
          %swap3A_1005 = tpu.vector_load %arg10[%swap3A_1002, %swap3A_1003, %swap3A_1004] {strides = array<i32>} : memref<2x80x256xf32, #tpu.memory_space<vmem>>, vector<16xf32>,
          tpu.vector_store %arg10[%swap3A_1002, %swap3A_1003, %swap3A_1004], %mul3A_1001 {strides = array<i32>} : memref<2x80x256xf32, #tpu.memory_space<vmem>>, vector<16xf32>,
          %mul3A_1006 = arith.mulf %get3A_512, %exp3A_778 : vector<16xf32>
          %swap3A_1007 = arith.index_cast %rem3A_257 : i32 to index
          %swap3A_1008 = arith.index_cast %add3A_328 : i32 to index
          %swap3A_1009 = arith.constant 192 : index
          %swap3A_1010 = tpu.vector_load %arg10[%swap3A_1007, %swap3A_1008, %swap3A_1009] {strides = array<i32>} : memref<2x80x256xf32, #tpu.memory_space<vmem>>, vector<16xf32>,
          tpu.vector_store %arg10[%swap3A_1007, %swap3A_1008, %swap3A_1009], %mul3A_1006 {strides = array<i32>} : memref<2x80x256xf32, #tpu.memory_space<vmem>>, vector<16xf32>,
          %mul3A_1011 = arith.mulf %get3A_516, %exp3A_778 : vector<16xf32>
          %swap3A_1012 = arith.index_cast %rem3A_257 : i32 to index
          %swap3A_1013 = arith.index_cast %add3A_328 : i32 to index
          %swap3A_1014 = arith.constant 208 : index
          %swap3A_1015 = tpu.vector_load %arg10[%swap3A_1012, %swap3A_1013, %swap3A_1014] {strides = array<i32>} : memref<2x80x256xf32, #tpu.memory_space<vmem>>, vector<16xf32>,
          tpu.vector_store %arg10[%swap3A_1012, %swap3A_1013, %swap3A_1014], %mul3A_1011 {strides = array<i32>} : memref<2x80x256xf32, #tpu.memory_space<vmem>>, vector<16xf32>,
          %mul3A_1016 = arith.mulf %get3A_520, %exp3A_778 : vector<16xf32>
          %swap3A_1017 = arith.index_cast %rem3A_257 : i32 to index
          %swap3A_1018 = arith.index_cast %add3A_328 : i32 to index
          %swap3A_1019 = arith.constant 224 : index
          %swap3A_1020 = tpu.vector_load %arg10[%swap3A_1017, %swap3A_1018, %swap3A_1019] {strides = array<i32>} : memref<2x80x256xf32, #tpu.memory_space<vmem>>, vector<16xf32>,
          tpu.vector_store %arg10[%swap3A_1017, %swap3A_1018, %swap3A_1019], %mul3A_1016 {strides = array<i32>} : memref<2x80x256xf32, #tpu.memory_space<vmem>>, vector<16xf32>,
          %mul3A_1021 = arith.mulf %get3A_524, %exp3A_778 : vector<16xf32>
          %swap3A_1022 = arith.index_cast %rem3A_257 : i32 to index
          %swap3A_1023 = arith.index_cast %add3A_328 : i32 to index
          %swap3A_1024 = arith.constant 240 : index
          %swap3A_1025 = tpu.vector_load %arg10[%swap3A_1022, %swap3A_1023, %swap3A_1024] {strides = array<i32>} : memref<2x80x256xf32, #tpu.memory_space<vmem>>, vector<16xf32>,
          tpu.vector_store %arg10[%swap3A_1022, %swap3A_1023, %swap3A_1024], %mul3A_1021 {strides = array<i32>} : memref<2x80x256xf32, #tpu.memory_space<vmem>>, vector<16xf32>,
          %swap3A_1026 = arith.index_cast %add3A_328 : i32 to index
          %swap3A_1027 = arith.constant 0 : index
          %swap3A_1028 = tpu.vector_load %arg11[%swap3A_1026, %swap3A_1027] {strides = array<i32>} : memref<80x16xf32, #tpu.memory_space<vmem>>, vector<16xf32>,
          tpu.vector_store %arg11[%swap3A_1026, %swap3A_1027], %exp3A_778 {strides = array<i32>} : memref<80x16xf32, #tpu.memory_space<vmem>>, vector<16xf32>,
          %mul3A_1029 = arith.mulf %get3A_528, %exp3A_779 : vector<16xf32>
          %swap3A_1030 = arith.index_cast %rem3A_257 : i32 to index
          %swap3A_1031 = arith.index_cast %add3A_332 : i32 to index
          %swap3A_1032 = arith.constant 0 : index
          %swap3A_1033 = tpu.vector_load %arg10[%swap3A_1030, %swap3A_1031, %swap3A_1032] {strides = array<i32>} : memref<2x80x256xf32, #tpu.memory_space<vmem>>, vector<16xf32>,
          tpu.vector_store %arg10[%swap3A_1030, %swap3A_1031, %swap3A_1032], %mul3A_1029 {strides = array<i32>} : memref<2x80x256xf32, #tpu.memory_space<vmem>>, vector<16xf32>,
          %mul3A_1034 = arith.mulf %get3A_532, %exp3A_779 : vector<16xf32>
          %swap3A_1035 = arith.index_cast %rem3A_257 : i32 to index
          %swap3A_1036 = arith.index_cast %add3A_332 : i32 to index
          %swap3A_1037 = arith.constant 16 : index
          %swap3A_1038 = tpu.vector_load %arg10[%swap3A_1035, %swap3A_1036, %swap3A_1037] {strides = array<i32>} : memref<2x80x256xf32, #tpu.memory_space<vmem>>, vector<16xf32>,
          tpu.vector_store %arg10[%swap3A_1035, %swap3A_1036, %swap3A_1037], %mul3A_1034 {strides = array<i32>} : memref<2x80x256xf32, #tpu.memory_space<vmem>>, vector<16xf32>,
          %mul3A_1039 = arith.mulf %get3A_536, %exp3A_779 : vector<16xf32>
          %swap3A_1040 = arith.index_cast %rem3A_257 : i32 to index
          %swap3A_1041 = arith.index_cast %add3A_332 : i32 to index
          %swap3A_1042 = arith.constant 32 : index
          %swap3A_1043 = tpu.vector_load %arg10[%swap3A_1040, %swap3A_1041, %swap3A_1042] {strides = array<i32>} : memref<2x80x256xf32, #tpu.memory_space<vmem>>, vector<16xf32>,
          tpu.vector_store %arg10[%swap3A_1040, %swap3A_1041, %swap3A_1042], %mul3A_1039 {strides = array<i32>} : memref<2x80x256xf32, #tpu.memory_space<vmem>>, vector<16xf32>,
          %mul3A_1044 = arith.mulf %get3A_540, %exp3A_779 : vector<16xf32>
          %swap3A_1045 = arith.index_cast %rem3A_257 : i32 to index
          %swap3A_1046 = arith.index_cast %add3A_332 : i32 to index
          %swap3A_1047 = arith.constant 48 : index
          %swap3A_1048 = tpu.vector_load %arg10[%swap3A_1045, %swap3A_1046, %swap3A_1047] {strides = array<i32>} : memref<2x80x256xf32, #tpu.memory_space<vmem>>, vector<16xf32>,
          tpu.vector_store %arg10[%swap3A_1045, %swap3A_1046, %swap3A_1047], %mul3A_1044 {strides = array<i32>} : memref<2x80x256xf32, #tpu.memory_space<vmem>>, vector<16xf32>,
          %mul3A_1049 = arith.mulf %get3A_544, %exp3A_779 : vector<16xf32>
          %swap3A_1050 = arith.index_cast %rem3A_257 : i32 to index
          %swap3A_1051 = arith.index_cast %add3A_332 : i32 to index
          %swap3A_1052 = arith.constant 64 : index
          %swap3A_1053 = tpu.vector_load %arg10[%swap3A_1050, %swap3A_1051, %swap3A_1052] {strides = array<i32>} : memref<2x80x256xf32, #tpu.memory_space<vmem>>, vector<16xf32>,
          tpu.vector_store %arg10[%swap3A_1050, %swap3A_1051, %swap3A_1052], %mul3A_1049 {strides = array<i32>} : memref<2x80x256xf32, #tpu.memory_space<vmem>>, vector<16xf32>,
          %mul3A_1054 = arith.mulf %get3A_548, %exp3A_779 : vector<16xf32>
          %swap3A_1055 = arith.index_cast %rem3A_257 : i32 to index
          %swap3A_1056 = arith.index_cast %add3A_332 : i32 to index
          %swap3A_1057 = arith.constant 80 : index
          %swap3A_1058 = tpu.vector_load %arg10[%swap3A_1055, %swap3A_1056, %swap3A_1057] {strides = array<i32>} : memref<2x80x256xf32, #tpu.memory_space<vmem>>, vector<16xf32>,
          tpu.vector_store %arg10[%swap3A_1055, %swap3A_1056, %swap3A_1057], %mul3A_1054 {strides = array<i32>} : memref<2x80x256xf32, #tpu.memory_space<vmem>>, vector<16xf32>,
          %mul3A_1059 = arith.mulf %get3A_552, %exp3A_779 : vector<16xf32>
          %swap3A_1060 = arith.index_cast %rem3A_257 : i32 to index
          %swap3A_1061 = arith.index_cast %add3A_332 : i32 to index
          %swap3A_1062 = arith.constant 96 : index
          %swap3A_1063 = tpu.vector_load %arg10[%swap3A_1060, %swap3A_1061, %swap3A_1062] {strides = array<i32>} : memref<2x80x256xf32, #tpu.memory_space<vmem>>, vector<16xf32>,
          tpu.vector_store %arg10[%swap3A_1060, %swap3A_1061, %swap3A_1062], %mul3A_1059 {strides = array<i32>} : memref<2x80x256xf32, #tpu.memory_space<vmem>>, vector<16xf32>,
          %mul3A_1064 = arith.mulf %get3A_556, %exp3A_779 : vector<16xf32>
          %swap3A_1065 = arith.index_cast %rem3A_257 : i32 to index
          %swap3A_1066 = arith.index_cast %add3A_332 : i32 to index
          %swap3A_1067 = arith.constant 112 : index
          %swap3A_1068 = tpu.vector_load %arg10[%swap3A_1065, %swap3A_1066, %swap3A_1067] {strides = array<i32>} : memref<2x80x256xf32, #tpu.memory_space<vmem>>, vector<16xf32>,
          tpu.vector_store %arg10[%swap3A_1065, %swap3A_1066, %swap3A_1067], %mul3A_1064 {strides = array<i32>} : memref<2x80x256xf32, #tpu.memory_space<vmem>>, vector<16xf32>,
          %mul3A_1069 = arith.mulf %get3A_560, %exp3A_779 : vector<16xf32>
          %swap3A_1070 = arith.index_cast %rem3A_257 : i32 to index
          %swap3A_1071 = arith.index_cast %add3A_332 : i32 to index
          %swap3A_1072 = arith.constant 128 : index
          %swap3A_1073 = tpu.vector_load %arg10[%swap3A_1070, %swap3A_1071, %swap3A_1072] {strides = array<i32>} : memref<2x80x256xf32, #tpu.memory_space<vmem>>, vector<16xf32>,
          tpu.vector_store %arg10[%swap3A_1070, %swap3A_1071, %swap3A_1072], %mul3A_1069 {strides = array<i32>} : memref<2x80x256xf32, #tpu.memory_space<vmem>>, vector<16xf32>,
          %mul3A_1074 = arith.mulf %get3A_564, %exp3A_779 : vector<16xf32>
          %swap3A_1075 = arith.index_cast %rem3A_257 : i32 to index
          %swap3A_1076 = arith.index_cast %add3A_332 : i32 to index
          %swap3A_1077 = arith.constant 144 : index
          %swap3A_1078 = tpu.vector_load %arg10[%swap3A_1075, %swap3A_1076, %swap3A_1077] {strides = array<i32>} : memref<2x80x256xf32, #tpu.memory_space<vmem>>, vector<16xf32>,
          tpu.vector_store %arg10[%swap3A_1075, %swap3A_1076, %swap3A_1077], %mul3A_1074 {strides = array<i32>} : memref<2x80x256xf32, #tpu.memory_space<vmem>>, vector<16xf32>,
          %mul3A_1079 = arith.mulf %get3A_568, %exp3A_779 : vector<16xf32>
          %swap3A_1080 = arith.index_cast %rem3A_257 : i32 to index
          %swap3A_1081 = arith.index_cast %add3A_332 : i32 to index
          %swap3A_1082 = arith.constant 160 : index
          %swap3A_1083 = tpu.vector_load %arg10[%swap3A_1080, %swap3A_1081, %swap3A_1082] {strides = array<i32>} : memref<2x80x256xf32, #tpu.memory_space<vmem>>, vector<16xf32>,
          tpu.vector_store %arg10[%swap3A_1080, %swap3A_1081, %swap3A_1082], %mul3A_1079 {strides = array<i32>} : memref<2x80x256xf32, #tpu.memory_space<vmem>>, vector<16xf32>,
          %mul3A_1084 = arith.mulf %get3A_572, %exp3A_779 : vector<16xf32>
          %swap3A_1085 = arith.index_cast %rem3A_257 : i32 to index
          %swap3A_1086 = arith.index_cast %add3A_332 : i32 to index
          %swap3A_1087 = arith.constant 176 : index
          %swap3A_1088 = tpu.vector_load %arg10[%swap3A_1085, %swap3A_1086, %swap3A_1087] {strides = array<i32>} : memref<2x80x256xf32, #tpu.memory_space<vmem>>, vector<16xf32>,
          tpu.vector_store %arg10[%swap3A_1085, %swap3A_1086, %swap3A_1087], %mul3A_1084 {strides = array<i32>} : memref<2x80x256xf32, #tpu.memory_space<vmem>>, vector<16xf32>,
          %mul3A_1089 = arith.mulf %get3A_576, %exp3A_779 : vector<16xf32>
          %swap3A_1090 = arith.index_cast %rem3A_257 : i32 to index
          %swap3A_1091 = arith.index_cast %add3A_332 : i32 to index
          %swap3A_1092 = arith.constant 192 : index
          %swap3A_1093 = tpu.vector_load %arg10[%swap3A_1090, %swap3A_1091, %swap3A_1092] {strides = array<i32>} : memref<2x80x256xf32, #tpu.memory_space<vmem>>, vector<16xf32>,
          tpu.vector_store %arg10[%swap3A_1090, %swap3A_1091, %swap3A_1092], %mul3A_1089 {strides = array<i32>} : memref<2x80x256xf32, #tpu.memory_space<vmem>>, vector<16xf32>,
          %mul3A_1094 = arith.mulf %get3A_580, %exp3A_779 : vector<16xf32>
          %swap3A_1095 = arith.index_cast %rem3A_257 : i32 to index
          %swap3A_1096 = arith.index_cast %add3A_332 : i32 to index
          %swap3A_1097 = arith.constant 208 : index
          %swap3A_1098 = tpu.vector_load %arg10[%swap3A_1095, %swap3A_1096, %swap3A_1097] {strides = array<i32>} : memref<2x80x256xf32, #tpu.memory_space<vmem>>, vector<16xf32>,
          tpu.vector_store %arg10[%swap3A_1095, %swap3A_1096, %swap3A_1097], %mul3A_1094 {strides = array<i32>} : memref<2x80x256xf32, #tpu.memory_space<vmem>>, vector<16xf32>,
          %mul3A_1099 = arith.mulf %get3A_584, %exp3A_779 : vector<16xf32>
          %swap3A_1100 = arith.index_cast %rem3A_257 : i32 to index
          %swap3A_1101 = arith.index_cast %add3A_332 : i32 to index
          %swap3A_1102 = arith.constant 224 : index
          %swap3A_1103 = tpu.vector_load %arg10[%swap3A_1100, %swap3A_1101, %swap3A_1102] {strides = array<i32>} : memref<2x80x256xf32, #tpu.memory_space<vmem>>, vector<16xf32>,
          tpu.vector_store %arg10[%swap3A_1100, %swap3A_1101, %swap3A_1102], %mul3A_1099 {strides = array<i32>} : memref<2x80x256xf32, #tpu.memory_space<vmem>>, vector<16xf32>,
          %mul3A_1104 = arith.mulf %get3A_588, %exp3A_779 : vector<16xf32>
          %swap3A_1105 = arith.index_cast %rem3A_257 : i32 to index
          %swap3A_1106 = arith.index_cast %add3A_332 : i32 to index
          %swap3A_1107 = arith.constant 240 : index
          %swap3A_1108 = tpu.vector_load %arg10[%swap3A_1105, %swap3A_1106, %swap3A_1107] {strides = array<i32>} : memref<2x80x256xf32, #tpu.memory_space<vmem>>, vector<16xf32>,
          tpu.vector_store %arg10[%swap3A_1105, %swap3A_1106, %swap3A_1107], %mul3A_1104 {strides = array<i32>} : memref<2x80x256xf32, #tpu.memory_space<vmem>>, vector<16xf32>,
          %swap3A_1109 = arith.index_cast %add3A_332 : i32 to index
          %swap3A_1110 = arith.constant 0 : index
          %swap3A_1111 = tpu.vector_load %arg11[%swap3A_1109, %swap3A_1110] {strides = array<i32>} : memref<80x16xf32, #tpu.memory_space<vmem>>, vector<16xf32>,
          tpu.vector_store %arg11[%swap3A_1109, %swap3A_1110], %exp3A_779 {strides = array<i32>} : memref<80x16xf32, #tpu.memory_space<vmem>>, vector<16xf32>,
        }
        %scan3A_265 = arith.constant 20 : i32
        %add3A_266 = arith.constant 0 : i32
        %add3A_267 = vector.broadcast %add3A_266 : i32 to vector<16xi32>
        %add3A_268 = arith.addi %iota3A, %add3A_267 : vector<16xi32>
        %gather3A = tpu.vector_load_idx %arg11[%add3A_268, %broadcast_in_dim3A_43] : memref<80x16xf32, #tpu.memory_space<vmem>>[vector<16xi32>, vector<16xi32>], vector<16xf32>,
        %get3A_269 = arith.index_cast %rem3A_259 : i32 to index
        %get3A_270 = arith.constant 0 : index
        %get3A_271 = tpu.vector_load %arg8[%get3A_269, %get3A_270] {strides = array<i32>} : memref<4x80xi32, #tpu.memory_space<vmem>>, vector<16xi32>,
        tpu.vector_store_idx %arg12[%get3A_271], %gather3A {add = true} : memref<512xf32, #tpu.memory_space<vmem>>[vector<16xi32>], vector<16xf32>,
        %add3A_272 = arith.constant 16 : i32
        %add3A_273 = vector.broadcast %add3A_272 : i32 to vector<16xi32>
        %add3A_274 = arith.addi %iota3A, %add3A_273 : vector<16xi32>
        %gather3A_275 = tpu.vector_load_idx %arg11[%add3A_274, %broadcast_in_dim3A_43] : memref<80x16xf32, #tpu.memory_space<vmem>>[vector<16xi32>, vector<16xi32>], vector<16xf32>,
        %get3A_276 = arith.index_cast %rem3A_259 : i32 to index
        %get3A_277 = arith.constant 16 : index
        %get3A_278 = tpu.vector_load %arg8[%get3A_276, %get3A_277] {strides = array<i32>} : memref<4x80xi32, #tpu.memory_space<vmem>>, vector<16xi32>,
        tpu.vector_store_idx %arg12[%get3A_278], %gather3A_275 {add = true} : memref<512xf32, #tpu.memory_space<vmem>>[vector<16xi32>], vector<16xf32>,
        %add3A_279 = arith.constant 32 : i32
        %add3A_280 = vector.broadcast %add3A_279 : i32 to vector<16xi32>
        %add3A_281 = arith.addi %iota3A, %add3A_280 : vector<16xi32>
        %gather3A_282 = tpu.vector_load_idx %arg11[%add3A_281, %broadcast_in_dim3A_43] : memref<80x16xf32, #tpu.memory_space<vmem>>[vector<16xi32>, vector<16xi32>], vector<16xf32>,
        %get3A_283 = arith.index_cast %rem3A_259 : i32 to index
        %get3A_284 = arith.constant 32 : index
        %get3A_285 = tpu.vector_load %arg8[%get3A_283, %get3A_284] {strides = array<i32>} : memref<4x80xi32, #tpu.memory_space<vmem>>, vector<16xi32>,
        tpu.vector_store_idx %arg12[%get3A_285], %gather3A_282 {add = true} : memref<512xf32, #tpu.memory_space<vmem>>[vector<16xi32>], vector<16xf32>,
        %add3A_286 = arith.constant 48 : i32
        %add3A_287 = vector.broadcast %add3A_286 : i32 to vector<16xi32>
        %add3A_288 = arith.addi %iota3A, %add3A_287 : vector<16xi32>
        %gather3A_289 = tpu.vector_load_idx %arg11[%add3A_288, %broadcast_in_dim3A_43] : memref<80x16xf32, #tpu.memory_space<vmem>>[vector<16xi32>, vector<16xi32>], vector<16xf32>,
        %get3A_290 = arith.index_cast %rem3A_259 : i32 to index
        %get3A_291 = arith.constant 48 : index
        %get3A_292 = tpu.vector_load %arg8[%get3A_290, %get3A_291] {strides = array<i32>} : memref<4x80xi32, #tpu.memory_space<vmem>>, vector<16xi32>,
        tpu.vector_store_idx %arg12[%get3A_292], %gather3A_289 {add = true} : memref<512xf32, #tpu.memory_space<vmem>>[vector<16xi32>], vector<16xf32>,
        %add3A_293 = arith.constant 64 : i32
        %add3A_294 = vector.broadcast %add3A_293 : i32 to vector<16xi32>
        %add3A_295 = arith.addi %iota3A, %add3A_294 : vector<16xi32>
        %gather3A_296 = tpu.vector_load_idx %arg11[%add3A_295, %broadcast_in_dim3A_43] : memref<80x16xf32, #tpu.memory_space<vmem>>[vector<16xi32>, vector<16xi32>], vector<16xf32>,
        %get3A_297 = arith.index_cast %rem3A_259 : i32 to index
        %get3A_298 = arith.constant 64 : index
        %get3A_299 = tpu.vector_load %arg8[%get3A_297, %get3A_298] {strides = array<i32>} : memref<4x80xi32, #tpu.memory_space<vmem>>, vector<16xi32>,
        tpu.vector_store_idx %arg12[%get3A_299], %gather3A_296 {add = true} : memref<512xf32, #tpu.memory_space<vmem>>[vector<16xi32>], vector<16xf32>,
        %rem3A_300 = arith.constant 2 : i32
        %rem3A_301 = arith.remsi %scan3A_195, %rem3A_300 : i32
        %rem3A_302 = arith.constant 4 : i32
        %rem3A_303 = arith.remsi %scan3A_195, %rem3A_302 : i32
        %dma_start3A_304 = arith.constant 0 : i32
        %dma_start3A_305 = arith.constant 0 : i32
        %dma_start3A_306 = tpu.memref_slice %arg10[%rem3A_301, %dma_start3A_304, %dma_start3A_305] : memref<2x80x256xf32, #tpu.memory_space<vmem>> -> memref<1x80x256xf32, #tpu.memory_space<vmem>>
        %dma_start3A_307 = tpu.memref_squeeze %dma_start3A_306 : memref<1x80x256xf32, #tpu.memory_space<vmem>> -> memref<80x256xf32, #tpu.memory_space<vmem>>
        %dma_start3A_308 = arith.constant 0 : i32
        %dma_start3A_309 = tpu.memref_slice %arg8[%rem3A_303, %dma_start3A_308] : memref<4x80xi32, #tpu.memory_space<vmem>> -> memref<1x80xi32, #tpu.memory_space<vmem>>
        %dma_start3A_310 = tpu.memref_squeeze %dma_start3A_309 : memref<1x80xi32, #tpu.memory_space<vmem>> -> memref<80xi32, #tpu.memory_space<vmem>>
        %dma_start3A_311 = arith.constant 0 : i32
        %dma_start3A_312 = arith.constant 0 : i32
        %dma_start3A_313 = tpu.memref_slice %arg14[%dma_start3A_311, %dma_start3A_312] : memref<512x256xf32, #tpu.memory_space<vmem_shared>> -> memref<512x256xf32, #tpu.memory_space<vmem_shared>>
        %dma_start3A_314 = tpu.memref_slice %arg16[%rem3A_301] : memref<2x!tpu.dma_semaphore, #tpu.memory_space<semaphore_mem>> -> memref<1x!tpu.dma_semaphore, #tpu.memory_space<semaphore_mem>>
        %dma_start3A_315 = tpu.memref_squeeze %dma_start3A_314 : memref<1x!tpu.dma_semaphore, #tpu.memory_space<semaphore_mem>> -> memref<!tpu.dma_semaphore, #tpu.memory_space<semaphore_mem>>
        tpu.enqueue_indirect_dma source(%dma_start3A_307 : memref<80x256xf32, #tpu.memory_space<vmem>>) target(%dma_start3A_313 : memref<512x256xf32, #tpu.memory_space<vmem_shared>>) offsets(%dma_start3A_310 : memref<80xi32, #tpu.memory_space<vmem>>) semaphore(%dma_start3A_315 : memref<!tpu.dma_semaphore, #tpu.memory_space<semaphore_mem>>) {add = true}
      } else {
      }
    }
    %scan3A_182 = arith.constant 20 : i32
    %ge3A = arith.constant 20 : i32
    %ge3A_183 = arith.cmpi sge, %select_n3A, %ge3A : i32
    %convert_element_type3A = arith.extui %ge3A_183 : i1 to i32
    %cond3A = arith.constant 0 : i32
    %cond3A_184 = arith.cmpi ne, %convert_element_type3A, %cond3A : i32
    scf.if %cond3A_184 {
      %sub3A_195 = arith.constant 2 : i32
      %sub3A_196 = arith.subi %select_n3A, %sub3A_195 : i32
      %rem3A_197 = arith.constant 2 : i32
      %rem3A_198 = arith.remsi %sub3A_196, %rem3A_197 : i32
      %rem3A_199 = arith.constant 4 : i32
      %rem3A_200 = arith.remsi %sub3A_196, %rem3A_199 : i32
      %dma_wait3A = arith.constant 0 : i32
      %dma_wait3A_201 = arith.constant 0 : i32
      %dma_wait3A_202 = tpu.memref_slice %arg10[%rem3A_198, %dma_wait3A, %dma_wait3A_201] : memref<2x80x256xf32, #tpu.memory_space<vmem>> -> memref<1x80x256xf32, #tpu.memory_space<vmem>>
      %dma_wait3A_203 = tpu.memref_squeeze %dma_wait3A_202 : memref<1x80x256xf32, #tpu.memory_space<vmem>> -> memref<80x256xf32, #tpu.memory_space<vmem>>
      %dma_wait3A_204 = arith.constant 0 : i32
      %dma_wait3A_205 = tpu.memref_slice %arg8[%rem3A_200, %dma_wait3A_204] : memref<4x80xi32, #tpu.memory_space<vmem>> -> memref<1x80xi32, #tpu.memory_space<vmem>>
      %dma_wait3A_206 = tpu.memref_squeeze %dma_wait3A_205 : memref<1x80xi32, #tpu.memory_space<vmem>> -> memref<80xi32, #tpu.memory_space<vmem>>
      %dma_wait3A_207 = arith.constant 0 : i32
      %dma_wait3A_208 = arith.constant 0 : i32
      %dma_wait3A_209 = tpu.memref_slice %arg14[%dma_wait3A_207, %dma_wait3A_208] : memref<512x256xf32, #tpu.memory_space<vmem_shared>> -> memref<512x256xf32, #tpu.memory_space<vmem_shared>>
      %dma_wait3A_210 = tpu.memref_slice %arg16[%rem3A_198] : memref<2x!tpu.dma_semaphore, #tpu.memory_space<semaphore_mem>> -> memref<1x!tpu.dma_semaphore, #tpu.memory_space<semaphore_mem>>
      %dma_wait3A_211 = tpu.memref_squeeze %dma_wait3A_210 : memref<1x!tpu.dma_semaphore, #tpu.memory_space<semaphore_mem>> -> memref<!tpu.dma_semaphore, #tpu.memory_space<semaphore_mem>>
      tpu.wait_indirect_dma semaphore(%dma_wait3A_211 : memref<!tpu.dma_semaphore, #tpu.memory_space<semaphore_mem>>) src(%dma_wait3A_203 : memref<80x256xf32, #tpu.memory_space<vmem>>) dst(%dma_wait3A_209 : memref<512x256xf32, #tpu.memory_space<vmem_shared>>)
    } else {
    }
    %ge3A_185 = arith.constant 19 : i32
    %ge3A_186 = arith.cmpi sge, %select_n3A, %ge3A_185 : i32
    %convert_element_type3A_187 = arith.extui %ge3A_186 : i1 to i32
    %cond3A_188 = arith.constant 0 : i32
    %cond3A_189 = arith.cmpi ne, %convert_element_type3A_187, %cond3A_188 : i32
    scf.if %cond3A_189 {
      %sub3A_195 = arith.constant 1 : i32
      %sub3A_196 = arith.subi %select_n3A, %sub3A_195 : i32
      %rem3A_197 = arith.constant 2 : i32
      %rem3A_198 = arith.remsi %sub3A_196, %rem3A_197 : i32
      %rem3A_199 = arith.constant 4 : i32
      %rem3A_200 = arith.remsi %sub3A_196, %rem3A_199 : i32
      %dma_wait3A = arith.constant 0 : i32
      %dma_wait3A_201 = arith.constant 0 : i32
      %dma_wait3A_202 = tpu.memref_slice %arg10[%rem3A_198, %dma_wait3A, %dma_wait3A_201] : memref<2x80x256xf32, #tpu.memory_space<vmem>> -> memref<1x80x256xf32, #tpu.memory_space<vmem>>
      %dma_wait3A_203 = tpu.memref_squeeze %dma_wait3A_202 : memref<1x80x256xf32, #tpu.memory_space<vmem>> -> memref<80x256xf32, #tpu.memory_space<vmem>>
      %dma_wait3A_204 = arith.constant 0 : i32
      %dma_wait3A_205 = tpu.memref_slice %arg8[%rem3A_200, %dma_wait3A_204] : memref<4x80xi32, #tpu.memory_space<vmem>> -> memref<1x80xi32, #tpu.memory_space<vmem>>
      %dma_wait3A_206 = tpu.memref_squeeze %dma_wait3A_205 : memref<1x80xi32, #tpu.memory_space<vmem>> -> memref<80xi32, #tpu.memory_space<vmem>>
      %dma_wait3A_207 = arith.constant 0 : i32
      %dma_wait3A_208 = arith.constant 0 : i32
      %dma_wait3A_209 = tpu.memref_slice %arg14[%dma_wait3A_207, %dma_wait3A_208] : memref<512x256xf32, #tpu.memory_space<vmem_shared>> -> memref<512x256xf32, #tpu.memory_space<vmem_shared>>
      %dma_wait3A_210 = tpu.memref_slice %arg16[%rem3A_198] : memref<2x!tpu.dma_semaphore, #tpu.memory_space<semaphore_mem>> -> memref<1x!tpu.dma_semaphore, #tpu.memory_space<semaphore_mem>>
      %dma_wait3A_211 = tpu.memref_squeeze %dma_wait3A_210 : memref<1x!tpu.dma_semaphore, #tpu.memory_space<semaphore_mem>> -> memref<!tpu.dma_semaphore, #tpu.memory_space<semaphore_mem>>
      tpu.wait_indirect_dma semaphore(%dma_wait3A_211 : memref<!tpu.dma_semaphore, #tpu.memory_space<semaphore_mem>>) src(%dma_wait3A_203 : memref<80x256xf32, #tpu.memory_space<vmem>>) dst(%dma_wait3A_209 : memref<512x256xf32, #tpu.memory_space<vmem_shared>>)
    } else {
    }
    %barrier3A_190 = arith.constant 0 : index
    tpu.barrier barrier_id(%barrier3A_190)
    %mul3A_191 = arith.constant 32 : i32
    %mul3A_192 = arith.muli %arg1, %mul3A_191 : i32
    %mul3A_193 = arith.constant 32 : i32
    %mul3A_194 = arith.muli %arg1, %mul3A_193 : i32
    "tpu.region"() ({
      %run_scoped3A = tpu.sem_alloc : memref<!tpu.dma_semaphore, #tpu.memory_space<semaphore_mem>>
      %dma_start3A_195 = arith.constant 0 : i32
      %dma_start3A_196 = tpu.memref_slice %arg5[%arg0, %mul3A_194, %dma_start3A_195] : memref<2x512x256xf32, #tpu.memory_space<hbm>> -> memref<1x32x256xf32, #tpu.memory_space<hbm>>
      %dma_start3A_197 = tpu.memref_squeeze %dma_start3A_196 : memref<1x32x256xf32, #tpu.memory_space<hbm>> -> memref<32x256xf32, #tpu.memory_space<hbm>>
      %dma_start3A_198 = arith.constant 0 : i32
      %dma_start3A_199 = tpu.memref_slice %arg14[%mul3A_192, %dma_start3A_198] : memref<512x256xf32, #tpu.memory_space<vmem_shared>> -> memref<32x256xf32, #tpu.memory_space<vmem_shared>>
      tpu.enqueue_dma source(%dma_start3A_199 : memref<32x256xf32, #tpu.memory_space<vmem_shared>>) target(%dma_start3A_197 : memref<32x256xf32, #tpu.memory_space<hbm>>) target_semaphore(%run_scoped3A : memref<!tpu.dma_semaphore, #tpu.memory_space<semaphore_mem>>)
      %dma_wait3A = arith.constant 0 : i32
      %dma_wait3A_200 = tpu.memref_slice %arg5[%arg0, %mul3A_194, %dma_wait3A] : memref<2x512x256xf32, #tpu.memory_space<hbm>> -> memref<1x32x256xf32, #tpu.memory_space<hbm>>
      %dma_wait3A_201 = tpu.memref_squeeze %dma_wait3A_200 : memref<1x32x256xf32, #tpu.memory_space<hbm>> -> memref<32x256xf32, #tpu.memory_space<hbm>>
      %dma_wait3A_202 = arith.constant 0 : i32
      %dma_wait3A_203 = tpu.memref_slice %arg14[%mul3A_192, %dma_wait3A_202] : memref<512x256xf32, #tpu.memory_space<vmem_shared>> -> memref<32x256xf32, #tpu.memory_space<vmem_shared>>
      tpu.wait_dma2 semaphore(%run_scoped3A : memref<!tpu.dma_semaphore, #tpu.memory_space<semaphore_mem>>) src(%dma_wait3A_203 : memref<32x256xf32, #tpu.memory_space<vmem_shared>>) dst(%dma_wait3A_201 : memref<32x256xf32, #tpu.memory_space<hbm>>)
      tpu.yield
    }) : () -> ()
    "tpu.region"() ({
      %run_scoped3A = tpu.sem_alloc : memref<!tpu.dma_semaphore, #tpu.memory_space<semaphore_mem>>
      %dma_start3A_195 = arith.constant 0 : i32
      %dma_start3A_196 = tpu.memref_slice %arg6[%arg0, %arg1, %dma_start3A_195] : memref<2x16x512xf32, #tpu.memory_space<hbm>> -> memref<1x1x512xf32, #tpu.memory_space<hbm>>
      %dma_start3A_197 = tpu.memref_squeeze %dma_start3A_196 : memref<1x1x512xf32, #tpu.memory_space<hbm>> -> memref<512xf32, #tpu.memory_space<hbm>>
      %dma_start3A_198 = arith.constant 0 : i32
      %dma_start3A_199 = tpu.memref_slice %arg6[%arg0, %arg1, %dma_start3A_198] : memref<2x16x512xf32, #tpu.memory_space<hbm>> -> memref<1x1x512xf32, #tpu.memory_space<hbm>>
      %dma_start3A_200 = tpu.memref_squeeze %dma_start3A_199 : memref<1x1x512xf32, #tpu.memory_space<hbm>> -> memref<512xf32, #tpu.memory_space<hbm>>
      tpu.enqueue_dma source(%arg12 : memref<512xf32, #tpu.memory_space<vmem>>) target(%dma_start3A_200 : memref<512xf32, #tpu.memory_space<hbm>>) target_semaphore(%run_scoped3A : memref<!tpu.dma_semaphore, #tpu.memory_space<semaphore_mem>>)
      %dma_wait3A = arith.constant 0 : i32
      %dma_wait3A_201 = tpu.memref_slice %arg6[%arg0, %arg1, %dma_wait3A] : memref<2x16x512xf32, #tpu.memory_space<hbm>> -> memref<1x1x512xf32, #tpu.memory_space<hbm>>
      %dma_wait3A_202 = tpu.memref_squeeze %dma_wait3A_201 : memref<1x1x512xf32, #tpu.memory_space<hbm>> -> memref<512xf32, #tpu.memory_space<hbm>>
      %dma_wait3A_203 = arith.constant 0 : i32
      %dma_wait3A_204 = tpu.memref_slice %arg6[%arg0, %arg1, %dma_wait3A_203] : memref<2x16x512xf32, #tpu.memory_space<hbm>> -> memref<1x1x512xf32, #tpu.memory_space<hbm>>
      %dma_wait3A_205 = tpu.memref_squeeze %dma_wait3A_204 : memref<1x1x512xf32, #tpu.memory_space<hbm>> -> memref<512xf32, #tpu.memory_space<hbm>>
      tpu.wait_dma2 semaphore(%run_scoped3A : memref<!tpu.dma_semaphore, #tpu.memory_space<semaphore_mem>>) src(%arg12 : memref<512xf32, #tpu.memory_space<vmem>>) dst(%dma_wait3A_205 : memref<512xf32, #tpu.memory_space<hbm>>)
      tpu.yield
    }) : () -> ()
    return
  }
}

module attributes {stable_mosaic.version = 14 : i64} {
  func.func @_finish_body(%arg0: memref<2x512x256xf32, #tpu.memory_space<vmem>>, %arg1: memref<2x16x512xf32, #tpu.memory_space<vmem>>, %arg2: memref<256x512xf32, #tpu.memory_space<vmem>>, %arg3: memref<1x512xf32, #tpu.memory_space<vmem>>, %arg4: memref<512x512xf32, #tpu.memory_space<vmem>>) attributes {dimension_semantics = [], scalar_prefetch = 0 : i64, scratch_operands = 0 : i64, tpu.core_type = #tpu.core_type<tc>} {
    %get3A = arith.constant 0 : index
    %get3A_0 = arith.constant 0 : index
    %get3A_1 = arith.constant 0 : index
    %get3A_2 = vector.load %arg0[%get3A, %get3A_0, %get3A_1] : memref<2x512x256xf32, #tpu.memory_space<vmem>>, vector<1x512x256xf32>
    %get3A_3 = vector.shape_cast %get3A_2 : vector<1x512x256xf32> to vector<512x256xf32>
    %get3A_4 = arith.constant 1 : index
    %get3A_5 = arith.constant 0 : index
    %get3A_6 = arith.constant 0 : index
    %get3A_7 = vector.load %arg0[%get3A_4, %get3A_5, %get3A_6] : memref<2x512x256xf32, #tpu.memory_space<vmem>>, vector<1x512x256xf32>
    %get3A_8 = vector.shape_cast %get3A_7 : vector<1x512x256xf32> to vector<512x256xf32>
    %add3A = arith.addf %get3A_3, %get3A_8 : vector<512x256xf32>
    %get3A_9 = arith.constant 0 : index
    %get3A_10 = arith.constant 0 : index
    %get3A_11 = arith.constant 0 : index
    %get3A_12 = vector.load %arg1[%get3A_9, %get3A_10, %get3A_11] : memref<2x16x512xf32, #tpu.memory_space<vmem>>, vector<2x16x512xf32>
    %reduce_sum3A = arith.constant dense<0.000000e+00> : vector<512xf32>
    %reduce_sum3A_13 = vector.multi_reduction <add>, %get3A_12, %reduce_sum3A [0, 1] : vector<2x16x512xf32> to vector<512xf32>
    %reshape3A = vector.shape_cast %reduce_sum3A_13 : vector<512xf32> to vector<1x512xf32>
    %transpose3A = tpu.transpose %reshape3A, [1, 0] : vector<1x512xf32> -> vector<512x1xf32>
    %gt3A = arith.constant 0.000000e+00 : f32
    %gt3A_14 = vector.broadcast %gt3A : f32 to vector<512x1xf32>
    %gt3A_15 = arith.cmpf ogt, %transpose3A, %gt3A_14 : vector<512x1xf32>
    %jit3A = arith.constant 1.000000e+00 : f32
    %broadcast_in_dim3A = vector.broadcast %jit3A : f32 to vector<512x1xf32>
    %select_n3A = arith.select %gt3A_15, %transpose3A, %broadcast_in_dim3A : vector<512x1xi1>, vector<512x1xf32>
    %div3A = arith.constant 1.000000e+00 : f32
    %div3A_16 = vector.broadcast %div3A : f32 to vector<512x1xf32>
    %div3A_17 = arith.divf %div3A_16, %select_n3A : vector<512x1xf32>
    %jit3A_18 = arith.constant 0.000000e+00 : f32
    %broadcast_in_dim3A_19 = vector.broadcast %jit3A_18 : f32 to vector<512x1xf32>
    %select_n3A_20 = arith.select %gt3A_15, %div3A_17, %broadcast_in_dim3A_19 : vector<512x1xi1>, vector<512x1xf32>
    %mul3A = vector.broadcast %select_n3A_20 : vector<512x1xf32> to vector<512x256xf32>
    %mul3A_21 = arith.mulf %add3A, %mul3A : vector<512x256xf32>
    %get3A_22 = arith.constant 0 : index
    %get3A_23 = arith.constant 0 : index
    %get3A_24 = vector.load %arg2[%get3A_22, %get3A_23] : memref<256x512xf32, #tpu.memory_space<vmem>>, vector<256x512xf32>
    %dot_general3A = arith.constant dense<0.000000e+00> : vector<512x512xf32>
    %dot_general3A_25 = tpu.matmul %mul3A_21, %get3A_24, %dot_general3A {dimension_numbers = #tpu.dot_dimension_numbers<[1], [0], [0], [1], [0, 0, 1, 1], [], []>, transpose_lhs_hint = false} : vector<512x256xf32>, vector<256x512xf32>, vector<512x512xf32> -> vector<512x512xf32>
    %get3A_26 = arith.constant 0 : index
    %get3A_27 = arith.constant 0 : index
    %get3A_28 = vector.load %arg3[%get3A_26, %get3A_27] : memref<1x512xf32, #tpu.memory_space<vmem>>, vector<1x512xf32>
    %jit3A_29 = arith.constant 0.000000e+00 : f32
    %broadcast_in_dim3A_30 = vector.shape_cast %gt3A_15 : vector<512x1xi1> to vector<512x1xi1>
    %broadcast_in_dim3A_31 = vector.broadcast %broadcast_in_dim3A_30 : vector<512x1xi1> to vector<512x512xi1>
    %broadcast_in_dim3A_32 = vector.shape_cast %get3A_28 : vector<1x512xf32> to vector<1x512xf32>
    %broadcast_in_dim3A_33 = vector.broadcast %broadcast_in_dim3A_32 : vector<1x512xf32> to vector<512x512xf32>
    %broadcast_in_dim3A_34 = vector.broadcast %jit3A_29 : f32 to vector<512x512xf32>
    %select_n3A_35 = arith.select %broadcast_in_dim3A_31, %broadcast_in_dim3A_33, %broadcast_in_dim3A_34 : vector<512x512xi1>, vector<512x512xf32>
    %add3A_36 = arith.addf %dot_general3A_25, %select_n3A_35 : vector<512x512xf32>
    %swap3A = arith.constant 0 : index
    %swap3A_37 = arith.constant 0 : index
    %swap3A_38 = vector.load %arg4[%swap3A, %swap3A_37] : memref<512x512xf32, #tpu.memory_space<vmem>>, vector<512x512xf32>
    tpu.vector_store %arg4[%swap3A, %swap3A_37], %add3A_36 {strides = array<i32>} : memref<512x512xf32, #tpu.memory_space<vmem>>, vector<512x512xf32>,
    return
  }
}

</mosaic_0001>

<sc_bundles>
// kernel: kernel.4.cloned.1.call-start
scs
__scs_entry_jumppad:
0x0: {  	(pc) =	sbr.rel $0x88, $3  }
0x1: {  	(tag) =	ssettag $0x0;
	lr =	simm.s32 $0x1  }
0x2: {  	[smem:$0x3F9C] =	sst lr;
	_ =	strace $0xD0000000  }
0x3: {  	_ = 	snop  }
0x4: {  	_ = 	snop  }
0x5: {  	_ = 	snop  }
0x6: {  	_ = 	snop  }
0x7: {  	_ = 	snop  }
__scs_overlays_trampoline_lowered:
0x8: {  	[smem:$0x3FAB] =	sst s0  }
0x9: {  	[smem:$0x3FAC] =	sst s1  }
0xa: {  	[smem:$0x3FAD] =	sst s2  }
0xb: {  	[smem:$0x3FAE] =	sst s3  }
0xc: {  	[smem:$0x3FAF] =	sst s4  }
0xd: {  	[smem:$0x3FB0] =	sst s5  }
0xe: {  	[smem:$0x3FB1] =	sst s6  }
0xf: {  	[smem:$0x3FB2] =	sst s7  }
0x10: {  	[smem:$0x3FB3] =	sst s8  }
0x11: {  	[smem:$0x3FB4] =	sst s9;
	s0 =	simm.s32 @!p0 $0x0  }
0x12: {  	s1 =	sld [smem:$0x3F9A];
	s0 =	simm.s32 @p0 $0x1  }
0x13: {  	[smem:$0x3FB5] =	sst s0;
	s0 =	simm.s32 @!p1 $0x0  }
0x14: {  	s2 =	sld [smem:$0x3F99];
	s0 =	simm.s32 @p1 $0x1  }
0x15: {  	[smem:$0x3FB6] =	sst s0;
	s0 =	simm.s32 @!p2 $0x0  }
0x16: {  	s3 =	sld [smem:$0x3FDB];
	s0 =	simm.s32 @p2 $0x1  }
0x17: {  	s4 =	simm.s32 $0x1BF5;
	[smem:$0x3FB8] =	sst s0  }
0x18: {  	s0 =	sld [smem:$0x3F9B];
	_ =	swait.ge [sflag:s4], $0x0  }
0x19: {  	s7 =	sld [smem:$0x3F9C]  }
0x1a: {  	s8 =	sadd.s32 $0xFFFFE003, lr  }
0x1b: {  	s9 =	sadd.s32 $0xFFFFFEF7, lr;
	s5 =	simm.s32 $0xFFFFFFFF;
	p2 =	slt.u32 s8, $0xFFFFF086  }
0x1c: {  	p1 =	slt.u32 s9, $0xF7A;
	s5 =	simm.s32 @!p2 $0x0  }
0x1d: {  	s5 =	simm.s32 @p1 $0x1;
	p0 =	seq.s32 s7, s2  }
0x1e: {  	s7 =	smul.u32 @!p0 $0xF7A, s2;
	p2 =	seq.s32 @!p0 s5, $0x0  }
0x1f: {  	s9 =	smul.u32 $0xF7A, s1;
	s8 =	simm.s32 @!p0 $0x1BF5;
	p2 =	por !p2, p0  }
0x20: {  	[sflag:s8] =	ssyncset.s32 @!p0 $0xFFFFF086;
	s6 =	sadd.s32 @!p0 s3, s7;
	s7 =	simm.s32 @!p0 $0x108  }
0x21: {  	s3 =	sadd.s32 s3, s9;
	s6 =	sadd.s32 @!p0 $0x88, s6;
	s7 =	simm.s32 @p2 $0x1082  }
0x22: {  	[simem:s7], [sflag:s8] =	dma.local @!p0 [hbm:s6], $0xF7A  }
0x23: {  	s9 =	sor.u32 $0xD0000000, s2;
	s6 =	simm.s32 $0x108;
	_ =	swait.ge @!p0 [sflag:s8], $0x0  }
0x24: {  	s3 =	sadd.s32 $0x88, s3;
	s6 =	simm.s32 @!p1 $0x1082;
	[sflag:s4] =	ssyncset.s32 $0xFFFFF086  }
0x25: {  	[simem:s6], [sflag:s4] =	dma.local [hbm:s3], $0xF7A  }
0x26: {  	[smem:$0x3F9C] =	sst s1;
	(tag) =	ssettag s2;
	_ =	strace s9  }
0x27: {  	s1 =	sld [smem:$0x3FAC]  }
0x28: {  	s2 =	sld [smem:$0x3FAD]  }
0x29: {  	s4 =	sld [smem:$0x3FAF]  }
0x2a: {  	p0 =	seq.s32 s5, $0x0;
	s5 =	sld [smem:$0x3FB0]  }
0x2b: {  	s6 =	sld [smem:$0x3FB1]  }
0x2c: {  	s7 =	sld [smem:$0x3FB2]  }
0x2d: {  	s3 =	simm.s32 $0x108;
	s8 =	sld [smem:$0x3FB3]  }
0x2e: {  	s3 =	simm.s32 @!p0 $0x1082;
	s9 =	sld [smem:$0x3FB4]  }
0x2f: {  	lr =	sadd.s32 s0, s3;
	s0 =	sld [smem:$0x3FAB]  }
0x30: {  	s3 =	sld [smem:$0x3FAE]  }
0x31: {  	[smem:$0x3FB7] =	sst s10  }
0x32: {  	s10 =	sld [smem:$0x3FB5];
	_ =	sdelay $0x3  }
0x33: {  	p0 =	seq.s32 s10, $0x1;
	s10 =	sld [smem:$0x3FB7];
	_ =	sdelay $0x3  }
0x34: {  	[smem:$0x3FB7] =	sst s10  }
0x35: {  	s10 =	sld [smem:$0x3FB6];
	_ =	sdelay $0x3  }
0x36: {  	p1 =	seq.s32 s10, $0x1;
	s10 =	sld [smem:$0x3FB7];
	_ =	sdelay $0x3  }
0x37: {  	[smem:$0x3FB7] =	sst s10  }
0x38: {  	s10 =	sld [smem:$0x3FB8]  }
0x39: {  	_ = 	snop;
	(pc) =	sbr.ind lr, $3  }
0x3a: {  	_ = 	snop  }
0x3b: {  	_ = 	snop  }
0x3c: {  	p2 =	seq.s32 s10, $0x1;
	s10 =	sld [smem:$0x3FB7]  }
0x3d: {  	_ =	shalt  }
0x3e: {  	_ =	shalt  }
0x3f: {  	_ =	shalt  }
0x40: {  	_ =	shalt  }
0x41: {  	_ =	shalt  }
0x42: {  	_ =	shalt  }
0x43: {  	_ =	shalt  }
0x44: {  	_ =	shalt  }
0x45: {  	_ =	shalt  }
0x46: {  	_ =	shalt  }
0x47: {  	_ =	shalt  }
0x48: {  	_ =	shalt  }
0x49: {  	_ =	shalt  }
0x4a: {  	_ =	shalt  }
0x4b: {  	_ =	shalt  }
0x4c: {  	_ =	shalt  }
0x4d: {  	_ =	shalt  }
0x4e: {  	_ =	shalt  }
0x4f: {  	_ =	shalt  }
0x50: {  	_ =	shalt  }
0x51: {  	_ =	shalt  }
0x52: {  	_ =	shalt  }
0x53: {  	_ =	shalt  }
0x54: {  	_ =	shalt  }
0x55: {  	_ =	shalt  }
0x56: {  	_ =	shalt  }
0x57: {  	_ =	shalt  }
0x58: {  	_ =	shalt  }
0x59: {  	_ =	shalt  }
0x5a: {  	_ =	shalt  }
0x5b: {  	_ =	shalt  }
0x5c: {  	_ =	shalt  }
0x5d: {  	_ =	shalt  }
0x5e: {  	_ =	shalt  }
0x5f: {  	_ =	shalt  }
0x60: {  	_ =	shalt  }
0x61: {  	_ =	shalt  }
0x62: {  	_ =	shalt  }
0x63: {  	_ =	shalt  }
0x64: {  	_ =	shalt  }
0x65: {  	_ =	shalt  }
0x66: {  	_ =	shalt  }
0x67: {  	_ =	shalt  }
0x68: {  	_ =	shalt  }
0x69: {  	_ =	shalt  }
0x6a: {  	_ =	shalt  }
0x6b: {  	_ =	shalt  }
0x6c: {  	_ =	shalt  }
0x6d: {  	_ =	shalt  }
0x6e: {  	_ =	shalt  }
0x6f: {  	_ =	shalt  }
0x70: {  	_ =	shalt  }
0x71: {  	_ =	shalt  }
0x72: {  	_ =	shalt  }
0x73: {  	_ =	shalt  }
0x74: {  	_ =	shalt  }
0x75: {  	_ =	shalt  }
0x76: {  	_ =	shalt  }
0x77: {  	_ =	shalt  }
0x78: {  	_ =	shalt  }
0x79: {  	_ =	shalt  }
0x7a: {  	_ =	shalt  }
0x7b: {  	_ =	shalt  }
0x7c: {  	_ =	shalt  }
0x7d: {  	_ =	shalt  }
0x7e: {  	_ =	shalt  }
0x7f: {  	_ =	shalt  }
0x80: {  	_ =	shalt  }
0x81: {  	_ =	shalt  }
0x82: {  	_ =	shalt  }
0x83: {  	_ =	shalt  }
0x84: {  	_ =	shalt  }
0x85: {  	_ =	shalt  }
0x86: {  	_ =	shalt  }
0x87: {  	_ =	shalt  }
.Lfunc_end0:
.L_simem_size_0:
called_computation.1_lowered:
.L_overlay_start_0:
0x88: {  	s2 =	sld [smem:$0x3FD9]  }
0x89: {  	s3 =	sld [smem:$0x3FFE];
	_ =	sdelay $0x1  }
0x8a: {  	s1 =	srdreg.scid  }
0x8b: {  	s0 =	sand.u32 $0x1, s1  }
0x8c: {  	s17 =	sshll.u32 s0, $0xA;
	s2 =	sadd.s32 s3, s2  }
0x8d: {  	s2 =	sadd.s32 s2, s17  }
0x8e: {  	[smem:$0x3FC3] =	sst s2  }
0x8f: {  	_ = 	snop  }
0x90: {  	s2 =	sld [smem:$0x3FC8]  }
0x91: {  	s18 =	sld [smem:$0x3FC7]  }
0x92: {  	s4 =	sld [smem:$0x3FD0];
	(tm) =	ssettm $0x1  }
0x93: {  	s5 =	sld [smem:$0x3FFB];
	_ =	sdelay $0x3  }
0x94: {  	_ =	strace s5  }
0x95: {  	s5 =	sld [smem:$0x3FFC];
	_ =	sdelay $0x3  }
0x96: {  	_ =	strace s5  }
0x97: {  	s5 =	sld [smem:$0x3FFD];
	_ =	sdelay $0x3  }
0x98: {  	_ =	strace s5  }
0x99: {  	_ =	strace $0x8FFFFFFF  }
0x9a: {  	s19 =	sld [smem:$0x3FDB];
	_ =	sdelay $0x1  }
0x9b: {  	s6 =	simm.s32 $_scs_section_size  }
0x9c: {  	s7 =	simm.s32 $_size__tile_overlayer_lowered;
	s8 =	simm.s32 $_tile_overlayer_lowered  }
0x9d: {  	s22 =	simm.s32 $0x1BFF;
	s21 =	sshll.u32 s8, $0x1;
	s5 =	sadd.s32 s6, s19  }
0x9e: {  	s9 =	simm.s32 $0x0;
	s20 =	sshll.u32 s7, $0x1;
	s7 =	sadd.s32 s21, s5  }
0x9f: {  	[timem:s9], [sflag:s22] =	dma.local [hbm:s7], s20  }
0xa0: {  	_ =	swait.ge [sflag:s22], s20  }
0xa1: {  	s6 =	ssub.s32 $0x0, s20;
	[sflag:s22] =	ssyncset.done $0x0  }
0xa2: {  	[sflag:s22] =	ssyncadd.s32 s6;
	_ =	sdelay $0x1  }
0xa3: {  	s23 =	simm.s32 $0x1B8B  }
0xa4: {  	_ =	swait.ge [sflag:s23], $0x1  }
0xa5: {  	[sflag:s23] =	ssyncset.done $0x0  }
0xa6: {  	s25 =	simm.s32 $0x1B8E;
	s24 =	sld [smem:$0x3FFE];
	[sflag:s23] =	ssyncadd.s32 $0xFFFFFFFF  }
0xa7: {  	s26 =	simm.s32 $execute0_lowered;
	[smem:$0x3FD2] =	sst s25  }
0xa8: {  	s7 =	sshll.u32 s26, $0x1;
	_ =	strace $0x80000049;
	[dreg:$0x1] =	wrdreg $0xFFFFFFFF  }
0xa9: {  	s28 =	simm.s32 $_size_execute0_lowered;
	s5 =	sadd.s32 s5, s7;
	[dreg:$0x0] =	wrdreg $0x0  }
0xaa: {  	s7 =	sshll.u32 s28, $0x1;
	[dreg:$0x2] =	wrdreg s5  }
0xab: {  	[dreg:$0x3] =	wrdreg s7  }
0xac: {  	[dreg:$0x4] =	wrdreg $0xC0  }
0xad: {  	_ =	task [dreg:s9], $0x5FFFF  }
0xae: {  	[dreg:$0x1] =	wrdreg $0xFFFFFFFF  }
0xaf: {  	[dreg:$0x0] =	wrdreg $0x60  }
0xb0: {  	[dreg:$0x2] =	wrdreg s24  }
0xb1: {  	[dreg:$0x3] =	wrdreg s2  }
0xb2: {  	[dreg:$0x4] =	wrdreg s18  }
0xb3: {  	[dreg:$0x5] =	wrdreg s4  }
0xb4: {  	[dreg:$0x6] =	wrdreg $0x159400  }
0xb5: {  	[dreg:$0x7] =	wrdreg $0x9  }
0xb6: {  	_ =	task.clear_ibuf [dreg:s9], $0x8FFFF;
	_ =	strace $0x90000049  }
0xb7: {  	s29 =	simm.s32 $0x9;
	_ =	strace $0x8000004B  }
0xb8: {  	_ =	swait.ge [sflag:s29], $0x1  }
0xb9: {  	[sflag:s29] =	ssyncadd.s32 $0xFFFFFFFF  }
0xba: {  	_ =	strace $0x9000004B  }
0xbb: {  	_ =	sfence  }
0xbc: {  	s30 =	sld [smem:$0x0];
	_ =	sdelay $0x2  }
0xbd: {  	s31 =	sshll.u32 s1, $0xD;
	s1 =	sshrl.u32 s1, $0x2  }
0xbe: {  	s3 =	sand.u32 $0x4000, s31;
	s1 =	sadd.s32 s1, s30  }
0xbf: {  	s0 =	sor.u32 s3, s0;
	s1 =	sshll.u32 s1, $0x11  }
0xc0: {  	s0 =	sor.u32 s1, s0  }
0xc1: {  	s0 =	sadd.s32 $0x8F2B, s0  }
0xc2: {  	[sflag:s0] =	ssyncadd.remote.s32 $0x1  }
0xc3: {  	_ =	sfence.sel $0xFFFF  }
0xc4: {  	[dreg:$0x0] =	wrdreg $0xFFFFFFFF;
	(pc) =	sbr.abs _section_cstart, $3  }
0xc5: {  	[dreg:$0x1] =	wrdreg $0xFFFFFFFF  }
0xc6: {  	_ =	task.clear_ibuf [dreg:s9], $0x2FFFF;
	_ =	strace $0x9FFFFFFF  }
0xc7: {  	(tm) =	ssettm $0x7FFFFFFF  }
tec
execute0_lowered:
.L_overlay_start_1:
0x0: {  	(tag) =	ssettag $0x1  }
0x1: {  	s0 =	rddreg [dreg:$0x0]  }
0x2: {  	s1 =	rddreg [dreg:$0x1]  }
0x3: {  	s5 =	rddreg [dreg:$0x3];
	v0 =	vimm.s32 $0x76543210;
	v1 =	vimm.s32 $0xFEDCBA98  }
0x4: {  	s3 =	rddreg [dreg:$0x4];
	s4 =	simm.s32 $0x0;
	s7 =	srdreg.scid;
	v2 =	vimm.s32 $0xBA98FEDC;
	v3 =	vimm.s32 $0x32107654;
	v4 =	vimm.s32 $0xDCFE98BA  }
0x5: {  	s2 =	stileid.u32;
	v5 =	vimm.s32 $0x54761032;
	v6 =	vimm.s32 $0xEFCDAB89;
	s19 =	simm.s32 $0x14940;
	s20 =	simm.s32 $0x100  }
0x6: {  	v7 =	vimm.s32 $0x67452301;
	s21 =	simm.s32 $0x240;
	s22 =	simm.s32 $0x14240;
	s23 =	simm.s32 $0x14740;
	v0 =	vunpack.c.l.s4.s8 v0;
	v1 =	vunpack.c.l.s4.s8 v1  }
0x7: {  	s24 =	simm.s32 $0x50;
	s25 =	simm.s32 $0x0;
	[smem:$0x7FF] =	sst s4;
	v2 =	vunpack.c.l.s4.s8 v2;
	v3 =	vunpack.c.l.s4.s8 v3;
	v4 =	vunpack.c.l.s4.s8 v4  }
0x8: {  	s6 =	sadd.s32 $0x1000, s0;
	s14 =	sand.u32 $0x1, s7;
	s7 =	sshll.u32 s2, $0x6;
	v5 =	vunpack.c.l.s4.s8 v5;
	v6 =	vunpack.c.l.s4.s8 v6;
	v7 =	vunpack.c.l.s4.s8 v7  }
0x9: {  	s8 =	sshll.u32 s2, $0x1;
	s15 =	sshll.u32 s2, $0xD;
	_ =	strace $0x8000004A;
	v2 =	vunpack.c.0.s8.s32 v2;
	v3 =	vunpack.c.0.s8.s32 v3;
	v4 =	vunpack.c.0.s8.s32 v4  }
0xa: {  	s9 =	ssub.s32 $0x2, s14;
	s0 =	sadd.s32 s7, s0;
	s8 =	sor.u32 s14, s8;
	v5 =	vunpack.c.0.s8.s32 v5;
	v6 =	vunpack.c.0.s8.s32 v6;
	v7 =	vunpack.c.0.s8.s32 v7  }
0xb: {  	s18 =	sshll.u32 s14, $0x11;
	s31 =	sshll.u32 s14, $0xA;
	s11 =	smul.u32 $0xA, s8;
	v1 =	vunpack.c.0.s8.s32 v1;
	v2 =	vcombine.low v3, v2  }
0xc: {  	s10 =	sshrl.u32 s9, $0x1;
	s12 =	sadd.s32 $0xFFFFFFEF, s8;
	s13 =	smul.u32 $0xA00, s8;
	v0 =	vunpack.c.0.s8.s32 v0;
	v3 =	vcombine.low v5, v4;
	v4 =	vcombine.low v7, v6  }
0xd: {  	s0 =	sadd.s32 s31, s0;
	p0 =	sgt.u32 s8, $0x10;
	s17 =	ssub.s32 s9, s10;
	v1 =	vand.u32 $0xF, v1;
	v26 =	vand.u32 $0xF, v2  }
.Ltmp0:
0xe: {  	s9 =	sadd.s32 s15, s3;
	s16 =	sshrl.u32 s12, $0x5;
	v6 =	vcombine.low v1, v0;
	v54 =	vand.u32 $0xF, v4;
	[tilespmem:$0x1FFC0] =	vst v26;
	(pc) =	sbr.rel .LBB2_1-.Ltmp0, $4  }
0xf: {  	s15 =	sor.u32 s15, s18;
	s18 =	simm.s32 $0x5;
	s10 =	sadd.s32 $0x1000, s9;
	v0 =	vlaneseq.u32;
	[tilespmem:$0x1FFD0] =	vst v54  }
0x10: {  	s11 =	sadd.s32 s1, s11;
	s12 =	sadd.s32 s6, s13;
	s13 =	ssub.s32 $0x271, s8;
	v3 =	vand.u32 $0xF, v3;
	v0 =	vmul.u32 $0x10, v0;
	[tilespmem:$0x1FFE0] =	vst v6  }
0x11: {  	s16 =	sand.u32 $0x1, s16;
	s15 =	sshrl.u32 s15, $0x3;
	s17 =	smax.u32 s17, $0x1;
	[tilespmem:$0x1FFF0] =	vst v3  }
0x12: {  	v5 =	vimm.f32 $0.0e+00;
	s14 =	sadd.s32 $0x3, s16;
	s15 =	sadd.s32 s5, s15;
	s16 =	sadd.s32 $0x187A00, s0;
	[tilespmem:$0x1FFB0] =	vst v0  }
.LBB2_9:
0x13: {  	s0 =	simm.s32 @!p0 $0x3  }
0x14: {  	_ =	swait.ge @!p0 [sflag:s0], $0x5000  }
0x15: {  	[sflag:s0] =	ssyncset.done @!p0 $0x0  }
0x16: {  	[sflag:s0] =	ssyncadd.s32 @!p0 $0xFFFFB000  }
0x17: {  	_ =	swait.ge [sflag:s14], $0x5000  }
0x18: {  	[sflag:s14] =	ssyncset.done $0x0  }
0x19: {  	[sflag:s14] =	ssyncadd.s32 $0xFFFFB000  }
0x1a: {  	s31 =	sor.u32 $0x1C05, s7;
	s2 =	sshrl.u32 s9, $0x3;
	[bflag:$0x0] =	sbarrier.arrive $0xFFFF  }
0x1b: {  	[hbm:s15], [sflag:s31] =	dma.local [spmem:s2], $0x400  }
0x1c: {  	s25 =	sadd.s32 $0x1, s25;
	_ =	swait.ge [sflag:s18], $0x400  }
0x1d: {  	p1 =	sne.s32 s25, s17;
	[sflag:s18] =	ssyncset.done $0x0  }
.Ltmp1:
0x1e: {  	[sflag:s18] =	ssyncadd.s32 $0xFFFFFC00;
	(pc) =	sbr.rel @!p1 .LBB2_10-.Ltmp1, $4  }
0x1f: {  	[hbm4b:s16+s4] =	stream.linear.scatter [tilespmem:s23], [sflag:$0x5], $0x200, $0x38;
	[tilespmem:$0x17940] =	vst v63  }
0x20: {  	_ =	swait.ge [sflag:s18], $0x200  }
0x21: {  	[sflag:s18] =	ssyncset.done $0x0  }
0x22: {  	[sflag:s18] =	ssyncadd.s32 $0xFFFFFE00  }
.LBB2_1:
0x23: {  	s0 =	rddreg [dreg:$0x2]  }
0x24: {  	[tilespmem:s4], [sflag:$0x5] =	stream.linear.gather [hbm4b:s0+s4], $0x100, $0x38;
	[tilespmem:$0x17940] =	vst v63  }
0x25: {  	_ =	swait.ge [sflag:s18], $0x100  }
0x26: {  	[sflag:s18] =	ssyncset.done $0x0  }
0x27: {  	[sflag:s18] =	ssyncadd.s32 $0xFFFFFF00  }
0x28: {  	v55 =	vld [tilespmem:$0x0]  }
0x29: {  	v58 =	vld [tilespmem:$0x10]  }
0x2a: {  	v59 =	vld [tilespmem:$0x20]  }
0x2b: {  	v61 =	vld [tilespmem:$0x30]  }
0x2c: {  	v62 =	vld [tilespmem:$0x40]  }
0x2d: {  	v63 =	vld [tilespmem:$0x50]  }
0x2e: {  	v7 =	vld [tilespmem:$0x60]  }
0x2f: {  	v9 =	vld [tilespmem:$0x70]  }
0x30: {  	v23 =	vld [tilespmem:$0x80]  }
0x31: {  	v24 =	vld [tilespmem:$0x90]  }
0x32: {  	v17 =	vld [tilespmem:$0xA0]  }
0x33: {  	v18 =	vld [tilespmem:$0xB0]  }
0x34: {  	v13 =	vld [tilespmem:$0xC0]  }
0x35: {  	v14 =	vld [tilespmem:$0xD0]  }
0x36: {  	v29 =	vld [tilespmem:$0xE0]  }
0x37: {  	s5 =	simm.s32 $0x400;
	s0 =	simm.s32 $0x0;
	v30 =	vld [tilespmem:$0xF0]  }
.LBB2_2:
0x38: {  	p1 =	sne.s32 s5, $0x3C00;
	[tilespmem:s0+$0x14A30] =	vst v5  }
0x39: {  	[tilespmem:s0+$0x14940] =	vst v5  }
0x3a: {  	[tilespmem:s0+$0x14950] =	vst v5  }
0x3b: {  	[tilespmem:s0+$0x14960] =	vst v5  }
0x3c: {  	[tilespmem:s0+$0x14970] =	vst v5  }
0x3d: {  	[tilespmem:s0+$0x14980] =	vst v5  }
0x3e: {  	[tilespmem:s0+$0x14990] =	vst v5  }
0x3f: {  	[tilespmem:s0+$0x149A0] =	vst v5  }
0x40: {  	[tilespmem:s0+$0x149B0] =	vst v5  }
0x41: {  	[tilespmem:s0+$0x149C0] =	vst v5  }
0x42: {  	[tilespmem:s0+$0x149D0] =	vst v5  }
.Ltmp2:
0x43: {  	[tilespmem:s0+$0x149E0] =	vst v5;
	(pc) =	sbr.rel @p1 .LBB2_2-.Ltmp2, $4  }
0x44: {  	[tilespmem:s0+$0x149F0] =	vst v5  }
0x45: {  	[tilespmem:s0+$0x14A00] =	vst v5  }
0x46: {  	[tilespmem:s0+$0x14A10] =	vst v5  }
0x47: {  	[tilespmem:s0+$0x14A20] =	vst v5;
	s0 =	sshra.s32 s5, $0x2;
	s5 =	sadd.s32 $0x400, s5  }
0x48: {  	[tilespmem:s0+$0x14A30] =	vst v5  }
0x49: {  	[tilespmem:s0+$0x14940] =	vst v5  }
0x4a: {  	[tilespmem:s0+$0x14950] =	vst v5  }
0x4b: {  	[tilespmem:s0+$0x14960] =	vst v5  }
0x4c: {  	[tilespmem:s0+$0x14970] =	vst v5  }
0x4d: {  	[tilespmem:s0+$0x14980] =	vst v5  }
0x4e: {  	[tilespmem:s0+$0x14990] =	vst v5  }
0x4f: {  	[tilespmem:s0+$0x149A0] =	vst v5  }
0x50: {  	[tilespmem:s0+$0x149B0] =	vst v5  }
0x51: {  	[tilespmem:s0+$0x149C0] =	vst v5  }
0x52: {  	[tilespmem:s0+$0x149D0] =	vst v5  }
0x53: {  	[tilespmem:s0+$0x149E0] =	vst v5  }
0x54: {  	[tilespmem:s0+$0x149F0] =	vst v5  }
0x55: {  	[tilespmem:s0+$0x14A00] =	vst v5  }
0x56: {  	[tilespmem:s0+$0x14A10] =	vst v5  }
0x57: {  	[tilespmem:s0+$0x14A20] =	vst v5  }
0x58: {  	[tilespmem:$0x14740] =	vst v5  }
0x59: {  	[tilespmem:$0x14750] =	vst v5  }
0x5a: {  	[tilespmem:$0x14760] =	vst v5  }
0x5b: {  	[tilespmem:$0x14770] =	vst v5  }
0x5c: {  	[tilespmem:$0x14780] =	vst v5  }
0x5d: {  	[tilespmem:$0x14790] =	vst v5  }
0x5e: {  	[tilespmem:$0x147A0] =	vst v5  }
0x5f: {  	[tilespmem:$0x147B0] =	vst v5  }
0x60: {  	[tilespmem:$0x147C0] =	vst v5  }
0x61: {  	[tilespmem:$0x147D0] =	vst v5  }
0x62: {  	[tilespmem:$0x147E0] =	vst v5  }
0x63: {  	[tilespmem:$0x147F0] =	vst v5  }
0x64: {  	[tilespmem:$0x14800] =	vst v5  }
0x65: {  	[tilespmem:$0x14810] =	vst v5  }
0x66: {  	[tilespmem:$0x14820] =	vst v5  }
0x67: {  	[tilespmem:$0x14830] =	vst v5  }
0x68: {  	[tilespmem:$0x14840] =	vst v5  }
0x69: {  	[tilespmem:$0x14850] =	vst v5  }
0x6a: {  	[tilespmem:$0x14860] =	vst v5  }
0x6b: {  	[tilespmem:$0x14870] =	vst v5  }
0x6c: {  	[tilespmem:$0x14880] =	vst v5  }
0x6d: {  	[tilespmem:$0x14890] =	vst v5  }
0x6e: {  	[tilespmem:$0x148A0] =	vst v5  }
0x6f: {  	[tilespmem:$0x148B0] =	vst v5  }
0x70: {  	[tilespmem:$0x148C0] =	vst v5  }
0x71: {  	[tilespmem:$0x148D0] =	vst v5  }
0x72: {  	[tilespmem:$0x148E0] =	vst v5  }
0x73: {  	[tilespmem:$0x148F0] =	vst v5  }
0x74: {  	[tilespmem:$0x14900] =	vst v5  }
0x75: {  	[tilespmem:$0x14910] =	vst v5  }
0x76: {  	[tilespmem:$0x14920] =	vst v5  }
0x77: {  	[tilespmem:$0x14930] =	vst v5  }
0x78: {  	[spmem:s9] =	stream.linear.scatter [tilespmem:s19], [sflag:$0x5], $0x1000, $0x38;
	[tilespmem:$0x17940] =	vst v63  }
0x79: {  	_ =	swait.ge [sflag:s18], $0x1000  }
0x7a: {  	[sflag:s18] =	ssyncset.done $0x0  }
0x7b: {  	[sflag:s18] =	ssyncadd.s32 $0xFFFFF000  }
0x7c: {  	[spmem:s10] =	stream.linear.scatter [tilespmem:s19], [sflag:$0x5], $0x1000, $0x38;
	[tilespmem:$0x17940] =	vst v63  }
0x7d: {  	_ =	swait.ge [sflag:s18], $0x1000  }
0x7e: {  	[sflag:s18] =	ssyncset.done $0x0  }
0x7f: {  	[sflag:s18] =	ssyncadd.s32 $0xFFFFF000  }
0x80: {  	s28 =	simm.s32 $0x0;
	[bflag:$0x0] =	sbarrier.arrive $0xFFFF  }
0x81: {  	[tilespmem:s20], [sflag:$0x1] =	stream.linear.gather [hbm4b:s11+s28], $0x50, $0x38;
	[tilespmem:$0x17940] =	vst v63  }
0x82: {  	[tilespmem:$0x1FEB0] =	vst v7  }
0x83: {  	[tilespmem:$0x1FEC0] =	vst v9  }
0x84: {  	[tilespmem:$0x1FED0] =	vst v18  }
0x85: {  	[tilespmem:$0x1FEE0] =	vst v14  }
0x86: {  	[tilespmem:$0x1FEF0] =	vst v17  }
0x87: {  	[tilespmem:$0x1FF00] =	vst v13  }
0x88: {  	[tilespmem:$0x1FF10] =	vst v29  }
0x89: {  	[tilespmem:$0x1FF20] =	vst v30  }
0x8a: {  	[tilespmem:$0x1FF30] =	vst v23  }
0x8b: {  	[tilespmem:$0x1FF40] =	vst v24  }
0x8c: {  	[tilespmem:$0x1FF50] =	vst v58  }
0x8d: {  	[tilespmem:$0x1FF60] =	vst v55  }
.Ltmp3:
0x8e: {  	[tilespmem:$0x1FF70] =	vst v59;
	(pc) =	sbr.rel .LBB2_4-.Ltmp3, $4  }
0x8f: {  	[tilespmem:$0x1FF80] =	vst v61  }
0x90: {  	[tilespmem:$0x1FF90] =	vst v63  }
0x91: {  	p1 =	por $0x0, $0x0;
	[tilespmem:$0x1FFA0] =	vst v62  }
0x92: {  	[tilespmem:s21], [sflag:$0x1] =	stream.linear.gather [hbm4b:s12+s28], $0x5000, $0x38;
	[tilespmem:$0x17940] =	vst v63  }
.LBB2_8:
0x93: {  	p2 =	sne.s32 s26, $0x14  }
.Ltmp4:
0x94: {  	_ = 	snop;
	(pc) =	sbr.rel @!p2 .LBB2_9-.Ltmp4, $2  }
0x95: {  	_ =	sdelay $0x2  }
0x96: {  	p1 =	por !p1, !p1;
	s28 =	smov.u32 s26  }
.LBB2_4:
0x97: {  	s26 =	sadd.s32 $0x1, s28  }
0x98: {  	s0 =	sshll.u32 s26, $0x5  }
0x99: {  	s0 =	sor.u32 s8, s0  }
0x9a: {  	p2 =	sgt.u32 s0, $0x270  }
0x9b: {  	s5 =	sand.u32 @!p2 $0x3, s26  }
0x9c: {  	s5 =	smul.u32 @!p2 $0x140, s5  }
0x9d: {  	s30 =	smul.u32 @!p2 $0xA, s0  }
0x9e: {  	s29 =	sand.u32 @!p2 $0x1, s26;
	s2 =	simm.s32 @!p2 $0x0;
	s5 =	sshrl.u32 @!p2 s5, $0x2  }
0x9f: {  	s31 =	sadd.s32 @!p2 $0x1, s29;
	s30 =	sadd.s32 @!p2 s1, s30;
	s5 =	sor.u32 @!p2 $0x100, s5  }
0xa0: {  	[tilespmem:s5], [sflag:s31] =	stream.linear.gather @!p2 [hbm4b:s30+s2], $0x50, $0x38;
	[tilespmem:$0x17940] =	vst v63  }
0xa1: {  	s5 =	smul.u32 @!p2 $0x14000, s29  }
0xa2: {  	s0 =	smul.u32 @!p2 $0xA00, s0  }
0xa3: {  	s5 =	sshrl.u32 @!p2 s5, $0x2  }
0xa4: {  	s0 =	sadd.s32 @!p2 s6, s0;
	s5 =	sor.u32 @!p2 $0x240, s5  }
0xa5: {  	[tilespmem:s5], [sflag:s31] =	stream.linear.gather @!p2 [hbm4b:s0+s2], $0x5000, $0x38;
	[tilespmem:$0x17940] =	vst v63  }
0xa6: {  	s31 =	sshll.u32 s28, $0x5  }
0xa7: {  	p2 =	slt.u32 s28, $0x2;
	p3 =	sge.u32 s31, s13  }
.Ltmp5:
0xa8: {  	s0 =	sand.u32 @!p2 $0x1, s28;
	(pc) =	sbr.rel @p3 .LBB2_8-.Ltmp5, $4  }
0xa9: {  	s0 =	sadd.s32 @!p2 $0x3, s0  }
0xaa: {  	_ =	swait.ge @!p2 [sflag:s0], $0x5000  }
0xab: {  	[sflag:s0] =	ssyncset.done @!p2 $0x0  }
0xac: {  	[sflag:s0] =	ssyncadd.s32 @!p2 $0xFFFFB000  }
0xad: {  	s0 =	simm.s32 $0x1  }
0xae: {  	s0 =	simm.s32 @!p1 $0x0  }
0xaf: {  	s0 =	smul.u32 $0x14000, s0  }
0xb0: {  	s29 =	sand.u32 $0x1, s28  }
0xb1: {  	s2 =	sadd.s32 $0x1, s29;
	s0 =	sshrl.u32 s0, $0x2  }
0xb2: {  	_ =	swait.ge [sflag:s2], $0x50;
	s5 =	sor.u32 $0x240, s0  }
0xb3: {  	[sflag:s2] =	ssyncset.done $0x0;
	v22 =	vmov s5  }
0xb4: {  	[sflag:s2] =	ssyncadd.s32 $0xFFFFFFB0  }
0xb5: {  	_ =	swait.ge [sflag:s2], $0x5000  }
0xb6: {  	[sflag:s2] =	ssyncset.done $0x0  }
0xb7: {  	s30 =	simm.s32 $0x0;
	[sflag:s2] =	ssyncadd.s32 $0xFFFFB000  }
0xb8: {  	v51 =	vld.idx.msk [tilespmem:v22+s30+$0x0 ss:$0x1], $0xffff  }
0xb9: {  	v47 =	vld.idx.msk [tilespmem:v22+s30+$0x10 ss:$0x1], $0xffff  }
0xba: {  	v44 =	vld.idx.msk [tilespmem:v22+s30+$0x20 ss:$0x1], $0xffff  }
0xbb: {  	v42 =	vld.idx.msk [tilespmem:v22+s30+$0x30 ss:$0x1], $0xffff  }
0xbc: {  	v40 =	vld.idx.msk [tilespmem:v22+s30+$0x40 ss:$0x1], $0xffff  }
0xbd: {  	v34 =	vld.idx.msk [tilespmem:v22+s30+$0x50 ss:$0x1], $0xffff  }
0xbe: {  	v33 =	vld.idx.msk [tilespmem:v22+s30+$0x60 ss:$0x1], $0xffff  }
0xbf: {  	v31 =	vld.idx.msk [tilespmem:v22+s30+$0x70 ss:$0x1], $0xffff;
	v0 =	vmul.f32 v51, v55;
	v1 =	vmul.f32 v47, v58  }
0xc0: {  	v28 =	vld.idx.msk [tilespmem:v22+s30+$0x80 ss:$0x1], $0xffff  }
0xc1: {  	v4 =	vld.idx.msk [tilespmem:v22+s30+$0x110 ss:$0x1], $0xffff;
	v0 =	vadd.f32 v1, v0;
	v1 =	vmul.f32 v44, v59  }
0xc2: {  	v8 =	vld.idx.msk [tilespmem:v22+s30+$0x100 ss:$0x1], $0xffff  }
0xc3: {  	v35 =	vld.idx.msk [tilespmem:v22+s30+$0x90 ss:$0x1], $0xffff;
	v0 =	vadd.f32 v1, v0;
	v1 =	vmul.f32 v42, v61  }
0xc4: {  	v32 =	vld.idx.msk [tilespmem:v22+s30+$0xA0 ss:$0x1], $0xffff  }
0xc5: {  	v11 =	vld.idx.msk [tilespmem:v22+s30+$0x120 ss:$0x1], $0xffff;
	v2 =	vmul.f32 v40, v62;
	v0 =	vadd.f32 v1, v0  }
0xc6: {  	v36 =	vld.idx.msk [tilespmem:v22+s30+$0xB0 ss:$0x1], $0xffff  }
0xc7: {  	v10 =	vld.idx.msk [tilespmem:v22+s30+$0x140 ss:$0x1], $0xffff;
	v0 =	vadd.f32 v2, v0;
	v2 =	vmul.f32 v34, v63  }
0xc8: {  	v41 =	vld.idx.msk [tilespmem:v22+s30+$0xC0 ss:$0x1], $0xffff  }
0xc9: {  	v45 =	vld.idx.msk [tilespmem:v22+s30+$0xD0 ss:$0x1], $0xffff;
	v5 =	vmul.f32 v33, v7;
	v0 =	vadd.f32 v2, v0  }
0xca: {  	v49 =	vld.idx.msk [tilespmem:v22+s30+$0xE0 ss:$0x1], $0xffff  }
0xcb: {  	v2 =	vld.idx.msk [tilespmem:v22+s30+$0x130 ss:$0x1], $0xffff;
	v0 =	vadd.f32 v5, v0;
	v5 =	vmul.f32 v31, v9  }
0xcc: {  	v52 =	vld.idx.msk [tilespmem:v22+s30+$0xF0 ss:$0x1], $0xffff;
	[tilespmem:$0x1FD80] =	vst v8;
	v8 =	vmul.f32 v8, v55;
	v1 =	vmov v7;
	v7 =	vmul.f32 v4, v58  }
0xcd: {  	v37 =	vld.idx.msk [tilespmem:v22+s30+$0x190 ss:$0x1], $0xffff;
	v0 =	vadd.f32 v5, v0;
	v5 =	vmul.f32 v28, v23  }
0xce: {  	[tilespmem:$0x1FD90] =	vst v4;
	v4 =	vmov v9;
	v7 =	vadd.f32 v7, v8;
	v8 =	vld.idx.msk [tilespmem:v22+s30+$0x150 ss:$0x1], $0xffff;
	v9 =	vmul.f32 v11, v59  }
0xcf: {  	v25 =	vld.idx.msk [tilespmem:v22+s30+$0x1A0 ss:$0x1], $0xffff;
	[tilespmem:$0x1FDA0] =	vst v11;
	v0 =	vadd.f32 v5, v0;
	v5 =	vmul.f32 v35, v24  }
0xd0: {  	v7 =	vadd.f32 v9, v7;
	[tilespmem:$0x1FDB0] =	vst v2;
	v11 =	vmul.f32 v2, v61;
	v2 =	vld.idx.msk [tilespmem:v22+s30+$0x160 ss:$0x1], $0xffff  }
0xd1: {  	v27 =	vld.idx.msk [tilespmem:v22+s30+$0x1B0 ss:$0x1], $0xffff;
	v0 =	vadd.f32 v5, v0;
	v5 =	vmul.f32 v32, v17  }
0xd2: {  	v19 =	vld.idx.msk [tilespmem:v22+s30+$0x1C0 ss:$0x1], $0xffff;
	[tilespmem:$0x1FDC0] =	vst v10;
	v9 =	vmul.f32 v10, v62;
	v7 =	vadd.f32 v11, v7  }
0xd3: {  	v10 =	vld.idx.msk [tilespmem:v22+s30+$0x170 ss:$0x1], $0xffff;
	[tilespmem:$0x1FDD0] =	vst v8;
	v0 =	vadd.f32 v5, v0;
	v5 =	vmul.f32 v36, v18  }
0xd4: {  	v11 =	vmul.f32 v8, v63;
	v8 =	vld.idx.msk [tilespmem:v22+s30+$0x180 ss:$0x1], $0xffff;
	v7 =	vadd.f32 v9, v7;
	v9 =	vmul.f32 v41, v13  }
0xd5: {  	[tilespmem:$0x1FDE0] =	vst v2;
	v12 =	vmul.f32 v2, v1;
	v2 =	vld.idx.msk [tilespmem:v22+s30+$0x200 ss:$0x1], $0xffff;
	v5 =	vadd.f32 v5, v0  }
0xd6: {  	v7 =	vadd.f32 v11, v7;
	v0 =	vld.idx.msk [tilespmem:v22+s30+$0x210 ss:$0x1], $0xffff  }
0xd7: {  	v38 =	vld.idx.msk [tilespmem:v22+s30+$0x240 ss:$0x1], $0xffff;
	v11 =	vmul.f32 v45, v14;
	v9 =	vadd.f32 v9, v5  }
0xd8: {  	v15 =	vmul.f32 v10, v4;
	v12 =	vadd.f32 v12, v7;
	v5 =	vld.idx.msk [tilespmem:v22+s30+$0x220 ss:$0x1], $0xffff  }
0xd9: {  	[tilespmem:$0x1FE10] =	vst v37;
	v50 =	vmul.f32 v52, v30;
	v9 =	vadd.f32 v11, v9;
	v11 =	vmul.f32 v49, v29  }
0xda: {  	v53 =	vmul.f32 v37, v24;
	v16 =	vmul.f32 v8, v23;
	v7 =	vld.idx.msk [tilespmem:v22+s30+$0x230 ss:$0x1], $0xffff;
	v12 =	vadd.f32 v15, v12  }
0xdb: {  	[tilespmem:$0x1FDF0] =	vst v10;
	v56 =	vmul.f32 v2, v55;
	v20 =	vmul.f32 v0, v58;
	v11 =	vadd.f32 v11, v9  }
0xdc: {  	v37 =	vld.idx.msk [tilespmem:v22+s30+$0x1D0 ss:$0x1], $0xffff;
	v10 =	vmov v18;
	[tilespmem:$0x1FE00] =	vst v8;
	v8 =	vmov v23;
	v16 =	vadd.f32 v16, v12  }
0xdd: {  	v18 =	vadd.f32 v20, v56;
	v23 =	vmul.f32 v5, v59;
	v9 =	vmovc v17;
	v11 =	vadd.f32 v50, v11  }
0xde: {  	[tilespmem:$0x1FE20] =	vst v2;
	v2 =	vld.idx.msk [tilespmem:v22+s30+$0x250 ss:$0x1], $0xffff;
	v16 =	vadd.f32 v53, v16;
	v21 =	vmul.f32 v25, v9  }
0xdf: {  	v15 =	vmovc v30;
	v39 =	vmul.f32 v7, v61;
	v30 =	vadd.f32 v23, v18;
	v57 =	vperm.xlane v11, v6  }
0xe0: {  	v60 =	vmul.f32 v27, v10;
	[tilespmem:$0x1FE40] =	vst v5;
	v5 =	vld.idx.msk [tilespmem:v22+s30+$0x260 ss:$0x1], $0xffff;
	v16 =	vadd.f32 v21, v16  }
0xe1: {  	v46 =	vld.idx.msk [tilespmem:v22+s30+$0x1E0 ss:$0x1], $0xffff;
	v48 =	vmul.f32 v38, v62;
	v17 =	vadd.f32 v39, v30;
	v11 =	vadd.f32 v57, v11  }
0xe2: {  	v23 =	vmul.f32 v19, v13;
	v21 =	vld.idx.msk [tilespmem:v22+s30+$0x270 ss:$0x1], $0xffff;
	v16 =	vadd.f32 v60, v16  }
0xe3: {  	v50 =	vld.idx.msk [tilespmem:v22+s30+$0x1F0 ss:$0x1], $0xffff;
	v53 =	vmul.f32 v2, v63;
	v17 =	vadd.f32 v48, v17;
	v43 =	vperm.xlane v11, v26  }
0xe4: {  	[tilespmem:$0x1FE30] =	vst v0;
	v0 =	vld.idx.msk [tilespmem:v22+s30+$0x310 ss:$0x1], $0xffff;
	v12 =	vmov v24;
	v16 =	vadd.f32 v23, v16;
	v23 =	vmul.f32 v37, v14  }
0xe5: {  	v20 =	vld.idx.msk [tilespmem:v22+s30+$0x280 ss:$0x1], $0xffff;
	v48 =	vmul.f32 v5, v1;
	v17 =	vadd.f32 v53, v17;
	v24 =	vadd.f32 v43, v11  }
0xe6: {  	v56 =	vmul.f32 v46, v29;
	[tilespmem:$0x1FE70] =	vst v2;
	v2 =	vld.idx.msk [tilespmem:v22+s30+$0x300 ss:$0x1], $0xffff;
	v23 =	vadd.f32 v23, v16  }
0xe7: {  	v57 =	vmul.f32 v21, v4;
	v30 =	vadd.f32 v48, v17;
	v39 =	vperm.xlane v24, v3  }
0xe8: {  	v18 =	vld.idx.msk [tilespmem:v22+s30+$0x320 ss:$0x1], $0xffff;
	v53 =	vmul.f32 v50, v15;
	v23 =	vadd.f32 v56, v23  }
0xe9: {  	[tilespmem:$0x1FE60] =	vst v38;
	v38 =	vld.idx.msk [tilespmem:v22+s30+$0x290 ss:$0x1], $0xffff;
	v48 =	vadd.f32 v57, v30;
	v39 =	vadd.f32 v39, v24  }
0xea: {  	v56 =	vmul.f32 v0, v58;
	v24 =	vld.idx.msk [tilespmem:v22+s30+$0x330 ss:$0x1], $0xffff;
	v23 =	vadd.f32 v53, v23;
	v53 =	vmul.f32 v20, v8  }
0xeb: {  	v57 =	vmul.f32 v2, v55;
	v60 =	vperm.xlane v39, v54  }
0xec: {  	[tilespmem:$0x1FE50] =	vst v7;
	v7 =	vmov v54;
	v30 =	vld.idx.msk [tilespmem:v22+s30+$0x340 ss:$0x1], $0xffff;
	v48 =	vadd.f32 v53, v48  }
0xed: {  	v43 =	vld.idx.msk [tilespmem:v22+s30+$0x2A0 ss:$0x1], $0xffff;
	v16 =	vmul.f32 v18, v59;
	v53 =	vadd.f32 v56, v57;
	v54 =	vadd.f32 v60, v39  }
0xee: {  	v58 =	vperm.xlane v23, v6;
	v60 =	vmul.f32 v38, v12;
	v39 =	vld.idx.msk [tilespmem:v22+s30+$0x350 ss:$0x1], $0xffff  }
0xef: {  	v55 =	vld.idx.msk [tilespmem:v22+s30+$0x2B0 ss:$0x1], $0xffff;
	v53 =	vadd.f32 v16, v53;
	v16 =	vmul.f32 v24, v61;
	v54 =	vmul.f32 $1.442695020e+00, v54  }
0xf0: {  	v23 =	vadd.f32 v58, v23;
	v60 =	vadd.f32 v60, v48;
	v48 =	vld.idx.msk [tilespmem:v22+s30+$0x360 ss:$0x1], $0xffff  }
0xf1: {  	v57 =	vld.idx.msk [tilespmem:v22+s30+$0x2C0 ss:$0x1], $0xffff;
	v56 =	vmul.f32 v30, v62;
	(erf) = vpow2.f32 v54;
	v54 =	vadd.f32 v16, v53  }
0xf2: {  	v58 =	vmul.f32 v43, v9;
	v61 =	vperm.xlane v23, v26  }
0xf3: {  	[tilespmem:$0x1FEA0] =	vst v0;
	v59 =	vld.idx.msk [tilespmem:v22+s30+$0x2D0 ss:$0x1], $0xffff;
	v54 =	vadd.f32 v56, v54;
	v56 =	vmul.f32 v39, v63  }
0xf4: {  	v53 =	vld.idx.msk [tilespmem:v22+s30+$0x370 ss:$0x1], $0xffff;
	v58 =	vadd.f32 v58, v60;
	v16 =	vmul.f32 v55, v10;
	v23 =	vadd.f32 v61, v23  }
0xf5: {  	[tilespmem:$0x1FE90] =	vst v2;
	v61 =	vld.idx.msk [tilespmem:v22+s30+$0x2E0 ss:$0x1], $0xffff;
	v0 =	vmul.f32 v48, v1;
	v2 =	vadd.f32 v56, v54  }
0xf6: {  	v17 =	vld.idx.msk [tilespmem:v22+s30+$0x380 ss:$0x1], $0xffff;
	v60 =	vmul.f32 v57, v13;
	v58 =	vadd.f32 v16, v58;
	v16 =	vperm.xlane v23, v3  }
0xf7: {  	v63 =	vld.idx.msk [tilespmem:v22+s30+$0x2F0 ss:$0x1], $0xffff;
	v0 =	vadd.f32 v0, v2  }
0xf8: {  	s0 =	sadd.s32 $0xA240, s0;
	v54 =	vld.idx.msk [tilespmem:v22+s30+$0x3D0 ss:$0x1], $0xffff;
	v60 =	vadd.f32 v60, v58;
	v1 =	vadd.f32 v16, v23;
	v16 =	vmul.f32 v59, v14  }
0xf9: {  	v56 =	vld.idx.msk [tilespmem:v22+s30+$0x3C0 ss:$0x1], $0xffff;
	v23 =	vmov s0;
	v2 =	vmul.f32 v53, v4  }
0xfa: {  	[tilespmem:$0x1FE80] =	vst v5;
	v11 =	vmov v3;
	v62 =	vmul.f32 v61, v29;
	v4 =	vadd.f32 v16, v60;
	v60 =	vld.idx.msk [tilespmem:v22+s30+$0x390 ss:$0x1], $0xffff  }
0xfb: {  	v58 =	vld.idx.msk [tilespmem:v22+s30+$0x3B0 ss:$0x1], $0xffff;
	v3 =	vperm.xlane v1, v7;
	v5 =	vadd.f32 v2, v0;
	v2 =	vmul.f32 v17, v8;
	v0 =	vpop (erf)  }
0xfc: {  	v16 =	vld.idx.msk [tilespmem:v22+s30+$0x3A0 ss:$0x1], $0xffff;
	v4 =	vadd.f32 v62, v4;
	v62 =	vmul.f32 v0, v51  }
0xfd: {  	v1 =	vadd.f32 v3, v1;
	v2 =	vadd.f32 v2, v5;
	v51 =	vld.idx.msk [tilespmem:v22+s30+$0x3E0 ss:$0x1], $0xffff;
	v3 =	vmul.f32 v0, v47  }
0xfe: {  	v47 =	vld.idx.msk [tilespmem:v22+s30+$0x3F0 ss:$0x1], $0xffff;
	v5 =	vmul.f32 v0, v44;
	[tilespmem:v23+s30+$0x0 ss:$0x1] =	vst.idx.msk $0xffff, v62;
	v62 =	vmul.f32 v63, v15  }
0xff: {  	v12 =	vmul.f32 v60, v12;
	[tilespmem:v23+s30+$0x10 ss:$0x1] =	vst.idx.msk $0xffff, v3;
	v3 =	vmul.f32 v0, v42  }
0x100: {  	v4 =	vadd.f32 v62, v4;
	[tilespmem:v23+s30+$0x20 ss:$0x1] =	vst.idx.msk $0xffff, v5;
	v5 =	vmul.f32 v0, v40  }
0x101: {  	v1 =	vmul.f32 $1.442695020e+00, v1;
	v2 =	vadd.f32 v12, v2;
	[tilespmem:v23+s30+$0x30 ss:$0x1] =	vst.idx.msk $0xffff, v3;
	v3 =	vmul.f32 v16, v9  }
0x102: {  	[tilespmem:v23+s30+$0x40 ss:$0x1] =	vst.idx.msk $0xffff, v5;
	v5 =	vmul.f32 v0, v34;
	v40 =	vperm.xlane v4, v6  }
0x103: {  	v44 =	vmul.f32 v0, v32;
	v2 =	vadd.f32 v3, v2;
	v3 =	vmul.f32 v0, v33  }
0x104: {  	(erf) = vpow2.f32 v1;
	v1 =	vmul.f32 v0, v31;
	v4 =	vadd.f32 v40, v4;
	[tilespmem:v23+s30+$0x50 ss:$0x1] =	vst.idx.msk $0xffff, v5  }
0x105: {  	v42 =	vmul.f32 v58, v10;
	[tilespmem:v23+s30+$0x60 ss:$0x1] =	vst.idx.msk $0xffff, v3;
	v3 =	vmul.f32 v0, v28  }
0x106: {  	v5 =	vmul.f32 v0, v35;
	[tilespmem:v23+s30+$0x70 ss:$0x1] =	vst.idx.msk $0xffff, v1;
	v1 =	vperm.xlane v4, v26  }
0x107: {  	v2 =	vadd.f32 v42, v2;
	[tilespmem:v23+s30+$0x80 ss:$0x1] =	vst.idx.msk $0xffff, v3;
	v3 =	vmul.f32 v56, v13  }
0x108: {  	v1 =	vadd.f32 v1, v4;
	[tilespmem:v23+s30+$0x90 ss:$0x1] =	vst.idx.msk $0xffff, v5;
	v4 =	vmul.f32 v0, v36  }
0x109: {  	v2 =	vadd.f32 v3, v2;
	[tilespmem:v23+s30+$0xA0 ss:$0x1] =	vst.idx.msk $0xffff, v44;
	v3 =	vmul.f32 v0, v41  }
0x10a: {  	v5 =	vmul.f32 v0, v45;
	[tilespmem:v23+s30+$0xB0 ss:$0x1] =	vst.idx.msk $0xffff, v4;
	v4 =	vmul.f32 v54, v14  }
0x10b: {  	v49 =	vmul.f32 v0, v49;
	[tilespmem:v23+s30+$0xC0 ss:$0x1] =	vst.idx.msk $0xffff, v3;
	v3 =	vperm.xlane v1, v11  }
0x10c: {  	v2 =	vadd.f32 v4, v2;
	[tilespmem:v23+s30+$0xD0 ss:$0x1] =	vst.idx.msk $0xffff, v5;
	v4 =	vmul.f32 v0, v52  }
0x10d: {  	v1 =	vadd.f32 v3, v1;
	v3 =	vmul.f32 v51, v29;
	[tilespmem:v23+s30+$0xE0 ss:$0x1] =	vst.idx.msk $0xffff, v49  }
0x10e: {  	s31 =	simm.s32 $0x14260;
	[tilespmem:v23+s30+$0xF0 ss:$0x1] =	vst.idx.msk $0xffff, v4;
	v4 =	vld [tilespmem:$0x1FD80]  }
0x10f: {  	v2 =	vadd.f32 v3, v2;
	[tilespmem:s31+$0xFFFFFFE0] =	vst v0;
	v0 =	vperm.xlane v1, v7;
	v3 =	vld [tilespmem:$0x1FD90]  }
0x110: {  	v8 =	vld [tilespmem:$0x1FDA0]  }
0x111: {  	v0 =	vadd.f32 v0, v1;
	v1 =	vld [tilespmem:$0x1FDB0]  }
0x112: {  	v5 =	vpop (erf)  }
0x113: {  	v4 =	vmul.f32 v5, v4  }
0x114: {  	v3 =	vmul.f32 v5, v3  }
0x115: {  	v62 =	vmul.f32 v5, v8;
	[tilespmem:v23+s30+$0x100 ss:$0x1] =	vst.idx.msk $0xffff, v4  }
0x116: {  	[tilespmem:v23+s30+$0x110 ss:$0x1] =	vst.idx.msk $0xffff, v3;
	v1 =	vmul.f32 v5, v1  }
0x117: {  	v4 =	vmul.f32 v47, v15;
	v3 =	vld [tilespmem:$0x1FDC0];
	[tilespmem:v23+s30+$0x120 ss:$0x1] =	vst.idx.msk $0xffff, v62  }
0x118: {  	v0 =	vmul.f32 $1.442695020e+00, v0;
	[tilespmem:v23+s30+$0x130 ss:$0x1] =	vst.idx.msk $0xffff, v1;
	v1 =	vld [tilespmem:$0x1FDD0]  }
0x119: {  	v2 =	vadd.f32 v4, v2;
	v4 =	vld [tilespmem:$0x1FDE0]  }
0x11a: {  	(erf) = vpow2.f32 v0;
	v0 =	vld [tilespmem:$0x1FDF0];
	_ =	sdelay $0x1  }
0x11b: {  	v3 =	vmul.f32 v5, v3  }
0x11c: {  	v1 =	vmul.f32 v5, v1  }
0x11d: {  	v4 =	vmul.f32 v5, v4;
	[tilespmem:v23+s30+$0x140 ss:$0x1] =	vst.idx.msk $0xffff, v3;
	v3 =	vperm.xlane v2, v6  }
0x11e: {  	v0 =	vmul.f32 v5, v0;
	[tilespmem:v23+s30+$0x150 ss:$0x1] =	vst.idx.msk $0xffff, v1  }
0x11f: {  	v1 =	vadd.f32 v3, v2;
	v2 =	vld [tilespmem:$0x1FE00];
	[tilespmem:v23+s30+$0x160 ss:$0x1] =	vst.idx.msk $0xffff, v4  }
0x120: {  	[tilespmem:v23+s30+$0x170 ss:$0x1] =	vst.idx.msk $0xffff, v0;
	v0 =	vld [tilespmem:$0x1FE10];
	_ =	sdelay $0x3  }
0x121: {  	v2 =	vmul.f32 v5, v2  }
0x122: {  	v0 =	vmul.f32 v5, v0  }
0x123: {  	v3 =	vmul.f32 v5, v25;
	[tilespmem:v23+s30+$0x180 ss:$0x1] =	vst.idx.msk $0xffff, v2;
	v2 =	vperm.xlane v1, v26  }
0x124: {  	[tilespmem:v23+s30+$0x190 ss:$0x1] =	vst.idx.msk $0xffff, v0;
	v0 =	vmul.f32 v5, v27  }
0x125: {  	v1 =	vadd.f32 v2, v1;
	v2 =	vmul.f32 v5, v19;
	[tilespmem:v23+s30+$0x1A0 ss:$0x1] =	vst.idx.msk $0xffff, v3  }
0x126: {  	[tilespmem:v23+s30+$0x1B0 ss:$0x1] =	vst.idx.msk $0xffff, v0;
	v0 =	vmul.f32 v5, v37  }
0x127: {  	v3 =	vmul.f32 v5, v46;
	[tilespmem:v23+s30+$0x1C0 ss:$0x1] =	vst.idx.msk $0xffff, v2  }
0x128: {  	[tilespmem:v23+s30+$0x1D0 ss:$0x1] =	vst.idx.msk $0xffff, v0;
	v0 =	vmul.f32 v5, v50  }
0x129: {  	[tilespmem:v23+s30+$0x1E0 ss:$0x1] =	vst.idx.msk $0xffff, v3  }
0x12a: {  	v2 =	vperm.xlane v1, v11;
	[tilespmem:v23+s30+$0x1F0 ss:$0x1] =	vst.idx.msk $0xffff, v0;
	v0 =	vld [tilespmem:$0x1FE20];
	_ =	sdelay $0x3  }
0x12b: {  	v1 =	vadd.f32 v2, v1;
	v2 =	vpop (erf)  }
0x12c: {  	v0 =	vmul.f32 v2, v0  }
0x12d: {  	v4 =	vld [tilespmem:$0x1FE30];
	[tilespmem:s31+$0xFFFFFFF0] =	vst v5  }
0x12e: {  	[tilespmem:v23+s30+$0x200 ss:$0x1] =	vst.idx.msk $0xffff, v0;
	v0 =	vld [tilespmem:$0x1FE40];
	_ =	sdelay $0x3  }
0x12f: {  	v3 =	vperm.xlane v1, v7;
	v4 =	vmul.f32 v2, v4  }
0x130: {  	v0 =	vmul.f32 v2, v0  }
0x131: {  	v1 =	vadd.f32 v3, v1;
	v3 =	vld [tilespmem:$0x1FE50];
	[tilespmem:v23+s30+$0x210 ss:$0x1] =	vst.idx.msk $0xffff, v4  }
0x132: {  	[tilespmem:v23+s30+$0x220 ss:$0x1] =	vst.idx.msk $0xffff, v0;
	v0 =	vld [tilespmem:$0x1FE60];
	_ =	sdelay $0x3  }
0x133: {  	v3 =	vmul.f32 v2, v3  }
0x134: {  	v0 =	vmul.f32 v2, v0  }
0x135: {  	[tilespmem:v23+s30+$0x230 ss:$0x1] =	vst.idx.msk $0xffff, v3;
	v3 =	vld [tilespmem:$0x1FE70]  }
0x136: {  	[tilespmem:v23+s30+$0x240 ss:$0x1] =	vst.idx.msk $0xffff, v0;
	v0 =	vld [tilespmem:$0x1FE80];
	_ =	sdelay $0x3  }
0x137: {  	v1 =	vmul.f32 $1.442695020e+00, v1;
	v3 =	vmul.f32 v2, v3  }
0x138: {  	v0 =	vmul.f32 v2, v0  }
0x139: {  	(erf) = vpow2.f32 v1;
	v1 =	vmul.f32 v2, v21;
	[tilespmem:v23+s30+$0x250 ss:$0x1] =	vst.idx.msk $0xffff, v3  }
0x13a: {  	[tilespmem:v23+s30+$0x260 ss:$0x1] =	vst.idx.msk $0xffff, v0;
	v0 =	vmul.f32 v2, v20  }
0x13b: {  	[tilespmem:v23+s30+$0x270 ss:$0x1] =	vst.idx.msk $0xffff, v1;
	v1 =	vmul.f32 v2, v38  }
0x13c: {  	[tilespmem:v23+s30+$0x280 ss:$0x1] =	vst.idx.msk $0xffff, v0;
	v0 =	vmul.f32 v2, v43  }
0x13d: {  	[tilespmem:v23+s30+$0x290 ss:$0x1] =	vst.idx.msk $0xffff, v1;
	v1 =	vmul.f32 v2, v55  }
0x13e: {  	[tilespmem:v23+s30+$0x2A0 ss:$0x1] =	vst.idx.msk $0xffff, v0;
	v0 =	vmul.f32 v2, v57  }
0x13f: {  	[tilespmem:v23+s30+$0x2B0 ss:$0x1] =	vst.idx.msk $0xffff, v1;
	v1 =	vmul.f32 v2, v59  }
0x140: {  	[tilespmem:v23+s30+$0x2C0 ss:$0x1] =	vst.idx.msk $0xffff, v0;
	v0 =	vmul.f32 v2, v61  }
0x141: {  	[tilespmem:v23+s30+$0x2D0 ss:$0x1] =	vst.idx.msk $0xffff, v1;
	v1 =	vmul.f32 v2, v63  }
0x142: {  	[tilespmem:v23+s30+$0x2E0 ss:$0x1] =	vst.idx.msk $0xffff, v0  }
0x143: {  	[tilespmem:v23+s30+$0x2F0 ss:$0x1] =	vst.idx.msk $0xffff, v1;
	v1 =	vld [tilespmem:$0x1FE90]  }
0x144: {  	[tilespmem:s31+$0x0] =	vst v2;
	v2 =	vld [tilespmem:$0x1FEA0];
	_ =	sdelay $0x2  }
0x145: {  	v0 =	vpop (erf)  }
0x146: {  	v1 =	vmul.f32 v0, v1  }
0x147: {  	v2 =	vmul.f32 v0, v2  }
0x148: {  	[tilespmem:v23+s30+$0x300 ss:$0x1] =	vst.idx.msk $0xffff, v1;
	v1 =	vmul.f32 v0, v18  }
0x149: {  	[tilespmem:v23+s30+$0x310 ss:$0x1] =	vst.idx.msk $0xffff, v2;
	v2 =	vmul.f32 v0, v24  }
0x14a: {  	v3 =	vmul.f32 v0, v39;
	[tilespmem:v23+s30+$0x320 ss:$0x1] =	vst.idx.msk $0xffff, v1;
	v1 =	vmul.f32 v0, v30  }
0x14b: {  	v7 =	vmul.f32 v0, v53;
	v9 =	vmul.f32 v0, v17;
	[tilespmem:v23+s30+$0x330 ss:$0x1] =	vst.idx.msk $0xffff, v2  }
0x14c: {  	v4 =	vmul.f32 v0, v16;
	v2 =	vmul.f32 v0, v48;
	[tilespmem:v23+s30+$0x340 ss:$0x1] =	vst.idx.msk $0xffff, v1  }
0x14d: {  	v6 =	vmul.f32 v0, v56;
	v5 =	vmul.f32 v0, v54;
	[tilespmem:v23+s30+$0x350 ss:$0x1] =	vst.idx.msk $0xffff, v3  }
0x14e: {  	v1 =	vmul.f32 v0, v60;
	v3 =	vmul.f32 v0, v58;
	[tilespmem:v23+s30+$0x360 ss:$0x1] =	vst.idx.msk $0xffff, v2  }
0x14f: {  	s5 =	simm.s32 $0x1000;
	s0 =	simm.s32 $0x14260;
	v2 =	vmul.f32 v0, v47;
	[tilespmem:v23+s30+$0x370 ss:$0x1] =	vst.idx.msk $0xffff, v7;
	v7 =	vmul.f32 v0, v51  }
.LBB2_6:
0x150: {  	v17 =	vld [tilespmem:$0x1FF60]  }
0x151: {  	v20 =	vld [tilespmem:$0x1FF70]  }
0x152: {  	v12 =	vld [tilespmem:$0x1FF80]  }
0x153: {  	v14 =	vld [tilespmem:$0x1FFA0]  }
0x154: {  	v16 =	vld [tilespmem:$0x1FF90];
	[tilespmem:v23+s30+$0x380 ss:$0x1] =	vst.idx.msk $0xffff, v9  }
0x155: {  	v21 =	vld [tilespmem:$0x1FEB0];
	[tilespmem:v23+s30+$0x390 ss:$0x1] =	vst.idx.msk $0xffff, v1  }
0x156: {  	v24 =	vld [tilespmem:$0x1FEC0];
	[tilespmem:v23+s30+$0x3A0 ss:$0x1] =	vst.idx.msk $0xffff, v4  }
0x157: {  	v25 =	vld [tilespmem:$0x1FF30];
	[tilespmem:v23+s30+$0x3B0 ss:$0x1] =	vst.idx.msk $0xffff, v3  }
0x158: {  	v29 =	vld [tilespmem:$0x1FF40];
	[tilespmem:v23+s30+$0x3C0 ss:$0x1] =	vst.idx.msk $0xffff, v6  }
0x159: {  	v26 =	vld [tilespmem:$0x1FEF0];
	[tilespmem:v23+s30+$0x3D0 ss:$0x1] =	vst.idx.msk $0xffff, v5  }
0x15a: {  	s2 =	smov.u32 s5;
	v27 =	vld [tilespmem:$0x1FED0];
	[tilespmem:v23+s30+$0x3E0 ss:$0x1] =	vst.idx.msk $0xffff, v7  }
0x15b: {  	v28 =	vld [tilespmem:$0x1FF10];
	s2 =	sshra.s32 s2, $0x2;
	[tilespmem:v23+s30+$0x3F0 ss:$0x1] =	vst.idx.msk $0xffff, v2  }
0x15c: {  	s30 =	smov.u32 s2;
	v2 =	vld [tilespmem:$0x1FF50];
	[tilespmem:s0+$0x10] =	vst v0  }
0x15d: {  	v63 =	vld.idx.msk [tilespmem:v22+s30+$0x0 ss:$0x1], $0xffff  }
0x15e: {  	v53 =	vld.idx.msk [tilespmem:v22+s30+$0x10 ss:$0x1], $0xffff  }
0x15f: {  	v45 =	vld.idx.msk [tilespmem:v22+s30+$0x50 ss:$0x1], $0xffff  }
0x160: {  	v48 =	vld.idx.msk [tilespmem:v22+s30+$0x20 ss:$0x1], $0xffff  }
0x161: {  	v61 =	vld.idx.msk [tilespmem:v22+s30+$0x60 ss:$0x1], $0xffff  }
0x162: {  	v58 =	vld.idx.msk [tilespmem:v22+s30+$0x30 ss:$0x1], $0xffff  }
0x163: {  	v50 =	vld.idx.msk [tilespmem:v22+s30+$0x70 ss:$0x1], $0xffff  }
0x164: {  	v59 =	vld.idx.msk [tilespmem:v22+s30+$0x40 ss:$0x1], $0xffff  }
0x165: {  	v31 =	vld.idx.msk [tilespmem:v22+s30+$0x80 ss:$0x1], $0xffff  }
0x166: {  	v3 =	vld.idx.msk [tilespmem:v22+s30+$0x110 ss:$0x1], $0xffff  }
0x167: {  	v11 =	vld.idx.msk [tilespmem:v22+s30+$0x90 ss:$0x1], $0xffff  }
0x168: {  	v4 =	vld.idx.msk [tilespmem:v22+s30+$0x100 ss:$0x1], $0xffff  }
0x169: {  	v51 =	vld.idx.msk [tilespmem:v22+s30+$0xA0 ss:$0x1], $0xffff;
	v0 =	vmul.f32 v63, v17;
	v1 =	vmul.f32 v53, v2  }
0x16a: {  	v5 =	vld.idx.msk [tilespmem:v22+s30+$0x120 ss:$0x1], $0xffff  }
0x16b: {  	v54 =	vld.idx.msk [tilespmem:v22+s30+$0xB0 ss:$0x1], $0xffff;
	v0 =	vadd.f32 v1, v0;
	v1 =	vmul.f32 v48, v20  }
0x16c: {  	v7 =	vld.idx.msk [tilespmem:v22+s30+$0x130 ss:$0x1], $0xffff  }
0x16d: {  	v56 =	vld.idx.msk [tilespmem:v22+s30+$0xC0 ss:$0x1], $0xffff;
	v0 =	vadd.f32 v1, v0;
	v1 =	vmul.f32 v58, v12  }
0x16e: {  	v10 =	vld.idx.msk [tilespmem:v22+s30+$0x140 ss:$0x1], $0xffff  }
0x16f: {  	v57 =	vld.idx.msk [tilespmem:v22+s30+$0xD0 ss:$0x1], $0xffff;
	[tilespmem:$0x1FC50] =	vst v3;
	v0 =	vadd.f32 v1, v0;
	v1 =	vmul.f32 v59, v14  }
0x170: {  	v9 =	vld.idx.msk [tilespmem:v22+s30+$0x150 ss:$0x1], $0xffff;
	[tilespmem:$0x1FC20] =	vst v4;
	v3 =	vmul.f32 v3, v2;
	v4 =	vmul.f32 v4, v17  }
0x171: {  	v62 =	vld.idx.msk [tilespmem:v22+s30+$0xE0 ss:$0x1], $0xffff;
	v0 =	vadd.f32 v1, v0;
	v1 =	vmul.f32 v45, v16  }
0x172: {  	v44 =	vld.idx.msk [tilespmem:v22+s30+$0xF0 ss:$0x1], $0xffff;
	v6 =	vmul.f32 v5, v20;
	v4 =	vadd.f32 v3, v4  }
0x173: {  	v8 =	vld.idx.msk [tilespmem:v22+s30+$0x170 ss:$0x1], $0xffff;
	v0 =	vadd.f32 v1, v0;
	v1 =	vmul.f32 v61, v21  }
0x174: {  	v18 =	vld.idx.msk [tilespmem:v22+s30+$0x190 ss:$0x1], $0xffff;
	[tilespmem:$0x1FC30] =	vst v7;
	v7 =	vmul.f32 v7, v12;
	v4 =	vadd.f32 v6, v4  }
0x175: {  	[tilespmem:$0x1FC60] =	vst v5;
	v5 =	vld.idx.msk [tilespmem:v22+s30+$0x160 ss:$0x1], $0xffff;
	v0 =	vadd.f32 v1, v0;
	v1 =	vmul.f32 v50, v24  }
0x176: {  	v49 =	vld.idx.msk [tilespmem:v22+s30+$0x1A0 ss:$0x1], $0xffff;
	v6 =	vmul.f32 v10, v14;
	v4 =	vadd.f32 v7, v4  }
0x177: {  	v13 =	vld.idx.msk [tilespmem:v22+s30+$0x220 ss:$0x1], $0xffff;
	v0 =	vadd.f32 v1, v0;
	v1 =	vmul.f32 v31, v25  }
0x178: {  	v3 =	vld.idx.msk [tilespmem:v22+s30+$0x380 ss:$0x1], $0xffff;
	v7 =	vmul.f32 v9, v16;
	v4 =	vadd.f32 v6, v4  }
0x179: {  	[tilespmem:$0x1FC10] =	vst v11;
	v0 =	vadd.f32 v1, v0;
	v1 =	vmul.f32 v11, v29;
	v11 =	vld.idx.msk [tilespmem:v22+s30+$0x180 ss:$0x1], $0xffff  }
0x17a: {  	[tilespmem:$0x1FC70] =	vst v9;
	v9 =	vld [tilespmem:$0x1FF00];
	v6 =	vmul.f32 v5, v21;
	v4 =	vadd.f32 v7, v4  }
0x17b: {  	[tilespmem:$0x1FC40] =	vst v10;
	v10 =	vld.idx.msk [tilespmem:v22+s30+$0x200 ss:$0x1], $0xffff;
	v0 =	vadd.f32 v1, v0;
	v1 =	vmul.f32 v51, v26  }
0x17c: {  	[tilespmem:$0x1FC80] =	vst v5;
	v5 =	vld [tilespmem:$0x1FEE0];
	v7 =	vmul.f32 v8, v24;
	v4 =	vadd.f32 v6, v4  }
0x17d: {  	[tilespmem:$0x1FC00] =	vst v3;
	v3 =	vld.idx.msk [tilespmem:v22+s30+$0x210 ss:$0x1], $0xffff;
	v0 =	vadd.f32 v1, v0;
	v1 =	vmul.f32 v54, v27  }
0x17e: {  	v60 =	vld.idx.msk [tilespmem:v22+s30+$0x1B0 ss:$0x1], $0xffff;
	v4 =	vadd.f32 v7, v4;
	v6 =	vmul.f32 v11, v25  }
0x17f: {  	v15 =	vld.idx.msk [tilespmem:v22+s30+$0x230 ss:$0x1], $0xffff;
	v0 =	vadd.f32 v1, v0;
	v1 =	vmul.f32 v56, v9  }
0x180: {  	v4 =	vadd.f32 v6, v4;
	v6 =	vld [tilespmem:$0x1FF20]  }
0x181: {  	[tilespmem:$0x1FC90] =	vst v8;
	v8 =	vmul.f32 v10, v17;
	v0 =	vadd.f32 v1, v0;
	v1 =	vmul.f32 v57, v5  }
0x182: {  	v47 =	vld.idx.msk [tilespmem:v22+s30+$0x1C0 ss:$0x1], $0xffff;
	[tilespmem:$0x1FCC0] =	vst v10;
	v10 =	vmul.f32 v3, v2;
	v7 =	vmul.f32 v18, v29  }
0x183: {  	[tilespmem:$0x1FCA0] =	vst v11;
	v11 =	vmul.f32 v49, v26;
	v0 =	vadd.f32 v1, v0;
	v1 =	vmul.f32 v62, v28  }
0x184: {  	v35 =	vld.idx.msk [tilespmem:v22+s30+$0x240 ss:$0x1], $0xffff;
	v4 =	vadd.f32 v7, v4;
	v7 =	vadd.f32 v10, v8;
	v8 =	vmul.f32 v13, v20  }
0x185: {  	v0 =	vadd.f32 v1, v0;
	v1 =	vmul.f32 v44, v6  }
0x186: {  	v19 =	vld.idx.msk [tilespmem:v22+s30+$0x250 ss:$0x1], $0xffff;
	v4 =	vadd.f32 v11, v4;
	v7 =	vadd.f32 v8, v7  }
0x187: {  	v30 =	vld [tilespmem:$0x1FFE0];
	v8 =	vmul.f32 v15, v12;
	v0 =	vadd.f32 v1, v0;
	v1 =	vmul.f32 v60, v27  }
0x188: {  	v46 =	vld.idx.msk [tilespmem:v22+s30+$0x260 ss:$0x1], $0xffff;
	v10 =	vmul.f32 v47, v9  }
0x189: {  	v32 =	vld [tilespmem:$0x1FFC0];
	v1 =	vadd.f32 v1, v4;
	v4 =	vadd.f32 v8, v7;
	v7 =	vmul.f32 v35, v14  }
0x18a: {  	v42 =	vld.idx.msk [tilespmem:v22+s30+$0x1D0 ss:$0x1], $0xffff  }
0x18b: {  	v39 =	vld.idx.msk [tilespmem:v22+s30+$0x1E0 ss:$0x1], $0xffff;
	v1 =	vadd.f32 v10, v1;
	v7 =	vadd.f32 v7, v4;
	v10 =	vmul.f32 v19, v16  }
0x18c: {  	v37 =	vld.idx.msk [tilespmem:v22+s30+$0x1F0 ss:$0x1], $0xffff;
	v11 =	vperm.xlane v0, v30  }
0x18d: {  	v52 =	vld.idx.msk [tilespmem:v22+s30+$0x270 ss:$0x1], $0xffff;
	[tilespmem:$0x1FCE0] =	vst v13;
	v13 =	vmul.f32 v46, v21;
	v7 =	vadd.f32 v10, v7  }
0x18e: {  	v33 =	vld.idx.msk [tilespmem:v22+s30+$0x280 ss:$0x1], $0xffff;
	v0 =	vadd.f32 v11, v0  }
0x18f: {  	v8 =	vmul.f32 v42, v5;
	v7 =	vadd.f32 v13, v7;
	v13 =	vld [tilespmem:$0x1FFF0]  }
0x190: {  	v43 =	vld.idx.msk [tilespmem:v22+s30+$0x290 ss:$0x1], $0xffff;
	v11 =	vperm.xlane v0, v32  }
0x191: {  	[tilespmem:$0x1FCD0] =	vst v3;
	v3 =	vld.idx.msk [tilespmem:v22+s30+$0x310 ss:$0x1], $0xffff;
	v1 =	vadd.f32 v8, v1;
	v8 =	vmul.f32 v39, v28  }
0x192: {  	v4 =	vld.idx.msk [tilespmem:v22+s30+$0x300 ss:$0x1], $0xffff;
	v0 =	vadd.f32 v11, v0  }
0x193: {  	v55 =	vmul.f32 v37, v6;
	v10 =	vld [tilespmem:$0x1FFD0];
	v1 =	vadd.f32 v8, v1  }
0x194: {  	v40 =	vld.idx.msk [tilespmem:v22+s30+$0x2A0 ss:$0x1], $0xffff;
	[tilespmem:$0x1FCF0] =	vst v15;
	v11 =	vperm.xlane v0, v13  }
0x195: {  	v34 =	vld.idx.msk [tilespmem:v22+s30+$0x320 ss:$0x1], $0xffff;
	[tilespmem:$0x1FD10] =	vst v19;
	v8 =	vmul.f32 v52, v24;
	v1 =	vadd.f32 v55, v1  }
0x196: {  	v38 =	vld.idx.msk [tilespmem:v22+s30+$0x2B0 ss:$0x1], $0xffff;
	[tilespmem:$0x1FD30] =	vst v33;
	v19 =	vmul.f32 v33, v25;
	v0 =	vadd.f32 v11, v0  }
0x197: {  	v33 =	vld.idx.msk [tilespmem:v22+s30+$0x330 ss:$0x1], $0xffff;
	v15 =	vmul.f32 v4, v17;
	v7 =	vadd.f32 v8, v7;
	v11 =	vperm.xlane v1, v30  }
0x198: {  	v36 =	vld.idx.msk [tilespmem:v22+s30+$0x2C0 ss:$0x1], $0xffff;
	v8 =	vmul.f32 v3, v2;
	v17 =	vperm.xlane v0, v10  }
0x199: {  	[tilespmem:$0x1FCB0] =	vst v18;
	v41 =	vmul.f32 v43, v29;
	v7 =	vadd.f32 v19, v7;
	v11 =	vadd.f32 v11, v1  }
0x19a: {  	v55 =	vld.idx.msk [tilespmem:v22+s30+$0x340 ss:$0x1], $0xffff;
	v8 =	vadd.f32 v8, v15;
	v15 =	vmul.f32 v34, v20;
	v0 =	vadd.f32 v17, v0  }
0x19b: {  	[tilespmem:$0x1FD00] =	vst v35;
	v19 =	vmul.f32 v40, v26;
	v17 =	vadd.f32 v41, v7;
	v20 =	vperm.xlane v11, v32  }
0x19c: {  	[tilespmem:$0x1FD20] =	vst v46;
	v46 =	vld.idx.msk [tilespmem:v22+s30+$0x350 ss:$0x1], $0xffff;
	v8 =	vadd.f32 v15, v8;
	v15 =	vmul.f32 v33, v12;
	v0 =	vmul.f32 $1.442695020e+00, v0  }
0x19d: {  	v18 =	vld.idx.msk [tilespmem:v22+s30+$0x370 ss:$0x1], $0xffff;
	v17 =	vadd.f32 v19, v17;
	v19 =	vmul.f32 v38, v27;
	v20 =	vadd.f32 v20, v11  }
0x19e: {  	[tilespmem:$0x1FD60] =	vst v34;
	v15 =	vadd.f32 v15, v8;
	v41 =	vld.idx.msk [tilespmem:v22+s30+$0x360 ss:$0x1], $0xffff;
	(erf) = vpow2.f32 v0  }
0x19f: {  	[tilespmem:$0x1FD50] =	vst v3;
	v1 =	vmul.f32 v55, v14;
	v2 =	vadd.f32 v19, v17;
	v19 =	vperm.xlane v20, v13  }
0x1a0: {  	v35 =	vld.idx.msk [tilespmem:v22+s30+$0x2D0 ss:$0x1], $0xffff;
	[tilespmem:$0x1FD40] =	vst v4  }
0x1a1: {  	v34 =	vld.idx.msk [tilespmem:v22+s30+$0x2E0 ss:$0x1], $0xffff;
	v3 =	vadd.f32 v1, v15;
	v0 =	vmul.f32 v46, v16;
	v20 =	vadd.f32 v19, v20  }
0x1a2: {  	[tilespmem:$0x1FD70] =	vst v33;
	v16 =	vld [tilespmem:$0x1FC00]  }
0x1a3: {  	v33 =	vld.idx.msk [tilespmem:v22+s30+$0x2F0 ss:$0x1], $0xffff;
	v4 =	vadd.f32 v0, v3;
	v3 =	vmul.f32 v41, v21;
	v0 =	vperm.xlane v20, v10  }
0x1a4: {  	v8 =	vld.idx.msk [tilespmem:v22+s30+$0x3D0 ss:$0x1], $0xffff;
	v17 =	vmul.f32 v36, v9  }
0x1a5: {  	v14 =	vld.idx.msk [tilespmem:v22+s30+$0x3F0 ss:$0x1], $0xffff;
	v3 =	vadd.f32 v3, v4;
	v4 =	vmul.f32 v18, v24  }
0x1a6: {  	v15 =	vld.idx.msk [tilespmem:v22+s30+$0x3B0 ss:$0x1], $0xffff;
	v1 =	vmul.f32 v35, v5;
	v2 =	vadd.f32 v17, v2  }
0x1a7: {  	v17 =	vld.idx.msk [tilespmem:v22+s30+$0x3A0 ss:$0x1], $0xffff;
	v24 =	vadd.f32 v0, v20;
	v3 =	vadd.f32 v4, v3;
	v4 =	vmul.f32 v16, v25;
	v0 =	vpop (erf)  }
0x1a8: {  	v11 =	vld.idx.msk [tilespmem:v22+s30+$0x3C0 ss:$0x1], $0xffff;
	v1 =	vadd.f32 v1, v2;
	v2 =	vmul.f32 v34, v28;
	v63 =	vmul.f32 v0, v63  }
0x1a9: {  	v19 =	vld.idx.msk [tilespmem:v22+s30+$0x390 ss:$0x1], $0xffff;
	v3 =	vadd.f32 v4, v3;
	v4 =	vmul.f32 v0, v48;
	v48 =	vmul.f32 v0, v53  }
0x1aa: {  	v1 =	vadd.f32 v2, v1;
	v20 =	vld.idx.msk [tilespmem:v22+s30+$0x3E0 ss:$0x1], $0xffff;
	[tilespmem:v23+s30+$0x0 ss:$0x1] =	vst.idx.msk $0xffff, v63  }
0x1ab: {  	v2 =	vmul.f32 v33, v6;
	v58 =	vmul.f32 v0, v58;
	[tilespmem:v23+s30+$0x10 ss:$0x1] =	vst.idx.msk $0xffff, v48  }
0x1ac: {  	v12 =	vmul.f32 v17, v26;
	v26 =	vmul.f32 v0, v59;
	[tilespmem:v23+s30+$0x20 ss:$0x1] =	vst.idx.msk $0xffff, v4  }
0x1ad: {  	v1 =	vadd.f32 v2, v1;
	v2 =	vmul.f32 v0, v45;
	[tilespmem:v23+s30+$0x30 ss:$0x1] =	vst.idx.msk $0xffff, v58  }
0x1ae: {  	[tilespmem:v23+s30+$0x40 ss:$0x1] =	vst.idx.msk $0xffff, v26  }
0x1af: {  	[tilespmem:v23+s30+$0x50 ss:$0x1] =	vst.idx.msk $0xffff, v2;
	v2 =	vld [tilespmem:$0x1FC10]  }
0x1b0: {  	v7 =	vmul.f32 v8, v5;
	v25 =	vmul.f32 v19, v29  }
0x1b1: {  	v53 =	vmul.f32 v0, v61;
	v29 =	vperm.xlane v1, v30  }
0x1b2: {  	v5 =	vmul.f32 $1.442695020e+00, v24;
	v4 =	vmul.f32 v0, v50  }
0x1b3: {  	v24 =	vmul.f32 v0, v31;
	v1 =	vadd.f32 v29, v1;
	[tilespmem:v23+s30+$0x60 ss:$0x1] =	vst.idx.msk $0xffff, v53  }
0x1b4: {  	(erf) = vpow2.f32 v5;
	[tilespmem:v23+s30+$0x70 ss:$0x1] =	vst.idx.msk $0xffff, v4;
	v2 =	vmul.f32 v0, v2  }
0x1b5: {  	v5 =	vperm.xlane v1, v32;
	v53 =	vmul.f32 v0, v51;
	[tilespmem:v23+s30+$0x80 ss:$0x1] =	vst.idx.msk $0xffff, v24  }
0x1b6: {  	v4 =	vmul.f32 v0, v54;
	[tilespmem:v23+s30+$0x90 ss:$0x1] =	vst.idx.msk $0xffff, v2  }
0x1b7: {  	v1 =	vadd.f32 v5, v1;
	v5 =	vmul.f32 v0, v56;
	[tilespmem:v23+s30+$0xA0 ss:$0x1] =	vst.idx.msk $0xffff, v53  }
0x1b8: {  	v57 =	vmul.f32 v0, v57;
	[tilespmem:v23+s30+$0xB0 ss:$0x1] =	vst.idx.msk $0xffff, v4  }
0x1b9: {  	v4 =	vmul.f32 v0, v62;
	[tilespmem:v23+s30+$0xC0 ss:$0x1] =	vst.idx.msk $0xffff, v5  }
0x1ba: {  	[tilespmem:v23+s30+$0xD0 ss:$0x1] =	vst.idx.msk $0xffff, v57  }
0x1bb: {  	v3 =	vadd.f32 v25, v3;
	[tilespmem:v23+s30+$0xE0 ss:$0x1] =	vst.idx.msk $0xffff, v4;
	v4 =	vld [tilespmem:$0x1FC20]  }
0x1bc: {  	v2 =	vperm.xlane v1, v13  }
0x1bd: {  	v45 =	vmul.f32 v15, v27;
	v3 =	vadd.f32 v12, v3  }
0x1be: {  	v1 =	vadd.f32 v2, v1;
	v2 =	vmul.f32 v0, v44  }
0x1bf: {  	v9 =	vmul.f32 v11, v9;
	v3 =	vadd.f32 v45, v3;
	v5 =	vpop (erf)  }
0x1c0: {  	s31 =	sadd.s32 $0x40, s31;
	[tilespmem:v23+s30+$0xF0 ss:$0x1] =	vst.idx.msk $0xffff, v2;
	v4 =	vmul.f32 v5, v4  }
0x1c1: {  	v3 =	vadd.f32 v9, v3;
	[tilespmem:s31+$0xFFFFFFE0] =	vst v0;
	v0 =	vld [tilespmem:$0x1FC50]  }
0x1c2: {  	[tilespmem:v23+s30+$0x100 ss:$0x1] =	vst.idx.msk $0xffff, v4;
	v4 =	vld [tilespmem:$0x1FC60]  }
0x1c3: {  	v48 =	vmul.f32 v14, v6;
	v6 =	vmul.f32 v20, v28;
	v3 =	vadd.f32 v7, v3;
	v2 =	vld [tilespmem:$0x1FC30];
	_ =	sdelay $0x1  }
0x1c4: {  	v3 =	vadd.f32 v6, v3  }
0x1c5: {  	v0 =	vmul.f32 v5, v0  }
0x1c6: {  	v7 =	vld [tilespmem:$0x1FC40];
	v3 =	vadd.f32 v48, v3;
	v4 =	vmul.f32 v5, v4  }
0x1c7: {  	v6 =	vperm.xlane v1, v10;
	v2 =	vmul.f32 v5, v2;
	[tilespmem:v23+s30+$0x110 ss:$0x1] =	vst.idx.msk $0xffff, v0;
	v0 =	vld [tilespmem:$0x1FC70]  }
0x1c8: {  	[tilespmem:v23+s30+$0x120 ss:$0x1] =	vst.idx.msk $0xffff, v4;
	v4 =	vld [tilespmem:$0x1FC80]  }
0x1c9: {  	v1 =	vadd.f32 v6, v1;
	v6 =	vperm.xlane v3, v30;
	[tilespmem:v23+s30+$0x130 ss:$0x1] =	vst.idx.msk $0xffff, v2;
	v2 =	vld [tilespmem:$0x1FC90]  }
0x1ca: {  	v9 =	vld [tilespmem:$0x1FCA0]  }
0x1cb: {  	v7 =	vmul.f32 v5, v7;
	v3 =	vadd.f32 v6, v3;
	v6 =	vld [tilespmem:$0x1FCB0]  }
0x1cc: {  	v0 =	vmul.f32 v5, v0  }
0x1cd: {  	v1 =	vmul.f32 $1.442695020e+00, v1;
	[tilespmem:v23+s30+$0x140 ss:$0x1] =	vst.idx.msk $0xffff, v7;
	v4 =	vmul.f32 v5, v4  }
0x1ce: {  	v7 =	vperm.xlane v3, v32;
	[tilespmem:v23+s30+$0x150 ss:$0x1] =	vst.idx.msk $0xffff, v0;
	v2 =	vmul.f32 v5, v2  }
0x1cf: {  	v59 =	vmul.f32 v5, v9;
	(erf) = vpow2.f32 v1;
	[tilespmem:v23+s30+$0x160 ss:$0x1] =	vst.idx.msk $0xffff, v4  }
0x1d0: {  	v6 =	vmul.f32 v5, v6;
	v3 =	vadd.f32 v7, v3;
	[tilespmem:v23+s30+$0x170 ss:$0x1] =	vst.idx.msk $0xffff, v2  }
0x1d1: {  	[tilespmem:v23+s30+$0x180 ss:$0x1] =	vst.idx.msk $0xffff, v59  }
0x1d2: {  	v0 =	vmul.f32 v5, v49;
	[tilespmem:v23+s30+$0x190 ss:$0x1] =	vst.idx.msk $0xffff, v6;
	v6 =	vperm.xlane v3, v13  }
0x1d3: {  	v1 =	vmul.f32 v5, v60  }
0x1d4: {  	v4 =	vmul.f32 v5, v47;
	[tilespmem:v23+s30+$0x1A0 ss:$0x1] =	vst.idx.msk $0xffff, v0;
	v0 =	vadd.f32 v6, v3;
	v3 =	vld [tilespmem:$0x1FCC0]  }
0x1d5: {  	v2 =	vmul.f32 v5, v42;
	[tilespmem:v23+s30+$0x1B0 ss:$0x1] =	vst.idx.msk $0xffff, v1  }
0x1d6: {  	v60 =	vmul.f32 v5, v39;
	[tilespmem:v23+s30+$0x1C0 ss:$0x1] =	vst.idx.msk $0xffff, v4  }
0x1d7: {  	v7 =	vmul.f32 v5, v37;
	v4 =	vld [tilespmem:$0x1FCD0];
	[tilespmem:v23+s30+$0x1D0 ss:$0x1] =	vst.idx.msk $0xffff, v2;
	v2 =	vperm.xlane v0, v10  }
0x1d8: {  	v1 =	vpop (erf);
	v6 =	vld [tilespmem:$0x1FCE0];
	[tilespmem:v23+s30+$0x1E0 ss:$0x1] =	vst.idx.msk $0xffff, v60  }
0x1d9: {  	[tilespmem:v23+s30+$0x1F0 ss:$0x1] =	vst.idx.msk $0xffff, v7;
	v0 =	vadd.f32 v2, v0;
	v2 =	vld [tilespmem:$0x1FCF0];
	v3 =	vmul.f32 v1, v3  }
0x1da: {  	[tilespmem:s31+$0xFFFFFFF0] =	vst v5;
	v5 =	vld [tilespmem:$0x1FD00]  }
0x1db: {  	[tilespmem:v23+s30+$0x200 ss:$0x1] =	vst.idx.msk $0xffff, v3;
	v3 =	vld [tilespmem:$0x1FD10]  }
0x1dc: {  	v7 =	vld [tilespmem:$0x1FD20];
	v4 =	vmul.f32 v1, v4;
	v0 =	vmul.f32 $1.442695020e+00, v0  }
0x1dd: {  	v6 =	vmul.f32 v1, v6  }
0x1de: {  	[tilespmem:v23+s30+$0x210 ss:$0x1] =	vst.idx.msk $0xffff, v4;
	(erf) = vpow2.f32 v0;
	v0 =	vld [tilespmem:$0x1FD30];
	v2 =	vmul.f32 v1, v2  }
0x1df: {  	[tilespmem:v23+s30+$0x220 ss:$0x1] =	vst.idx.msk $0xffff, v6;
	v5 =	vmul.f32 v1, v5  }
0x1e0: {  	[tilespmem:v23+s30+$0x230 ss:$0x1] =	vst.idx.msk $0xffff, v2;
	v3 =	vmul.f32 v1, v3  }
0x1e1: {  	v7 =	vmul.f32 v1, v7;
	[tilespmem:v23+s30+$0x240 ss:$0x1] =	vst.idx.msk $0xffff, v5  }
0x1e2: {  	v4 =	vmul.f32 v1, v52;
	[tilespmem:v23+s30+$0x250 ss:$0x1] =	vst.idx.msk $0xffff, v3  }
0x1e3: {  	v0 =	vmul.f32 v1, v0;
	[tilespmem:v23+s30+$0x260 ss:$0x1] =	vst.idx.msk $0xffff, v7  }
0x1e4: {  	v6 =	vmul.f32 v1, v43;
	[tilespmem:v23+s30+$0x270 ss:$0x1] =	vst.idx.msk $0xffff, v4  }
0x1e5: {  	v10 =	vmul.f32 v1, v40;
	[tilespmem:v23+s30+$0x280 ss:$0x1] =	vst.idx.msk $0xffff, v0  }
0x1e6: {  	v2 =	vmul.f32 v1, v38;
	[tilespmem:v23+s30+$0x290 ss:$0x1] =	vst.idx.msk $0xffff, v6  }
0x1e7: {  	v61 =	vmul.f32 v1, v36;
	[tilespmem:v23+s30+$0x2A0 ss:$0x1] =	vst.idx.msk $0xffff, v10  }
0x1e8: {  	v5 =	vmul.f32 v1, v35;
	[tilespmem:v23+s30+$0x2B0 ss:$0x1] =	vst.idx.msk $0xffff, v2  }
0x1e9: {  	v3 =	vmul.f32 v1, v34;
	[tilespmem:v23+s30+$0x2C0 ss:$0x1] =	vst.idx.msk $0xffff, v61  }
0x1ea: {  	v2 =	vld [tilespmem:$0x1FD40];
	[tilespmem:v23+s30+$0x2D0 ss:$0x1] =	vst.idx.msk $0xffff, v5  }
0x1eb: {  	[tilespmem:v23+s30+$0x2E0 ss:$0x1] =	vst.idx.msk $0xffff, v3;
	v3 =	vld [tilespmem:$0x1FD50]  }
0x1ec: {  	v4 =	vld [tilespmem:$0x1FD60]  }
0x1ed: {  	v9 =	vmul.f32 v1, v33;
	v5 =	vld [tilespmem:$0x1FD70]  }
0x1ee: {  	v0 =	vpop (erf)  }
0x1ef: {  	[tilespmem:v23+s30+$0x2F0 ss:$0x1] =	vst.idx.msk $0xffff, v9;
	v2 =	vmul.f32 v0, v2  }
0x1f0: {  	[tilespmem:s31+$0x0] =	vst v1;
	v3 =	vmul.f32 v0, v3  }
0x1f1: {  	v4 =	vmul.f32 v0, v4;
	[tilespmem:v23+s30+$0x300 ss:$0x1] =	vst.idx.msk $0xffff, v2  }
0x1f2: {  	v5 =	vmul.f32 v0, v5;
	[tilespmem:v23+s30+$0x310 ss:$0x1] =	vst.idx.msk $0xffff, v3  }
0x1f3: {  	p2 =	sne.s32 s5, $0x13000;
	v7 =	vmul.f32 v0, v55;
	v62 =	vmul.f32 v0, v41;
	[tilespmem:v23+s30+$0x320 ss:$0x1] =	vst.idx.msk $0xffff, v4  }
.Ltmp6:
0x1f4: {  	v63 =	vmul.f32 v0, v18;
	v10 =	vmul.f32 v0, v46;
	[tilespmem:v23+s30+$0x330 ss:$0x1] =	vst.idx.msk $0xffff, v5;
	(pc) =	sbr.rel @p2 .LBB2_6-.Ltmp6, $4  }
0x1f5: {  	v6 =	vmul.f32 v0, v11;
	v9 =	vmul.f32 v0, v16;
	[tilespmem:v23+s30+$0x340 ss:$0x1] =	vst.idx.msk $0xffff, v7  }
0x1f6: {  	v1 =	vmul.f32 v0, v19;
	v2 =	vmul.f32 v0, v14;
	[tilespmem:v23+s30+$0x350 ss:$0x1] =	vst.idx.msk $0xffff, v10  }
0x1f7: {  	v3 =	vmul.f32 v0, v15;
	v4 =	vmul.f32 v0, v17;
	[tilespmem:v23+s30+$0x360 ss:$0x1] =	vst.idx.msk $0xffff, v62  }
0x1f8: {  	s5 =	sadd.s32 $0x1000, s5;
	s0 =	smov.u32 s31;
	v5 =	vmul.f32 v0, v8;
	v7 =	vmul.f32 v0, v20;
	[tilespmem:v23+s30+$0x370 ss:$0x1] =	vst.idx.msk $0xffff, v63  }
0x1f9: {  	_ =	sdelay $0x3  }
0x1fa: {  	[tilespmem:v23+s30+$0x380 ss:$0x1] =	vst.idx.msk $0xffff, v9  }
0x1fb: {  	[tilespmem:v23+s30+$0x390 ss:$0x1] =	vst.idx.msk $0xffff, v1  }
0x1fc: {  	[tilespmem:v23+s30+$0x3A0 ss:$0x1] =	vst.idx.msk $0xffff, v4  }
0x1fd: {  	[tilespmem:v23+s30+$0x3B0 ss:$0x1] =	vst.idx.msk $0xffff, v3  }
0x1fe: {  	v3 =	vld [tilespmem:$0x1FFB0];
	[tilespmem:v23+s30+$0x3C0 ss:$0x1] =	vst.idx.msk $0xffff, v6  }
0x1ff: {  	s2 =	sand.u32 $0x3, s28;
	[tilespmem:v23+s30+$0x3D0 ss:$0x1] =	vst.idx.msk $0xffff, v5  }
0x200: {  	s2 =	smul.u32 $0x140, s2;
	[tilespmem:v23+s30+$0x3E0 ss:$0x1] =	vst.idx.msk $0xffff, v7  }
0x201: {  	[tilespmem:v23+s30+$0x3F0 ss:$0x1] =	vst.idx.msk $0xffff, v2  }
0x202: {  	s30 =	sshrl.u32 s2, $0x2;
	[tilespmem:s0+$0x10] =	vst v0  }
0x203: {  	v0 =	vld [tilespmem:s30+$0x100];
	_ =	sdelay $0x2  }
0x204: {  	v1 =	vld.idx.msk [tilespmem:v3+s22+$0x0], $0xffff;
	_ =	sdelay $0x3  }
0x205: {  	v2 =	vor.u32 $0x100, v3  }
0x206: {  	[tilespmem:v0+s23+$0x0] =	vst.idx.add.f32.msk $0xffff, v1  }
0x207: {  	v0 =	vld [tilespmem:s30+$0x110];
	_ =	sdelay $0x2  }
0x208: {  	v1 =	vld.idx.msk [tilespmem:v2+s22+$0x0], $0xffff;
	_ =	sdelay $0x3  }
0x209: {  	v26 =	vld [tilespmem:$0x1FFC0];
	v2 =	vor.u32 $0x200, v3  }
0x20a: {  	[tilespmem:v0+s23+$0x0] =	vst.idx.add.f32.msk $0xffff, v1  }
0x20b: {  	v0 =	vld [tilespmem:s30+$0x120]  }
0x20c: {  	v54 =	vld [tilespmem:$0x1FFD0]  }
0x20d: {  	v55 =	vld [tilespmem:$0x1FF60]  }
0x20e: {  	v1 =	vld.idx.msk [tilespmem:v2+s22+$0x0], $0xffff  }
0x20f: {  	v58 =	vld [tilespmem:$0x1FF50]  }
0x210: {  	v59 =	vld [tilespmem:$0x1FF70]  }
0x211: {  	v61 =	vld [tilespmem:$0x1FF80]  }
0x212: {  	v62 =	vld [tilespmem:$0x1FFA0];
	v2 =	vor.u32 $0x300, v3  }
0x213: {  	[tilespmem:v0+s23+$0x0] =	vst.idx.add.f32.msk $0xffff, v1  }
0x214: {  	v0 =	vld [tilespmem:s30+$0x130]  }
0x215: {  	v63 =	vld [tilespmem:$0x1FF90]  }
0x216: {  	v9 =	vld [tilespmem:$0x1FEC0]  }
0x217: {  	v1 =	vld.idx.msk [tilespmem:v2+s22+$0x0], $0xffff  }
0x218: {  	v24 =	vld [tilespmem:$0x1FF40]  }
0x219: {  	v17 =	vld [tilespmem:$0x1FEF0]  }
0x21a: {  	v18 =	vld [tilespmem:$0x1FED0]  }
0x21b: {  	v13 =	vld [tilespmem:$0x1FF00];
	v2 =	vor.u32 $0x400, v3  }
0x21c: {  	[tilespmem:v0+s23+$0x0] =	vst.idx.add.f32.msk $0xffff, v1  }
0x21d: {  	v0 =	vld [tilespmem:s30+$0x140]  }
0x21e: {  	v14 =	vld [tilespmem:$0x1FEE0]  }
0x21f: {  	v29 =	vld [tilespmem:$0x1FF10]  }
0x220: {  	v1 =	vld.idx.msk [tilespmem:v2+s22+$0x0], $0xffff  }
0x221: {  	s31 =	smul.u32 $0x14000, s29;
	v30 =	vld [tilespmem:$0x1FF20]  }
.Ltmp7:
0x222: {  	v6 =	vld [tilespmem:$0x1FFE0];
	(pc) =	sbr.rel .LBB2_8-.Ltmp7, $4  }
0x223: {  	v7 =	vld [tilespmem:$0x1FEB0]  }
0x224: {  	s2 =	sshrl.u32 s31, $0x2;
	v23 =	vld [tilespmem:$0x1FF30]  }
0x225: {  	s5 =	sadd.s32 $0x3, s29;
	s0 =	sor.u32 $0x100, s30;
	s2 =	sadd.s32 $0xA240, s2;
	[tilespmem:v0+s23+$0x0] =	vst.idx.add.f32.msk $0xffff, v1  }
0x226: {  	v5 =	vimm.f32 $0.0e+00;
	v3 =	vld [tilespmem:$0x1FFF0];
	[spmem:s3] =	stream.indirect.scatter.add.f32 [tilespmem:s2], [sflag:s5], $0x100, s0, s24, $0xb8  }
.LBB2_10:
0x227: {  	_ =	sfence.sel $0x180000  }
0x228: {  	[bflag:$0x0] =	sbarrier.arrive $0xFFFF  }
0x229: {  	_ =	strace $0x9000004A  }
0x22a: {  	s0 =	stileid.u32;
	[bflag:$0x2] =	sbarrier.arrive $0xFFFF  }
0x22b: {  	p0 =	sne.s32 s0, $0x0;
	s0 =	rddreg [dreg:$0x5]  }
0x22c: {  	s0 =	sadd.s32 @!p0 $0x100000, s0  }
0x22d: {  	[sflag:s0] =	ssyncadd.tile.s32 @!p0 $0x1;
	_ =	shalt  }
.Lfunc_end2:
_tile_overlayer_lowered:
.L_overlay_start_2:
0x22e: {  	(tag) =	ssettag $0x2  }
0x22f: {  	s0 =	rddreg [dreg:$0x0];
	s2 =	stileid.u32  }
0x230: {  	s1 =	rddreg [dreg:$0x1];
	p0 =	sne.s32 s2, $0x0  }
0x231: {  	s3 =	rddreg [dreg:$0x2];
	[bflag:$0x3] =	sbarrier.arrive $0xFFFF;
	s2 =	simm.s32 @!p0 $0x1C05  }
0x232: {  	[timem:s3], [sflag:s2] =	dma.local @!p0 [hbm:s0], s1  }
0x233: {  	s0 =	simm.s32 @!p0 $0x5  }
0x234: {  	_ =	swait.ge @!p0 [sflag:s0], s1  }
0x235: {  	s1 =	ssub.s32 @!p0 $0x0, s1;
	[sflag:s0] =	ssyncset.done @!p0 $0x0  }
0x236: {  	[sflag:s0] =	ssyncadd.s32 @!p0 s1  }
0x237: {  	[bflag:$0x3] =	sbarrier.arrive $0xFFFF  }
0x238: {  	_ =	shalt  }

// kernel: sparse-core-data-format-call.cloned.1.call-start
scs
called_computation_lowered:
.L_overlay_start_0:
0x0: {  	s2 =	sld [smem:$0x3FD9]  }
0x1: {  	s3 =	sld [smem:$0x3FFE];
	_ =	sdelay $0x1  }
0x2: {  	s1 =	srdreg.scid  }
0x3: {  	s0 =	sand.u32 $0x1, s1  }
0x4: {  	s18 =	sshll.u32 s0, $0xA;
	s2 =	sadd.s32 s3, s2  }
0x5: {  	s2 =	sadd.s32 s2, s18  }
0x6: {  	[smem:$0x3FC3] =	sst s2  }
0x7: {  	_ = 	snop  }
0x8: {  	s2 =	sld [smem:$0x3FC9];
	(tm) =	ssettm $0x1  }
0x9: {  	s19 =	sld [smem:$0x3FFB];
	_ =	sdelay $0x3  }
0xa: {  	_ =	strace s19  }
0xb: {  	s3 =	sld [smem:$0x3FFC];
	_ =	sdelay $0x3  }
0xc: {  	_ =	strace s3  }
0xd: {  	s3 =	sld [smem:$0x3FFD];
	_ =	sdelay $0x3  }
0xe: {  	_ =	strace s3  }
0xf: {  	_ =	strace $0x8FFFFFFF  }
0x10: {  	s20 =	sld [smem:$0x3FDB];
	_ =	sdelay $0x1  }
0x11: {  	s4 =	simm.s32 $_scs_section_size  }
0x12: {  	s5 =	simm.s32 $_size__tile_overlayer_lowered;
	s6 =	simm.s32 $_tile_overlayer_lowered  }
0x13: {  	s23 =	simm.s32 $0x1BFF;
	s22 =	sshll.u32 s6, $0x1;
	s3 =	sadd.s32 s4, s20  }
0x14: {  	s7 =	simm.s32 $0x0;
	s21 =	sshll.u32 s5, $0x1;
	s5 =	sadd.s32 s22, s3  }
0x15: {  	[timem:s7], [sflag:s23] =	dma.local [hbm:s5], s21  }
0x16: {  	_ =	swait.ge [sflag:s23], s21  }
0x17: {  	s4 =	ssub.s32 $0x0, s21;
	[sflag:s23] =	ssyncset.done $0x0  }
0x18: {  	[sflag:s23] =	ssyncadd.s32 s4;
	_ =	sdelay $0x1  }
0x19: {  	s24 =	simm.s32 $0x1B8B  }
0x1a: {  	_ =	swait.ge [sflag:s24], $0x1  }
0x1b: {  	[sflag:s24] =	ssyncset.done $0x0  }
0x1c: {  	s26 =	simm.s32 $0x1B8E;
	s25 =	sld [smem:$0x3FFE];
	[sflag:s24] =	ssyncadd.s32 $0xFFFFFFFF  }
0x1d: {  	s27 =	simm.s32 $execute0_lowered;
	[smem:$0x3FD2] =	sst s26  }
0x1e: {  	s5 =	sshll.u32 s27, $0x1;
	_ =	strace $0x80000046;
	[dreg:$0x1] =	wrdreg $0xFFFFFFFF  }
0x1f: {  	s28 =	simm.s32 $_size_execute0_lowered;
	s3 =	sadd.s32 s3, s5;
	[dreg:$0x0] =	wrdreg $0x0  }
0x20: {  	s5 =	sshll.u32 s28, $0x1;
	[dreg:$0x2] =	wrdreg s3  }
0x21: {  	[dreg:$0x3] =	wrdreg s5  }
0x22: {  	[dreg:$0x4] =	wrdreg $0xC0  }
0x23: {  	_ =	task [dreg:s7], $0x5FFFF  }
0x24: {  	[dreg:$0x1] =	wrdreg $0xFFFFFFFF  }
0x25: {  	[dreg:$0x0] =	wrdreg $0x60  }
0x26: {  	[dreg:$0x2] =	wrdreg s2  }
0x27: {  	[dreg:$0x3] =	wrdreg s25  }
0x28: {  	[dreg:$0x4] =	wrdreg $0x9  }
0x29: {  	_ =	task.clear_ibuf [dreg:s7], $0x5FFFF;
	_ =	strace $0x90000046  }
0x2a: {  	s29 =	simm.s32 $0x9;
	_ =	strace $0x80000048  }
0x2b: {  	_ =	swait.ge [sflag:s29], $0x1  }
0x2c: {  	[sflag:s29] =	ssyncadd.s32 $0xFFFFFFFF  }
0x2d: {  	_ =	strace $0x90000048  }
0x2e: {  	_ =	sfence  }
0x2f: {  	s30 =	sld [smem:$0x0];
	_ =	sdelay $0x2  }
0x30: {  	s31 =	sshll.u32 s1, $0xD;
	s1 =	sshrl.u32 s1, $0x2  }
0x31: {  	s3 =	sand.u32 $0x4000, s31;
	s1 =	sadd.s32 s1, s30  }
0x32: {  	s0 =	sor.u32 s3, s0;
	s1 =	sshll.u32 s1, $0x11  }
0x33: {  	s0 =	sor.u32 s1, s0  }
0x34: {  	s0 =	sadd.s32 $0x8F2B, s0  }
0x35: {  	[sflag:s0] =	ssyncadd.remote.s32 $0x1  }
0x36: {  	_ =	sfence.sel $0xFFFF  }
0x37: {  	[dreg:$0x0] =	wrdreg $0xFFFFFFFF;
	(pc) =	sbr.abs _section_cstart, $3  }
0x38: {  	[dreg:$0x1] =	wrdreg $0xFFFFFFFF  }
0x39: {  	_ =	task.clear_ibuf [dreg:s7], $0x2FFFF;
	_ =	strace $0x9FFFFFFF  }
0x3a: {  	(tm) =	ssettm $0x7FFFFFFF  }
0x3b: {  	_ =	shalt  }
tec
execute0_lowered:
.L_overlay_start_1:
0x0: {  	(tag) =	ssettag $0x1  }
0x1: {  	s0 =	srdreg.scid;
	s2 =	rddreg [dreg:$0x0]  }
0x2: {  	s5 =	rddreg [dreg:$0x1];
	s1 =	stileid.u32  }
0x3: {  	s4 =	simm.s32 $0x1;
	s6 =	simm.s32 $0x2;
	s0 =	sshll.u32 s0, $0x4  }
0x4: {  	s8 =	simm.s32 $0x0;
	s9 =	simm.s32 $0x0;
	s3 =	sand.u32 $0x10, s0  }
.Ltmp0:
0x5: {  	s13 =	simm.s32 $0x0;
	s3 =	sor.u32 s1, s3;
	(pc) =	sbr.rel .LBB1_1-.Ltmp0, $4  }
0x6: {  	s0 =	rddreg [dreg:$0x2];
	_ =	strace $0x80000047;
	s3 =	sshll.u32 s3, $0x3  }
0x7: {  	s10 =	simm.s32 $0x0;
	[sflag:s4] =	ssyncpa.u1 $0x0;
	s7 =	ssub.s32 $0x1868, s3  }
0x8: {  	s12 =	simm.s32 $0x0;
	[sflag:s6] =	ssyncpa.u1 $0x0;
	s6 =	sshrl.u32 s7, $0x8  }
0x9: {  	s5 =	sadd.s32 $0x1000, s5;
	s11 =	smov.u32 s3;
	s7 =	sadd.s32 $0x2, s6  }
.LBB1_9:
0xa: {  	s15 =	sshll.u32 s12, $0xE  }
0xb: {  	s16 =	sshll.u32 s10, $0x8;
	s15 =	sand.u32 $0x4000, s15  }
0xc: {  	s16 =	sadd.s32 s5, s16;
	s15 =	sor.u32 $0x8000, s15  }
0xd: {  	[hbm4b:s16+s8] =	stream.linear.scatter [tilespmem:s15], [sflag:$0x2], s14, $0x38;
	[tilespmem:$0x10000] =	vst v63  }
.LBB1_10:
0xe: {  	p0 =	slt.u32 s12, $0x2  }
0xf: {  	p1 =	sgt.s32 @!p0 s13, $0x1862  }
0x10: {  	s14 =	smov.u32 s13;
	s15 =	sshra.s32 @!p0 s13, $0x1F;
	p1 =	por !p1, p0  }
0x11: {  	s13 =	sand.u32 @!p0 s15, s13;
	s14 =	simm.s32 @p1 $0x1862  }
0x12: {  	s13 =	ssub.s32 @!p0 s14, s13  }
0x13: {  	s13 =	sadd.s32 @!p0 $0xFFFFE79E, s13  }
0x14: {  	s14 =	sshll.u32 @!p0 s13, $0xD  }
0x15: {  	p1 =	sgt.s32 @!p0 s13, $0x7;
	s13 =	ssub.s32 @!p0 $0x10000, s14  }
0x16: {  	s15 =	sadd.s32 $0x100, s11;
	p1 =	por !p1, p0;
	s13 =	sshrl.u32 @!p0 s13, $0x2  }
0x17: {  	s13 =	simm.s32 @!p1 $0x0;
	p1 =	sgt.s32 s15, $0x1869  }
0x18: {  	s15 =	smov.u32 @p1 s3;
	p1 =	sne.s32 s12, s7  }
.Ltmp1:
0x19: {  	_ = 	snop;
	(pc) =	sbr.rel @!p1 .LBB1_11-.Ltmp1, $4  }
0x1a: {  	s14 =	simm.s32 @!p0 $0x2  }
0x1b: {  	s9 =	sadd.s32 $0x4000, s9;
	_ =	swait.ge @!p0 [sflag:s14], s13;
	s16 =	ssub.s32 @!p0 $0x0, s13  }
0x1c: {  	s13 =	smov.u32 s10;
	s12 =	sadd.s32 $0x1, s12;
	[sflag:s14] =	ssyncset.done @!p0 $0x0  }
0x1d: {  	s10 =	smov.u32 s11;
	s11 =	smov.u32 s15;
	[sflag:s14] =	ssyncadd.s32 @!p0 s16  }
.LBB1_1:
0x1e: {  	p0 =	sgt.u32 s12, s6  }
0x1f: {  	p1 =	sgt.s32 @!p0 s11, $0x1862  }
0x20: {  	s14 =	smov.u32 s11;
	s15 =	sshra.s32 @!p0 s11, $0x1F;
	p1 =	por !p1, p0  }
0x21: {  	s15 =	sand.u32 @!p0 s15, s11;
	s14 =	simm.s32 @p1 $0x1862  }
0x22: {  	s14 =	ssub.s32 @!p0 s14, s15  }
0x23: {  	s14 =	sadd.s32 @!p0 $0xFFFFE79E, s14  }
0x24: {  	s17 =	simm.s32 @!p0 $0x0;
	s15 =	sxor.u32 @!p0 $0xFFFFFFFF, s12;
	s16 =	sshll.u32 @!p0 s14, $0xD  }
0x25: {  	s15 =	sshll.u32 @!p0 s15, $0xE;
	p1 =	sgt.s32 @!p0 s14, $0x7;
	s14 =	ssub.s32 @!p0 $0x10000, s16  }
0x26: {  	p1 =	por !p1, p0;
	s16 =	sshll.u32 @!p0 s11, $0x8;
	s14 =	sshrl.u32 @!p0 s14, $0x2  }
0x27: {  	s15 =	sand.u32 @!p0 $0x4000, s15;
	s16 =	sadd.s32 @!p0 s2, s16;
	s14 =	simm.s32 @!p1 $0x0  }
0x28: {  	[tilespmem:s15], [sflag:$0x1] =	stream.linear.gather @!p0 [hbm4b:s16+s17], s14, $0x38;
	[tilespmem:$0x10000] =	vst v63  }
0x29: {  	p0 =	seq.s32 s12, $0x0  }
0x2a: {  	p1 =	sge.u32 @!p0 s12, s7  }
0x2b: {  	p0 =	por p0, p1  }
.Ltmp2:
0x2c: {  	_ = 	snop;
	(pc) =	sbr.rel @p0 .LBB1_10-.Ltmp2, $1  }
0x2d: {  	_ =	sdelay $0x3  }
0x2e: {  	p0 =	sgt.s32 s10, $0x1862;
	s14 =	smov.u32 s10;
	s15 =	sshra.s32 s10, $0x1F  }
0x2f: {  	s14 =	simm.s32 @!p0 $0x1862;
	s15 =	sand.u32 s15, s10  }
0x30: {  	s14 =	ssub.s32 s14, s15  }
0x31: {  	s16 =	sadd.s32 $0x8, s10;
	s14 =	sadd.s32 $0xFFFFE79E, s14  }
0x32: {  	p1 =	slt.s32 s16, $0x186A;
	s30 =	sshll.u32 s14, $0xD  }
0x33: {  	s16 =	simm.s32 @!p1 $0x186A;
	s15 =	ssub.s32 $0x10000, s30  }
0x34: {  	p0 =	sgt.s32 s14, $0x7;
	s14 =	sshrl.u32 s15, $0x2;
	s15 =	ssub.s32 s16, s10  }
0x35: {  	s14 =	simm.s32 @p0 $0x0;
	p0 =	slt.s32 s15, $0x1  }
.Ltmp3:
0x36: {  	_ = 	snop;
	(pc) =	sbr.rel @p0 .LBB1_9-.Ltmp3, $4  }
0x37: {  	_ = 	snop  }
0x38: {  	_ =	swait.ge [sflag:s4], s14  }
0x39: {  	s31 =	ssub.s32 $0x0, s14;
	[sflag:s4] =	ssyncset.done $0x0  }
0x3a: {  	[sflag:s4] =	ssyncadd.s32 s31  }
0x3b: {  	s16 =	sshll.u32 s9, $0x2  }
0x3c: {  	s16 =	sand.u32 $0x10000, s16  }
0x3d: {  	s16 =	sshrl.u32 s16, $0x2  }
0x3e: {  	s18 =	simm.s32 $0x0;
	s19 =	simm.s32 $0x0;
	s17 =	sor.u32 $0x8000, s16  }
.LBB1_4:
0x3f: {  	s20 =	sshra.s32 s18, $0x2  }
0x40: {  	v0 =	vmov s20;
	_ =	sdelay $0x3  }
0x41: {  	p1 =	por $0x1, $0x1;
	s20 =	simm.s32 $0x0  }
.LBB1_5:
0x42: {  	_ = 	snop  }
0x43: {  	s21 =	sshll.u32 s20, $0xA  }
0x44: {  	s21 =	sand.u32 $0x3FFFFC00, s21  }
0x45: {  	s21 =	sadd.s32 s21, s16  }
0x46: {  	v5 =	vld.idx.msk [tilespmem:v0+s21+$0x70 ss:$0x1], $0xffff  }
0x47: {  	v6 =	vld.idx.msk [tilespmem:v0+s21+$0x10 ss:$0x1], $0xffff  }
0x48: {  	v7 =	vld.idx.msk [tilespmem:v0+s21+$0x20 ss:$0x1], $0xffff  }
0x49: {  	s31 =	sshll.u32 s20, $0x7;
	v1 =	vld.idx.msk [tilespmem:v0+s21+$0x30 ss:$0x1], $0xffff  }
0x4a: {  	s20 =	sand.u32 $0x3FFFFF80, s31;
	v2 =	vld.idx.msk [tilespmem:v0+s21+$0x40 ss:$0x1], $0xffff  }
0x4b: {  	s20 =	sadd.s32 s20, s17;
	v3 =	vld.idx.msk [tilespmem:v0+s21+$0x50 ss:$0x1], $0xffff  }
0x4c: {  	v4 =	vld.idx.msk [tilespmem:v0+s21+$0x60 ss:$0x1], $0xffff;
	[tilespmem:v0+s20+$0x70 ss:$0x1] =	vst.idx.msk $0xffff, v5  }
0x4d: {  	v5 =	vld.idx.msk [tilespmem:v0+s21+$0x0 ss:$0x1], $0xffff;
	[tilespmem:v0+s20+$0x10 ss:$0x1] =	vst.idx.msk $0xffff, v6;
	s21 =	sadd.s32 $0x80, s21  }
0x4e: {  	p0 =	por p1, p1;
	s22 =	simm.s32 $0x6;
	[tilespmem:v0+s20+$0x20 ss:$0x1] =	vst.idx.msk $0xffff, v7;
	v6 =	vld.idx.msk [tilespmem:v0+s21+$0x70 ss:$0x1], $0xffff  }
.LBB1_6:
0x4f: {  	p1 =	sne.s32 s22, $0x1;
	v7 =	vld.idx.msk [tilespmem:v0+s21+$0x10 ss:$0x1], $0xffff;
	[tilespmem:v0+s20+$0x30 ss:$0x1] =	vst.idx.msk $0xffff, v1  }
0x50: {  	v8 =	vld.idx.msk [tilespmem:v0+s21+$0x20 ss:$0x1], $0xffff;
	[tilespmem:v0+s20+$0x40 ss:$0x1] =	vst.idx.msk $0xffff, v2  }
0x51: {  	v1 =	vld.idx.msk [tilespmem:v0+s21+$0x30 ss:$0x1], $0xffff;
	[tilespmem:v0+s20+$0x50 ss:$0x1] =	vst.idx.msk $0xffff, v3  }
.Ltmp4:
0x52: {  	v2 =	vld.idx.msk [tilespmem:v0+s21+$0x40 ss:$0x1], $0xffff;
	[tilespmem:v0+s20+$0x60 ss:$0x1] =	vst.idx.msk $0xffff, v4;
	(pc) =	sbr.rel @p1 .LBB1_6-.Ltmp4, $4  }
0x53: {  	v3 =	vld.idx.msk [tilespmem:v0+s21+$0x50 ss:$0x1], $0xffff;
	[tilespmem:v0+s20+$0x0 ss:$0x1] =	vst.idx.msk $0xffff, v5;
	s20 =	sadd.s32 $0x100, s20  }
0x54: {  	v4 =	vld.idx.msk [tilespmem:v0+s21+$0x60 ss:$0x1], $0xffff;
	[tilespmem:v0+s20+$0x70 ss:$0x1] =	vst.idx.msk $0xffff, v6  }
0x55: {  	v5 =	vld.idx.msk [tilespmem:v0+s21+$0x0 ss:$0x1], $0xffff;
	[tilespmem:v0+s20+$0x10 ss:$0x1] =	vst.idx.msk $0xffff, v7;
	s21 =	sadd.s32 $0x80, s21  }
0x56: {  	s22 =	sadd.s32 $0xFFFFFFFF, s22;
	v6 =	vld.idx.msk [tilespmem:v0+s21+$0x70 ss:$0x1], $0xffff;
	[tilespmem:v0+s20+$0x20 ss:$0x1] =	vst.idx.msk $0xffff, v8  }
0x57: {  	_ =	sdelay $0x3  }
0x58: {  	[tilespmem:v0+s20+$0x30 ss:$0x1] =	vst.idx.msk $0xffff, v1  }
0x59: {  	v1 =	vld.idx.msk [tilespmem:v0+s21+$0x10 ss:$0x1], $0xffff;
	[tilespmem:v0+s20+$0x40 ss:$0x1] =	vst.idx.msk $0xffff, v2  }
0x5a: {  	v2 =	vld.idx.msk [tilespmem:v0+s21+$0x20 ss:$0x1], $0xffff;
	[tilespmem:v0+s20+$0x50 ss:$0x1] =	vst.idx.msk $0xffff, v3  }
0x5b: {  	v61 =	vld.idx.msk [tilespmem:v0+s21+$0x40 ss:$0x1], $0xffff;
	[tilespmem:v0+s20+$0x60 ss:$0x1] =	vst.idx.msk $0xffff, v4  }
0x5c: {  	s31 =	sadd.s32 $0x100, s20;
	v62 =	vld.idx.msk [tilespmem:v0+s21+$0x50 ss:$0x1], $0xffff;
	[tilespmem:v0+s20+$0x0 ss:$0x1] =	vst.idx.msk $0xffff, v5  }
0x5d: {  	v63 =	vld.idx.msk [tilespmem:v0+s21+$0x60 ss:$0x1], $0xffff;
	[tilespmem:v0+s31+$0x70 ss:$0x1] =	vst.idx.msk $0xffff, v6  }
0x5e: {  	v3 =	vld.idx.msk [tilespmem:v0+s21+$0x30 ss:$0x1], $0xffff;
	[tilespmem:v0+s31+$0x10 ss:$0x1] =	vst.idx.msk $0xffff, v1  }
0x5f: {  	v1 =	vld.idx.msk [tilespmem:v0+s21+$0x0 ss:$0x1], $0xffff;
	[tilespmem:v0+s31+$0x20 ss:$0x1] =	vst.idx.msk $0xffff, v2  }
.Ltmp5:
0x60: {  	[tilespmem:v0+s31+$0x40 ss:$0x1] =	vst.idx.msk $0xffff, v61;
	(pc) =	sbr.rel @p0 .LBB1_5-.Ltmp5, $4  }
0x61: {  	[tilespmem:v0+s31+$0x50 ss:$0x1] =	vst.idx.msk $0xffff, v62  }
0x62: {  	[tilespmem:v0+s31+$0x60 ss:$0x1] =	vst.idx.msk $0xffff, v63  }
0x63: {  	[tilespmem:v0+s31+$0x30 ss:$0x1] =	vst.idx.msk $0xffff, v3  }
0x64: {  	p1 =	por $0x0, $0x0;
	s20 =	simm.s32 $0x1;
	[tilespmem:v0+s31+$0x0 ss:$0x1] =	vst.idx.msk $0xffff, v1  }
0x65: {  	s19 =	sadd.s32 $0x1, s19  }
0x66: {  	p0 =	sne.s32 s19, s15  }
.Ltmp6:
0x67: {  	_ = 	snop;
	(pc) =	sbr.rel @p0 .LBB1_4-.Ltmp6, $4  }
.Ltmp7:
0x68: {  	_ = 	snop;
	(pc) =	sbr.rel @!p0 .LBB1_9-.Ltmp7, $4  }
0x69: {  	_ = 	snop  }
0x6a: {  	_ = 	snop  }
0x6b: {  	s18 =	sadd.s32 $0x2000, s18  }
0x6c: {  	_ = 	snop  }
.LBB1_11:
0x6d: {  	_ =	sfence.sel $0x180000  }
0x6e: {  	s2 =	simm.s32 $0x1;
	[bflag:$0x0] =	sbarrier.arrive $0xFFFF  }
0x6f: {  	s31 =	simm.s32 $0x2;
	[sflag:s2] =	ssyncpa.u1 $0x1  }
0x70: {  	[sflag:s31] =	ssyncpa.u1 $0x1  }
0x71: {  	p0 =	sne.s32 s1, $0x0;
	_ =	strace $0x90000047  }
0x72: {  	s0 =	sadd.s32 @!p0 $0x100000, s0;
	[bflag:$0x2] =	sbarrier.arrive $0xFFFF  }
0x73: {  	[sflag:s0] =	ssyncadd.tile.s32 @!p0 $0x1;
	_ =	shalt  }
.Lfunc_end1:
_tile_overlayer_lowered:
.L_overlay_start_2:
0x74: {  	(tag) =	ssettag $0x2  }
0x75: {  	s0 =	rddreg [dreg:$0x0];
	s2 =	stileid.u32  }
0x76: {  	s1 =	rddreg [dreg:$0x1];
	p0 =	sne.s32 s2, $0x0  }
0x77: {  	s3 =	rddreg [dreg:$0x2];
	[bflag:$0x3] =	sbarrier.arrive $0xFFFF;
	s2 =	simm.s32 @!p0 $0x1C01  }
0x78: {  	[timem:s3], [sflag:s2] =	dma.local @!p0 [hbm:s0], s1  }
0x79: {  	s0 =	simm.s32 @!p0 $0x1  }
0x7a: {  	_ =	swait.ge @!p0 [sflag:s0], s1  }
0x7b: {  	s1 =	ssub.s32 @!p0 $0x0, s1;
	[sflag:s0] =	ssyncset.done @!p0 $0x0  }
0x7c: {  	[sflag:s0] =	ssyncadd.s32 @!p0 s1  }
0x7d: {  	[bflag:$0x3] =	sbarrier.arrive $0xFFFF  }
0x7e: {  	_ =	shalt  }

</sc_bundles>
